<compile_context>
chip_gen: v7x
topology: tpu7x:2x2x1
jax: 0.10.2.dev20260603
libtpu: 0.0.44.dev20260713+nightly
codegen_flags: <defaults>
</compile_context>

<pallas_src>
import functools

import jax
import jax.numpy as jnp
from jax import lax
from jax.experimental import pallas as pl
from jax.experimental.pallas import tpu as pltpu
from jax.experimental.pallas import tpu_sc as plsc

NC = 2
NS = 16
NW = NC * NS
L = 16

D = 128
E = 320000
EPW = E // NW
C = 80
NCHUNKS = EPW // C
NSLOT = 4


@functools.lru_cache(maxsize=None)
def _build():
  mesh = plsc.VectorSubcoreMesh(core_axis_name="c", subcore_axis_name="s")

  @functools.partial(
      pl.kernel,
      mesh=mesh,
      compiler_params=pltpu.CompilerParams(needs_layout_passes=False),
      out_type=jax.ShapeDtypeStruct((E,), jnp.float32),
      scratch_types=[
          pltpu.VMEM((EPW,), jnp.int32),
          pltpu.VMEM((EPW,), jnp.int32),
          pltpu.VMEM((EPW,), jnp.float32),
          pltpu.VMEM((C, D), jnp.float32),
          pltpu.VMEM((C, D), jnp.float32),
          pltpu.VMEM((C, D), jnp.float32),
          pltpu.VMEM((C, D), jnp.float32),
          pltpu.VMEM((C, D), jnp.float32),
          pltpu.VMEM((C, D), jnp.float32),
          pltpu.VMEM((C, D), jnp.float32),
          pltpu.VMEM((C, D), jnp.float32),
          pltpu.SemaphoreType.DMA,
          pltpu.SemaphoreType.DMA,
          pltpu.SemaphoreType.DMA,
          pltpu.SemaphoreType.DMA,
      ],
  )
  def sc_kernel(z_hbm, a_hbm, b_hbm, out_hbm,
                aidx, bidx, o_v, u0, v0, u1, v1, u2, v2, u3, v3,
                sem0, sem1, sem2, sem3):
    wid = lax.axis_index("s") * NC + lax.axis_index("c")
    wbase = wid * EPW
    lane = lax.iota(jnp.int32, L)
    fifteen = jnp.full((L,), L - 1, jnp.int32)

    pltpu.sync_copy(a_hbm.at[pl.ds(wbase, EPW)], aidx)
    pltpu.sync_copy(b_hbm.at[pl.ds(wbase, EPW)], bidx)

    slots = ((u0, v0, sem0), (u1, v1, sem1), (u2, v2, sem2), (u3, v3, sem3))

    def issue(t, s):
      u_v, v_v, sem = slots[s]
      pltpu.make_async_copy(
          z_hbm.at[aidx.at[pl.ds(t * C, C)]], u_v, sem).start()
      pltpu.make_async_copy(
          z_hbm.at[bidx.at[pl.ds(t * C, C)]], v_v, sem).start()

    def wait(t, s):
      u_v, v_v, sem = slots[s]
      pltpu.make_async_copy(
          z_hbm.at[aidx.at[pl.ds(t * C, C)]], u_v, sem).wait()
      pltpu.make_async_copy(
          z_hbm.at[bidx.at[pl.ds(t * C, C)]], v_v, sem).wait()

    def compute(t, s):
      u_v, v_v, _ = slots[s]

      def group(g, carry2):

        def sub(sg, red):
          el0 = sg * 4
          for de in range(4):
            el = el0 + de
            e = g * L + el

            def dotpart(k):
              return (u_v[e, pl.ds(k * L, L)] * v_v[e, pl.ds(k * L, L)]
                      + u_v[e, pl.ds((k + 1) * L, L)]
                      * v_v[e, pl.ds((k + 1) * L, L)])

            t0 = dotpart(0) + dotpart(2)
            t1 = dotpart(4) + dotpart(6)
            acc = t0 + t1
            tot = jnp.take_along_axis(plsc.cumsum(acc), fifteen, axis=0)
            red = jnp.where(lane == el, tot, red)
          return red

        red = lax.fori_loop(0, 4, sub, jnp.zeros((L,), jnp.float32))
        o_v[pl.ds(t * C + g * L, L)] = red
        return carry2

      lax.fori_loop(0, C // L, group, 0)

    def step(t, b, issue_next):
      if issue_next:

        @pl.when(t + NSLOT - 1 < NCHUNKS)
        def _():
          issue(t + NSLOT - 1, (b + NSLOT - 1) % NSLOT)

      wait(t, b)
      compute(t, b)

    for p in range(NSLOT - 1):
      issue(p, p)

    def outer(g, carry):
      for b in range(NSLOT):
        step(g * NSLOT + b, b, True)
      return carry

    lax.fori_loop(0, NCHUNKS // NSLOT, outer, 0)
    for t in range(NCHUNKS - NCHUNKS % NSLOT, NCHUNKS):
      step(t, t % NSLOT, True)

    pltpu.sync_copy(o_v, out_hbm.at[pl.ds(wbase, EPW)])

  return sc_kernel


def kernel(z, edges):
  a = edges[:, 0]
  b = edges[:, 1]
  return _build()(z, a, b)

# --- scband reference (transcript-rebuilt; emitter-appended) ---
"""Pipeline reference for scband-dot-decoder-4183298146732 (READ-ONLY COPY).

The authoritative reference and input builder live on the scoring server;
editing this copy changes nothing except your own understanding.
"""

import jax, jax.numpy as jnp
import numpy as np


def setup_inputs(seed: int = 0) -> dict:
    key = jax.random.key(seed)
    k1, k2 = jax.random.split(key, 2)
    z = jax.random.normal(k1, (10000, 128), dtype=jnp.float32)
    edges = jax.random.randint(k2, (320000, 2), 0, 10000, dtype=jnp.int64 if jax.config.jax_enable_x64 else jnp.int32).astype(jnp.int32)
    return {"z": z, "edges": edges}


def reference(z, edges):
    # u = z[edges[:, 0]]; v = z[edges[:, 1]]; return (u * v).sum(dim=1)
    u = jnp.take(z, edges[:, 0], axis=0)
    v = jnp.take(z, edges[:, 1], axis=0)
    return jnp.sum(u * v, axis=1)

if __name__ == "__main__":
    import jax
    _d = setup_inputs()
    print(jax.jit(kernel)(*tuple(_d.values())))

</pallas_src>

<mosaic_0001>
#map = affine_map<(d0, d1) -> (0, 0)>
#map1 = affine_map<(d0, d1) -> (0)>
module attributes {stable_mosaic.version = 14 : i64} {
  func.func @sc_kernel(%arg0: i32, %arg1: i32, %arg2: memref<10000x128xf32, #tpu.memory_space<hbm>>, %arg3: memref<320000xi32, #tpu.memory_space<hbm>>, %arg4: memref<320000xi32, #tpu.memory_space<hbm>>, %arg5: memref<320000xf32, #tpu.memory_space<hbm>>, %arg6: memref<10000xi32, #tpu.memory_space<vmem>>, %arg7: memref<10000xi32, #tpu.memory_space<vmem>>, %arg8: memref<10000xf32, #tpu.memory_space<vmem>>, %arg9: memref<80x128xf32, #tpu.memory_space<vmem>>, %arg10: memref<80x128xf32, #tpu.memory_space<vmem>>, %arg11: memref<80x128xf32, #tpu.memory_space<vmem>>, %arg12: memref<80x128xf32, #tpu.memory_space<vmem>>, %arg13: memref<80x128xf32, #tpu.memory_space<vmem>>, %arg14: memref<80x128xf32, #tpu.memory_space<vmem>>, %arg15: memref<80x128xf32, #tpu.memory_space<vmem>>, %arg16: memref<80x128xf32, #tpu.memory_space<vmem>>, %arg17: memref<!tpu.dma_semaphore, #tpu.memory_space<semaphore_mem>>, %arg18: memref<!tpu.dma_semaphore, #tpu.memory_space<semaphore_mem>>, %arg19: memref<!tpu.dma_semaphore, #tpu.memory_space<semaphore_mem>>, %arg20: memref<!tpu.dma_semaphore, #tpu.memory_space<semaphore_mem>>) attributes {dimension_semantics = [#tpu.dimension_semantics<core_parallel>, #tpu.dimension_semantics<subcore_parallel>], iteration_bounds = array<i64: 2, 16>, scalar_prefetch = 0 : i64, scratch_operands = 15 : i64, tpu.core_type = #tpu.core_type<sc_vector_subcore>, window_params = [{transform_indices = #map}, {transform_indices = #map1}, {transform_indices = #map1}, {transform_indices = #map1}]} {
    %mul3A = arith.constant 2 : i32
    %mul3A_0 = arith.muli %arg1, %mul3A : i32
    %add3A = arith.addi %mul3A_0, %arg0 : i32
    %mul3A_1 = arith.constant 10000 : i32
    %mul3A_2 = arith.muli %add3A, %mul3A_1 : i32
    %iota3A = tpu.iota {dimensions = array<i32: 0>} : vector<16xi32>
    %broadcast_in_dim3A = arith.constant 15 : i32
    %broadcast_in_dim3A_3 = vector.broadcast %broadcast_in_dim3A : i32 to vector<16xi32>
    "tpu.region"() ({
      %run_scoped3A = tpu.sem_alloc : memref<!tpu.dma_semaphore, #tpu.memory_space<semaphore_mem>>
      %dma_start3A_53 = tpu.memref_slice %arg3[%mul3A_2] : memref<320000xi32, #tpu.memory_space<hbm>> -> memref<10000xi32, #tpu.memory_space<hbm>>
      %dma_start3A_54 = tpu.memref_slice %arg3[%mul3A_2] : memref<320000xi32, #tpu.memory_space<hbm>> -> memref<10000xi32, #tpu.memory_space<hbm>>
      tpu.enqueue_dma source(%dma_start3A_54 : memref<10000xi32, #tpu.memory_space<hbm>>) target(%arg6 : memref<10000xi32, #tpu.memory_space<vmem>>) target_semaphore(%run_scoped3A : memref<!tpu.dma_semaphore, #tpu.memory_space<semaphore_mem>>)
      %dma_wait3A_55 = tpu.memref_slice %arg3[%mul3A_2] : memref<320000xi32, #tpu.memory_space<hbm>> -> memref<10000xi32, #tpu.memory_space<hbm>>
      %dma_wait3A_56 = tpu.memref_slice %arg3[%mul3A_2] : memref<320000xi32, #tpu.memory_space<hbm>> -> memref<10000xi32, #tpu.memory_space<hbm>>
      tpu.wait_dma2 semaphore(%run_scoped3A : memref<!tpu.dma_semaphore, #tpu.memory_space<semaphore_mem>>) src(%dma_wait3A_56 : memref<10000xi32, #tpu.memory_space<hbm>>) dst(%arg6 : memref<10000xi32, #tpu.memory_space<vmem>>)
      tpu.yield
    }) : () -> ()
    "tpu.region"() ({
      %run_scoped3A = tpu.sem_alloc : memref<!tpu.dma_semaphore, #tpu.memory_space<semaphore_mem>>
      %dma_start3A_53 = tpu.memref_slice %arg4[%mul3A_2] : memref<320000xi32, #tpu.memory_space<hbm>> -> memref<10000xi32, #tpu.memory_space<hbm>>
      %dma_start3A_54 = tpu.memref_slice %arg4[%mul3A_2] : memref<320000xi32, #tpu.memory_space<hbm>> -> memref<10000xi32, #tpu.memory_space<hbm>>
      tpu.enqueue_dma source(%dma_start3A_54 : memref<10000xi32, #tpu.memory_space<hbm>>) target(%arg7 : memref<10000xi32, #tpu.memory_space<vmem>>) target_semaphore(%run_scoped3A : memref<!tpu.dma_semaphore, #tpu.memory_space<semaphore_mem>>)
      %dma_wait3A_55 = tpu.memref_slice %arg4[%mul3A_2] : memref<320000xi32, #tpu.memory_space<hbm>> -> memref<10000xi32, #tpu.memory_space<hbm>>
      %dma_wait3A_56 = tpu.memref_slice %arg4[%mul3A_2] : memref<320000xi32, #tpu.memory_space<hbm>> -> memref<10000xi32, #tpu.memory_space<hbm>>
      tpu.wait_dma2 semaphore(%run_scoped3A : memref<!tpu.dma_semaphore, #tpu.memory_space<semaphore_mem>>) src(%dma_wait3A_56 : memref<10000xi32, #tpu.memory_space<hbm>>) dst(%arg7 : memref<10000xi32, #tpu.memory_space<vmem>>)
      tpu.yield
    }) : () -> ()
    %dma_start3A = arith.constant 0 : i32
    %dma_start3A_4 = tpu.memref_slice %arg6[%dma_start3A] : memref<10000xi32, #tpu.memory_space<vmem>> -> memref<80xi32, #tpu.memory_space<vmem>>
    %dma_start3A_5 = arith.constant 0 : i32
    %dma_start3A_6 = arith.constant 0 : i32
    %dma_start3A_7 = tpu.memref_slice %arg2[%dma_start3A_5, %dma_start3A_6] : memref<10000x128xf32, #tpu.memory_space<hbm>> -> memref<10000x128xf32, #tpu.memory_space<hbm>>
    tpu.enqueue_indirect_dma source(%dma_start3A_7 : memref<10000x128xf32, #tpu.memory_space<hbm>>) target(%arg9 : memref<80x128xf32, #tpu.memory_space<vmem>>) offsets(%dma_start3A_4 : memref<80xi32, #tpu.memory_space<vmem>>) semaphore(%arg17 : memref<!tpu.dma_semaphore, #tpu.memory_space<semaphore_mem>>)
    %dma_start3A_8 = arith.constant 0 : i32
    %dma_start3A_9 = tpu.memref_slice %arg7[%dma_start3A_8] : memref<10000xi32, #tpu.memory_space<vmem>> -> memref<80xi32, #tpu.memory_space<vmem>>
    %dma_start3A_10 = arith.constant 0 : i32
    %dma_start3A_11 = arith.constant 0 : i32
    %dma_start3A_12 = tpu.memref_slice %arg2[%dma_start3A_10, %dma_start3A_11] : memref<10000x128xf32, #tpu.memory_space<hbm>> -> memref<10000x128xf32, #tpu.memory_space<hbm>>
    tpu.enqueue_indirect_dma source(%dma_start3A_12 : memref<10000x128xf32, #tpu.memory_space<hbm>>) target(%arg10 : memref<80x128xf32, #tpu.memory_space<vmem>>) offsets(%dma_start3A_9 : memref<80xi32, #tpu.memory_space<vmem>>) semaphore(%arg17 : memref<!tpu.dma_semaphore, #tpu.memory_space<semaphore_mem>>)
    %dma_start3A_13 = arith.constant 80 : i32
    %dma_start3A_14 = tpu.memref_slice %arg6[%dma_start3A_13] : memref<10000xi32, #tpu.memory_space<vmem>> -> memref<80xi32, #tpu.memory_space<vmem>>
    %dma_start3A_15 = arith.constant 0 : i32
    %dma_start3A_16 = arith.constant 0 : i32
    %dma_start3A_17 = tpu.memref_slice %arg2[%dma_start3A_15, %dma_start3A_16] : memref<10000x128xf32, #tpu.memory_space<hbm>> -> memref<10000x128xf32, #tpu.memory_space<hbm>>
    tpu.enqueue_indirect_dma source(%dma_start3A_17 : memref<10000x128xf32, #tpu.memory_space<hbm>>) target(%arg11 : memref<80x128xf32, #tpu.memory_space<vmem>>) offsets(%dma_start3A_14 : memref<80xi32, #tpu.memory_space<vmem>>) semaphore(%arg18 : memref<!tpu.dma_semaphore, #tpu.memory_space<semaphore_mem>>)
    %dma_start3A_18 = arith.constant 80 : i32
    %dma_start3A_19 = tpu.memref_slice %arg7[%dma_start3A_18] : memref<10000xi32, #tpu.memory_space<vmem>> -> memref<80xi32, #tpu.memory_space<vmem>>
    %dma_start3A_20 = arith.constant 0 : i32
    %dma_start3A_21 = arith.constant 0 : i32
    %dma_start3A_22 = tpu.memref_slice %arg2[%dma_start3A_20, %dma_start3A_21] : memref<10000x128xf32, #tpu.memory_space<hbm>> -> memref<10000x128xf32, #tpu.memory_space<hbm>>
    tpu.enqueue_indirect_dma source(%dma_start3A_22 : memref<10000x128xf32, #tpu.memory_space<hbm>>) target(%arg12 : memref<80x128xf32, #tpu.memory_space<vmem>>) offsets(%dma_start3A_19 : memref<80xi32, #tpu.memory_space<vmem>>) semaphore(%arg18 : memref<!tpu.dma_semaphore, #tpu.memory_space<semaphore_mem>>)
    %dma_start3A_23 = arith.constant 160 : i32
    %dma_start3A_24 = tpu.memref_slice %arg6[%dma_start3A_23] : memref<10000xi32, #tpu.memory_space<vmem>> -> memref<80xi32, #tpu.memory_space<vmem>>
    %dma_start3A_25 = arith.constant 0 : i32
    %dma_start3A_26 = arith.constant 0 : i32
    %dma_start3A_27 = tpu.memref_slice %arg2[%dma_start3A_25, %dma_start3A_26] : memref<10000x128xf32, #tpu.memory_space<hbm>> -> memref<10000x128xf32, #tpu.memory_space<hbm>>
    tpu.enqueue_indirect_dma source(%dma_start3A_27 : memref<10000x128xf32, #tpu.memory_space<hbm>>) target(%arg13 : memref<80x128xf32, #tpu.memory_space<vmem>>) offsets(%dma_start3A_24 : memref<80xi32, #tpu.memory_space<vmem>>) semaphore(%arg19 : memref<!tpu.dma_semaphore, #tpu.memory_space<semaphore_mem>>)
    %dma_start3A_28 = arith.constant 160 : i32
    %dma_start3A_29 = tpu.memref_slice %arg7[%dma_start3A_28] : memref<10000xi32, #tpu.memory_space<vmem>> -> memref<80xi32, #tpu.memory_space<vmem>>
    %dma_start3A_30 = arith.constant 0 : i32
    %dma_start3A_31 = arith.constant 0 : i32
    %dma_start3A_32 = tpu.memref_slice %arg2[%dma_start3A_30, %dma_start3A_31] : memref<10000x128xf32, #tpu.memory_space<hbm>> -> memref<10000x128xf32, #tpu.memory_space<hbm>>
    tpu.enqueue_indirect_dma source(%dma_start3A_32 : memref<10000x128xf32, #tpu.memory_space<hbm>>) target(%arg14 : memref<80x128xf32, #tpu.memory_space<vmem>>) offsets(%dma_start3A_29 : memref<80xi32, #tpu.memory_space<vmem>>) semaphore(%arg19 : memref<!tpu.dma_semaphore, #tpu.memory_space<semaphore_mem>>)
    %scan3A = arith.constant 0 : i32
    %scan3A_33 = arith.constant 0 : i32
    %scan3A_34 = arith.constant 31 : i32
    %scan3A_35 = arith.addi %scan3A_33, %scan3A_34 : i32
    %scan3A_36 = arith.constant 1 : i32
    scf.for %scan3A_53 = %scan3A_33 to %scan3A_35 step %scan3A_36  : i32 {
      %mul3A_54 = arith.constant 4 : i32
      %mul3A_55 = arith.muli %scan3A_53, %mul3A_54 : i32
      %add3A_56 = arith.constant 0 : i32
      %add3A_57 = arith.addi %mul3A_55, %add3A_56 : i32
      %add3A_58 = arith.constant 4 : i32
      %add3A_59 = arith.addi %add3A_57, %add3A_58 : i32
      %sub3A = arith.constant 1 : i32
      %sub3A_60 = arith.subi %add3A_59, %sub3A : i32
      %lt3A = arith.constant 125 : i32
      %lt3A_61 = arith.cmpi slt, %sub3A_60, %lt3A : i32
      %convert_element_type3A = arith.extui %lt3A_61 : i1 to i32
      %cond3A = arith.constant 0 : i32
      %cond3A_62 = arith.cmpi ne, %convert_element_type3A, %cond3A : i32
      scf.if %cond3A_62 {
        %add3A_174 = arith.constant 4 : i32
        %add3A_175 = arith.addi %add3A_57, %add3A_174 : i32
        %sub3A_176 = arith.constant 1 : i32
        %sub3A_177 = arith.subi %add3A_175, %sub3A_176 : i32
        %mul3A_178 = arith.constant 80 : i32
        %mul3A_179 = arith.muli %sub3A_177, %mul3A_178 : i32
        %dma_start3A_180 = tpu.memref_slice %arg6[%mul3A_179] : memref<10000xi32, #tpu.memory_space<vmem>> -> memref<80xi32, #tpu.memory_space<vmem>>
        %dma_start3A_181 = arith.constant 0 : i32
        %dma_start3A_182 = arith.constant 0 : i32
        %dma_start3A_183 = tpu.memref_slice %arg2[%dma_start3A_181, %dma_start3A_182] : memref<10000x128xf32, #tpu.memory_space<hbm>> -> memref<10000x128xf32, #tpu.memory_space<hbm>>
        tpu.enqueue_indirect_dma source(%dma_start3A_183 : memref<10000x128xf32, #tpu.memory_space<hbm>>) target(%arg15 : memref<80x128xf32, #tpu.memory_space<vmem>>) offsets(%dma_start3A_180 : memref<80xi32, #tpu.memory_space<vmem>>) semaphore(%arg20 : memref<!tpu.dma_semaphore, #tpu.memory_space<semaphore_mem>>)
        %mul3A_184 = arith.constant 80 : i32
        %mul3A_185 = arith.muli %sub3A_177, %mul3A_184 : i32
        %dma_start3A_186 = tpu.memref_slice %arg7[%mul3A_185] : memref<10000xi32, #tpu.memory_space<vmem>> -> memref<80xi32, #tpu.memory_space<vmem>>
        %dma_start3A_187 = arith.constant 0 : i32
        %dma_start3A_188 = arith.constant 0 : i32
        %dma_start3A_189 = tpu.memref_slice %arg2[%dma_start3A_187, %dma_start3A_188] : memref<10000x128xf32, #tpu.memory_space<hbm>> -> memref<10000x128xf32, #tpu.memory_space<hbm>>
        tpu.enqueue_indirect_dma source(%dma_start3A_189 : memref<10000x128xf32, #tpu.memory_space<hbm>>) target(%arg16 : memref<80x128xf32, #tpu.memory_space<vmem>>) offsets(%dma_start3A_186 : memref<80xi32, #tpu.memory_space<vmem>>) semaphore(%arg20 : memref<!tpu.dma_semaphore, #tpu.memory_space<semaphore_mem>>)
      } else {
      }
      %mul3A_63 = arith.constant 80 : i32
      %mul3A_64 = arith.muli %add3A_57, %mul3A_63 : i32
      %dma_wait3A_65 = tpu.memref_slice %arg6[%mul3A_64] : memref<10000xi32, #tpu.memory_space<vmem>> -> memref<80xi32, #tpu.memory_space<vmem>>
      %dma_wait3A_66 = arith.constant 0 : i32
      %dma_wait3A_67 = arith.constant 0 : i32
      %dma_wait3A_68 = tpu.memref_slice %arg2[%dma_wait3A_66, %dma_wait3A_67] : memref<10000x128xf32, #tpu.memory_space<hbm>> -> memref<10000x128xf32, #tpu.memory_space<hbm>>
      tpu.wait_indirect_dma semaphore(%arg17 : memref<!tpu.dma_semaphore, #tpu.memory_space<semaphore_mem>>) src(%dma_wait3A_68 : memref<10000x128xf32, #tpu.memory_space<hbm>>) dst(%arg9 : memref<80x128xf32, #tpu.memory_space<vmem>>)
      %mul3A_69 = arith.constant 80 : i32
      %mul3A_70 = arith.muli %add3A_57, %mul3A_69 : i32
      %dma_wait3A_71 = tpu.memref_slice %arg7[%mul3A_70] : memref<10000xi32, #tpu.memory_space<vmem>> -> memref<80xi32, #tpu.memory_space<vmem>>
      %dma_wait3A_72 = arith.constant 0 : i32
      %dma_wait3A_73 = arith.constant 0 : i32
      %dma_wait3A_74 = tpu.memref_slice %arg2[%dma_wait3A_72, %dma_wait3A_73] : memref<10000x128xf32, #tpu.memory_space<hbm>> -> memref<10000x128xf32, #tpu.memory_space<hbm>>
      tpu.wait_indirect_dma semaphore(%arg17 : memref<!tpu.dma_semaphore, #tpu.memory_space<semaphore_mem>>) src(%dma_wait3A_74 : memref<10000x128xf32, #tpu.memory_space<hbm>>) dst(%arg10 : memref<80x128xf32, #tpu.memory_space<vmem>>)
      %scan3A_75 = arith.constant 0 : i32
      %scan3A_76 = arith.constant 0 : i32
      %scan3A_77 = arith.constant 5 : i32
      %scan3A_78 = arith.addi %scan3A_76, %scan3A_77 : i32
      %scan3A_79 = arith.constant 1 : i32
      scf.for %scan3A_174 = %scan3A_76 to %scan3A_78 step %scan3A_79  : i32 {
        %broadcast_in_dim3A_175 = arith.constant 0.000000e+00 : f32
        %broadcast_in_dim3A_176 = vector.broadcast %broadcast_in_dim3A_175 : f32 to vector<16xf32>
        %scan3A_177 = arith.constant 0 : i32
        %scan3A_178 = arith.constant 4 : i32
        %scan3A_179 = arith.addi %scan3A_177, %scan3A_178 : i32
        %scan3A_180 = arith.constant 1 : i32
        %scan3A_181 = scf.for %scan3A_189 = %scan3A_177 to %scan3A_179 step %scan3A_180 iter_args(%scan3A_190 = %broadcast_in_dim3A_176) -> (vector<16xf32>)  : i32 {
          %mul3A_191 = arith.constant 4 : i32
          %mul3A_192 = arith.muli %scan3A_189, %mul3A_191 : i32
          %add3A_193 = arith.constant 0 : i32
          %add3A_194 = arith.addi %mul3A_192, %add3A_193 : i32
          %mul3A_195 = arith.constant 16 : i32
          %mul3A_196 = arith.muli %scan3A_174, %mul3A_195 : i32
          %add3A_197 = arith.addi %mul3A_196, %add3A_194 : i32
          %get3A = arith.index_cast %add3A_197 : i32 to index
          %get3A_198 = arith.constant 0 : index
          %get3A_199 = tpu.vector_load %arg9[%get3A, %get3A_198] {strides = array<i32>} : memref<80x128xf32, #tpu.memory_space<vmem>>, vector<16xf32>,
          %get3A_200 = arith.index_cast %add3A_197 : i32 to index
          %get3A_201 = arith.constant 0 : index
          %get3A_202 = tpu.vector_load %arg10[%get3A_200, %get3A_201] {strides = array<i32>} : memref<80x128xf32, #tpu.memory_space<vmem>>, vector<16xf32>,
          %mul3A_203 = arith.mulf %get3A_199, %get3A_202 : vector<16xf32>
          %get3A_204 = arith.index_cast %add3A_197 : i32 to index
          %get3A_205 = arith.constant 16 : index
          %get3A_206 = tpu.vector_load %arg9[%get3A_204, %get3A_205] {strides = array<i32>} : memref<80x128xf32, #tpu.memory_space<vmem>>, vector<16xf32>,
          %get3A_207 = arith.index_cast %add3A_197 : i32 to index
          %get3A_208 = arith.constant 16 : index
          %get3A_209 = tpu.vector_load %arg10[%get3A_207, %get3A_208] {strides = array<i32>} : memref<80x128xf32, #tpu.memory_space<vmem>>, vector<16xf32>,
          %mul3A_210 = arith.mulf %get3A_206, %get3A_209 : vector<16xf32>
          %add3A_211 = arith.addf %mul3A_203, %mul3A_210 : vector<16xf32>
          %get3A_212 = arith.index_cast %add3A_197 : i32 to index
          %get3A_213 = arith.constant 32 : index
          %get3A_214 = tpu.vector_load %arg9[%get3A_212, %get3A_213] {strides = array<i32>} : memref<80x128xf32, #tpu.memory_space<vmem>>, vector<16xf32>,
          %get3A_215 = arith.index_cast %add3A_197 : i32 to index
          %get3A_216 = arith.constant 32 : index
          %get3A_217 = tpu.vector_load %arg10[%get3A_215, %get3A_216] {strides = array<i32>} : memref<80x128xf32, #tpu.memory_space<vmem>>, vector<16xf32>,
          %mul3A_218 = arith.mulf %get3A_214, %get3A_217 : vector<16xf32>
          %get3A_219 = arith.index_cast %add3A_197 : i32 to index
          %get3A_220 = arith.constant 48 : index
          %get3A_221 = tpu.vector_load %arg9[%get3A_219, %get3A_220] {strides = array<i32>} : memref<80x128xf32, #tpu.memory_space<vmem>>, vector<16xf32>,
          %get3A_222 = arith.index_cast %add3A_197 : i32 to index
          %get3A_223 = arith.constant 48 : index
          %get3A_224 = tpu.vector_load %arg10[%get3A_222, %get3A_223] {strides = array<i32>} : memref<80x128xf32, #tpu.memory_space<vmem>>, vector<16xf32>,
          %mul3A_225 = arith.mulf %get3A_221, %get3A_224 : vector<16xf32>
          %add3A_226 = arith.addf %mul3A_218, %mul3A_225 : vector<16xf32>
          %add3A_227 = arith.addf %add3A_211, %add3A_226 : vector<16xf32>
          %get3A_228 = arith.index_cast %add3A_197 : i32 to index
          %get3A_229 = arith.constant 64 : index
          %get3A_230 = tpu.vector_load %arg9[%get3A_228, %get3A_229] {strides = array<i32>} : memref<80x128xf32, #tpu.memory_space<vmem>>, vector<16xf32>,
          %get3A_231 = arith.index_cast %add3A_197 : i32 to index
          %get3A_232 = arith.constant 64 : index
          %get3A_233 = tpu.vector_load %arg10[%get3A_231, %get3A_232] {strides = array<i32>} : memref<80x128xf32, #tpu.memory_space<vmem>>, vector<16xf32>,
          %mul3A_234 = arith.mulf %get3A_230, %get3A_233 : vector<16xf32>
          %get3A_235 = arith.index_cast %add3A_197 : i32 to index
          %get3A_236 = arith.constant 80 : index
          %get3A_237 = tpu.vector_load %arg9[%get3A_235, %get3A_236] {strides = array<i32>} : memref<80x128xf32, #tpu.memory_space<vmem>>, vector<16xf32>,
          %get3A_238 = arith.index_cast %add3A_197 : i32 to index
          %get3A_239 = arith.constant 80 : index
          %get3A_240 = tpu.vector_load %arg10[%get3A_238, %get3A_239] {strides = array<i32>} : memref<80x128xf32, #tpu.memory_space<vmem>>, vector<16xf32>,
          %mul3A_241 = arith.mulf %get3A_237, %get3A_240 : vector<16xf32>
          %add3A_242 = arith.addf %mul3A_234, %mul3A_241 : vector<16xf32>
          %get3A_243 = arith.index_cast %add3A_197 : i32 to index
          %get3A_244 = arith.constant 96 : index
          %get3A_245 = tpu.vector_load %arg9[%get3A_243, %get3A_244] {strides = array<i32>} : memref<80x128xf32, #tpu.memory_space<vmem>>, vector<16xf32>,
          %get3A_246 = arith.index_cast %add3A_197 : i32 to index
          %get3A_247 = arith.constant 96 : index
          %get3A_248 = tpu.vector_load %arg10[%get3A_246, %get3A_247] {strides = array<i32>} : memref<80x128xf32, #tpu.memory_space<vmem>>, vector<16xf32>,
          %mul3A_249 = arith.mulf %get3A_245, %get3A_248 : vector<16xf32>
          %get3A_250 = arith.index_cast %add3A_197 : i32 to index
          %get3A_251 = arith.constant 112 : index
          %get3A_252 = tpu.vector_load %arg9[%get3A_250, %get3A_251] {strides = array<i32>} : memref<80x128xf32, #tpu.memory_space<vmem>>, vector<16xf32>,
          %get3A_253 = arith.index_cast %add3A_197 : i32 to index
          %get3A_254 = arith.constant 112 : index
          %get3A_255 = tpu.vector_load %arg10[%get3A_253, %get3A_254] {strides = array<i32>} : memref<80x128xf32, #tpu.memory_space<vmem>>, vector<16xf32>,
          %mul3A_256 = arith.mulf %get3A_252, %get3A_255 : vector<16xf32>
          %add3A_257 = arith.addf %mul3A_249, %mul3A_256 : vector<16xf32>
          %add3A_258 = arith.addf %add3A_242, %add3A_257 : vector<16xf32>
          %add3A_259 = arith.addf %add3A_227, %add3A_258 : vector<16xf32>
          %broadcast_in_dim3A_260 = arith.constant true
          %broadcast_in_dim3A_261 = vector.broadcast %broadcast_in_dim3A_260 : i1 to vector<16xi1>
          %masked_cumsum3A = tpu.scan <sum>, %add3A_259 masked %broadcast_in_dim3A_261 : vector<16xf32>, vector<16xi1> -> vector<16xf32>
          %lt3A_262 = arith.constant 0 : i32
          %lt3A_263 = vector.broadcast %lt3A_262 : i32 to vector<16xi32>
          %lt3A_264 = arith.cmpi slt, %broadcast_in_dim3A_3, %lt3A_263 : vector<16xi32>
          %add3A_265 = arith.constant 16 : i32
          %add3A_266 = vector.broadcast %add3A_265 : i32 to vector<16xi32>
          %add3A_267 = arith.addi %broadcast_in_dim3A_3, %add3A_266 : vector<16xi32>
          %select_n3A = arith.select %lt3A_264, %add3A_267, %broadcast_in_dim3A_3 : vector<16xi1>, vector<16xi32>
          %reshape3A = vector.shape_cast %select_n3A : vector<16xi32> to vector<16x1xi32>
          %gather3A = vector.shape_cast %reshape3A : vector<16x1xi32> to vector<16xi32>
          %gather3A_268 = tpu.dynamic_gather %masked_cumsum3A[%gather3A] in [0] : vector<16xf32>, vector<16xi32> -> vector<16xf32>
          %eq3A = vector.broadcast %add3A_194 : i32 to vector<16xi32>
          %eq3A_269 = arith.cmpi eq, %iota3A, %eq3A : vector<16xi32>
          %select_n3A_270 = arith.select %eq3A_269, %gather3A_268, %scan3A_190 : vector<16xi1>, vector<16xf32>
          %add3A_271 = arith.constant 1 : i32
          %add3A_272 = arith.addi %mul3A_192, %add3A_271 : i32
          %mul3A_273 = arith.constant 16 : i32
          %mul3A_274 = arith.muli %scan3A_174, %mul3A_273 : i32
          %add3A_275 = arith.addi %mul3A_274, %add3A_272 : i32
          %get3A_276 = arith.index_cast %add3A_275 : i32 to index
          %get3A_277 = arith.constant 0 : index
          %get3A_278 = tpu.vector_load %arg9[%get3A_276, %get3A_277] {strides = array<i32>} : memref<80x128xf32, #tpu.memory_space<vmem>>, vector<16xf32>,
          %get3A_279 = arith.index_cast %add3A_275 : i32 to index
          %get3A_280 = arith.constant 0 : index
          %get3A_281 = tpu.vector_load %arg10[%get3A_279, %get3A_280] {strides = array<i32>} : memref<80x128xf32, #tpu.memory_space<vmem>>, vector<16xf32>,
          %mul3A_282 = arith.mulf %get3A_278, %get3A_281 : vector<16xf32>
          %get3A_283 = arith.index_cast %add3A_275 : i32 to index
          %get3A_284 = arith.constant 16 : index
          %get3A_285 = tpu.vector_load %arg9[%get3A_283, %get3A_284] {strides = array<i32>} : memref<80x128xf32, #tpu.memory_space<vmem>>, vector<16xf32>,
          %get3A_286 = arith.index_cast %add3A_275 : i32 to index
          %get3A_287 = arith.constant 16 : index
          %get3A_288 = tpu.vector_load %arg10[%get3A_286, %get3A_287] {strides = array<i32>} : memref<80x128xf32, #tpu.memory_space<vmem>>, vector<16xf32>,
          %mul3A_289 = arith.mulf %get3A_285, %get3A_288 : vector<16xf32>
          %add3A_290 = arith.addf %mul3A_282, %mul3A_289 : vector<16xf32>
          %get3A_291 = arith.index_cast %add3A_275 : i32 to index
          %get3A_292 = arith.constant 32 : index
          %get3A_293 = tpu.vector_load %arg9[%get3A_291, %get3A_292] {strides = array<i32>} : memref<80x128xf32, #tpu.memory_space<vmem>>, vector<16xf32>,
          %get3A_294 = arith.index_cast %add3A_275 : i32 to index
          %get3A_295 = arith.constant 32 : index
          %get3A_296 = tpu.vector_load %arg10[%get3A_294, %get3A_295] {strides = array<i32>} : memref<80x128xf32, #tpu.memory_space<vmem>>, vector<16xf32>,
          %mul3A_297 = arith.mulf %get3A_293, %get3A_296 : vector<16xf32>
          %get3A_298 = arith.index_cast %add3A_275 : i32 to index
          %get3A_299 = arith.constant 48 : index
          %get3A_300 = tpu.vector_load %arg9[%get3A_298, %get3A_299] {strides = array<i32>} : memref<80x128xf32, #tpu.memory_space<vmem>>, vector<16xf32>,
          %get3A_301 = arith.index_cast %add3A_275 : i32 to index
          %get3A_302 = arith.constant 48 : index
          %get3A_303 = tpu.vector_load %arg10[%get3A_301, %get3A_302] {strides = array<i32>} : memref<80x128xf32, #tpu.memory_space<vmem>>, vector<16xf32>,
          %mul3A_304 = arith.mulf %get3A_300, %get3A_303 : vector<16xf32>
          %add3A_305 = arith.addf %mul3A_297, %mul3A_304 : vector<16xf32>
          %add3A_306 = arith.addf %add3A_290, %add3A_305 : vector<16xf32>
          %get3A_307 = arith.index_cast %add3A_275 : i32 to index
          %get3A_308 = arith.constant 64 : index
          %get3A_309 = tpu.vector_load %arg9[%get3A_307, %get3A_308] {strides = array<i32>} : memref<80x128xf32, #tpu.memory_space<vmem>>, vector<16xf32>,
          %get3A_310 = arith.index_cast %add3A_275 : i32 to index
          %get3A_311 = arith.constant 64 : index
          %get3A_312 = tpu.vector_load %arg10[%get3A_310, %get3A_311] {strides = array<i32>} : memref<80x128xf32, #tpu.memory_space<vmem>>, vector<16xf32>,
          %mul3A_313 = arith.mulf %get3A_309, %get3A_312 : vector<16xf32>
          %get3A_314 = arith.index_cast %add3A_275 : i32 to index
          %get3A_315 = arith.constant 80 : index
          %get3A_316 = tpu.vector_load %arg9[%get3A_314, %get3A_315] {strides = array<i32>} : memref<80x128xf32, #tpu.memory_space<vmem>>, vector<16xf32>,
          %get3A_317 = arith.index_cast %add3A_275 : i32 to index
          %get3A_318 = arith.constant 80 : index
          %get3A_319 = tpu.vector_load %arg10[%get3A_317, %get3A_318] {strides = array<i32>} : memref<80x128xf32, #tpu.memory_space<vmem>>, vector<16xf32>,
          %mul3A_320 = arith.mulf %get3A_316, %get3A_319 : vector<16xf32>
          %add3A_321 = arith.addf %mul3A_313, %mul3A_320 : vector<16xf32>
          %get3A_322 = arith.index_cast %add3A_275 : i32 to index
          %get3A_323 = arith.constant 96 : index
          %get3A_324 = tpu.vector_load %arg9[%get3A_322, %get3A_323] {strides = array<i32>} : memref<80x128xf32, #tpu.memory_space<vmem>>, vector<16xf32>,
          %get3A_325 = arith.index_cast %add3A_275 : i32 to index
          %get3A_326 = arith.constant 96 : index
          %get3A_327 = tpu.vector_load %arg10[%get3A_325, %get3A_326] {strides = array<i32>} : memref<80x128xf32, #tpu.memory_space<vmem>>, vector<16xf32>,
          %mul3A_328 = arith.mulf %get3A_324, %get3A_327 : vector<16xf32>
          %get3A_329 = arith.index_cast %add3A_275 : i32 to index
          %get3A_330 = arith.constant 112 : index
          %get3A_331 = tpu.vector_load %arg9[%get3A_329, %get3A_330] {strides = array<i32>} : memref<80x128xf32, #tpu.memory_space<vmem>>, vector<16xf32>,
          %get3A_332 = arith.index_cast %add3A_275 : i32 to index
          %get3A_333 = arith.constant 112 : index
          %get3A_334 = tpu.vector_load %arg10[%get3A_332, %get3A_333] {strides = array<i32>} : memref<80x128xf32, #tpu.memory_space<vmem>>, vector<16xf32>,
          %mul3A_335 = arith.mulf %get3A_331, %get3A_334 : vector<16xf32>
          %add3A_336 = arith.addf %mul3A_328, %mul3A_335 : vector<16xf32>
          %add3A_337 = arith.addf %add3A_321, %add3A_336 : vector<16xf32>
          %add3A_338 = arith.addf %add3A_306, %add3A_337 : vector<16xf32>
          %broadcast_in_dim3A_339 = arith.constant true
          %broadcast_in_dim3A_340 = vector.broadcast %broadcast_in_dim3A_339 : i1 to vector<16xi1>
          %masked_cumsum3A_341 = tpu.scan <sum>, %add3A_338 masked %broadcast_in_dim3A_340 : vector<16xf32>, vector<16xi1> -> vector<16xf32>
          %lt3A_342 = arith.constant 0 : i32
          %lt3A_343 = vector.broadcast %lt3A_342 : i32 to vector<16xi32>
          %lt3A_344 = arith.cmpi slt, %broadcast_in_dim3A_3, %lt3A_343 : vector<16xi32>
          %add3A_345 = arith.constant 16 : i32
          %add3A_346 = vector.broadcast %add3A_345 : i32 to vector<16xi32>
          %add3A_347 = arith.addi %broadcast_in_dim3A_3, %add3A_346 : vector<16xi32>
          %select_n3A_348 = arith.select %lt3A_344, %add3A_347, %broadcast_in_dim3A_3 : vector<16xi1>, vector<16xi32>
          %reshape3A_349 = vector.shape_cast %select_n3A_348 : vector<16xi32> to vector<16x1xi32>
          %gather3A_350 = vector.shape_cast %reshape3A_349 : vector<16x1xi32> to vector<16xi32>
          %gather3A_351 = tpu.dynamic_gather %masked_cumsum3A_341[%gather3A_350] in [0] : vector<16xf32>, vector<16xi32> -> vector<16xf32>
          %eq3A_352 = vector.broadcast %add3A_272 : i32 to vector<16xi32>
          %eq3A_353 = arith.cmpi eq, %iota3A, %eq3A_352 : vector<16xi32>
          %select_n3A_354 = arith.select %eq3A_353, %gather3A_351, %select_n3A_270 : vector<16xi1>, vector<16xf32>
          %add3A_355 = arith.constant 2 : i32
          %add3A_356 = arith.addi %mul3A_192, %add3A_355 : i32
          %mul3A_357 = arith.constant 16 : i32
          %mul3A_358 = arith.muli %scan3A_174, %mul3A_357 : i32
          %add3A_359 = arith.addi %mul3A_358, %add3A_356 : i32
          %get3A_360 = arith.index_cast %add3A_359 : i32 to index
          %get3A_361 = arith.constant 0 : index
          %get3A_362 = tpu.vector_load %arg9[%get3A_360, %get3A_361] {strides = array<i32>} : memref<80x128xf32, #tpu.memory_space<vmem>>, vector<16xf32>,
          %get3A_363 = arith.index_cast %add3A_359 : i32 to index
          %get3A_364 = arith.constant 0 : index
          %get3A_365 = tpu.vector_load %arg10[%get3A_363, %get3A_364] {strides = array<i32>} : memref<80x128xf32, #tpu.memory_space<vmem>>, vector<16xf32>,
          %mul3A_366 = arith.mulf %get3A_362, %get3A_365 : vector<16xf32>
          %get3A_367 = arith.index_cast %add3A_359 : i32 to index
          %get3A_368 = arith.constant 16 : index
          %get3A_369 = tpu.vector_load %arg9[%get3A_367, %get3A_368] {strides = array<i32>} : memref<80x128xf32, #tpu.memory_space<vmem>>, vector<16xf32>,
          %get3A_370 = arith.index_cast %add3A_359 : i32 to index
          %get3A_371 = arith.constant 16 : index
          %get3A_372 = tpu.vector_load %arg10[%get3A_370, %get3A_371] {strides = array<i32>} : memref<80x128xf32, #tpu.memory_space<vmem>>, vector<16xf32>,
          %mul3A_373 = arith.mulf %get3A_369, %get3A_372 : vector<16xf32>
          %add3A_374 = arith.addf %mul3A_366, %mul3A_373 : vector<16xf32>
          %get3A_375 = arith.index_cast %add3A_359 : i32 to index
          %get3A_376 = arith.constant 32 : index
          %get3A_377 = tpu.vector_load %arg9[%get3A_375, %get3A_376] {strides = array<i32>} : memref<80x128xf32, #tpu.memory_space<vmem>>, vector<16xf32>,
          %get3A_378 = arith.index_cast %add3A_359 : i32 to index
          %get3A_379 = arith.constant 32 : index
          %get3A_380 = tpu.vector_load %arg10[%get3A_378, %get3A_379] {strides = array<i32>} : memref<80x128xf32, #tpu.memory_space<vmem>>, vector<16xf32>,
          %mul3A_381 = arith.mulf %get3A_377, %get3A_380 : vector<16xf32>
          %get3A_382 = arith.index_cast %add3A_359 : i32 to index
          %get3A_383 = arith.constant 48 : index
          %get3A_384 = tpu.vector_load %arg9[%get3A_382, %get3A_383] {strides = array<i32>} : memref<80x128xf32, #tpu.memory_space<vmem>>, vector<16xf32>,
          %get3A_385 = arith.index_cast %add3A_359 : i32 to index
          %get3A_386 = arith.constant 48 : index
          %get3A_387 = tpu.vector_load %arg10[%get3A_385, %get3A_386] {strides = array<i32>} : memref<80x128xf32, #tpu.memory_space<vmem>>, vector<16xf32>,
          %mul3A_388 = arith.mulf %get3A_384, %get3A_387 : vector<16xf32>
          %add3A_389 = arith.addf %mul3A_381, %mul3A_388 : vector<16xf32>
          %add3A_390 = arith.addf %add3A_374, %add3A_389 : vector<16xf32>
          %get3A_391 = arith.index_cast %add3A_359 : i32 to index
          %get3A_392 = arith.constant 64 : index
          %get3A_393 = tpu.vector_load %arg9[%get3A_391, %get3A_392] {strides = array<i32>} : memref<80x128xf32, #tpu.memory_space<vmem>>, vector<16xf32>,
          %get3A_394 = arith.index_cast %add3A_359 : i32 to index
          %get3A_395 = arith.constant 64 : index
          %get3A_396 = tpu.vector_load %arg10[%get3A_394, %get3A_395] {strides = array<i32>} : memref<80x128xf32, #tpu.memory_space<vmem>>, vector<16xf32>,
          %mul3A_397 = arith.mulf %get3A_393, %get3A_396 : vector<16xf32>
          %get3A_398 = arith.index_cast %add3A_359 : i32 to index
          %get3A_399 = arith.constant 80 : index
          %get3A_400 = tpu.vector_load %arg9[%get3A_398, %get3A_399] {strides = array<i32>} : memref<80x128xf32, #tpu.memory_space<vmem>>, vector<16xf32>,
          %get3A_401 = arith.index_cast %add3A_359 : i32 to index
          %get3A_402 = arith.constant 80 : index
          %get3A_403 = tpu.vector_load %arg10[%get3A_401, %get3A_402] {strides = array<i32>} : memref<80x128xf32, #tpu.memory_space<vmem>>, vector<16xf32>,
          %mul3A_404 = arith.mulf %get3A_400, %get3A_403 : vector<16xf32>
          %add3A_405 = arith.addf %mul3A_397, %mul3A_404 : vector<16xf32>
          %get3A_406 = arith.index_cast %add3A_359 : i32 to index
          %get3A_407 = arith.constant 96 : index
          %get3A_408 = tpu.vector_load %arg9[%get3A_406, %get3A_407] {strides = array<i32>} : memref<80x128xf32, #tpu.memory_space<vmem>>, vector<16xf32>,
          %get3A_409 = arith.index_cast %add3A_359 : i32 to index
          %get3A_410 = arith.constant 96 : index
          %get3A_411 = tpu.vector_load %arg10[%get3A_409, %get3A_410] {strides = array<i32>} : memref<80x128xf32, #tpu.memory_space<vmem>>, vector<16xf32>,
          %mul3A_412 = arith.mulf %get3A_408, %get3A_411 : vector<16xf32>
          %get3A_413 = arith.index_cast %add3A_359 : i32 to index
          %get3A_414 = arith.constant 112 : index
          %get3A_415 = tpu.vector_load %arg9[%get3A_413, %get3A_414] {strides = array<i32>} : memref<80x128xf32, #tpu.memory_space<vmem>>, vector<16xf32>,
          %get3A_416 = arith.index_cast %add3A_359 : i32 to index
          %get3A_417 = arith.constant 112 : index
          %get3A_418 = tpu.vector_load %arg10[%get3A_416, %get3A_417] {strides = array<i32>} : memref<80x128xf32, #tpu.memory_space<vmem>>, vector<16xf32>,
          %mul3A_419 = arith.mulf %get3A_415, %get3A_418 : vector<16xf32>
          %add3A_420 = arith.addf %mul3A_412, %mul3A_419 : vector<16xf32>
          %add3A_421 = arith.addf %add3A_405, %add3A_420 : vector<16xf32>
          %add3A_422 = arith.addf %add3A_390, %add3A_421 : vector<16xf32>
          %broadcast_in_dim3A_423 = arith.constant true
          %broadcast_in_dim3A_424 = vector.broadcast %broadcast_in_dim3A_423 : i1 to vector<16xi1>
          %masked_cumsum3A_425 = tpu.scan <sum>, %add3A_422 masked %broadcast_in_dim3A_424 : vector<16xf32>, vector<16xi1> -> vector<16xf32>
          %lt3A_426 = arith.constant 0 : i32
          %lt3A_427 = vector.broadcast %lt3A_426 : i32 to vector<16xi32>
          %lt3A_428 = arith.cmpi slt, %broadcast_in_dim3A_3, %lt3A_427 : vector<16xi32>
          %add3A_429 = arith.constant 16 : i32
          %add3A_430 = vector.broadcast %add3A_429 : i32 to vector<16xi32>
          %add3A_431 = arith.addi %broadcast_in_dim3A_3, %add3A_430 : vector<16xi32>
          %select_n3A_432 = arith.select %lt3A_428, %add3A_431, %broadcast_in_dim3A_3 : vector<16xi1>, vector<16xi32>
          %reshape3A_433 = vector.shape_cast %select_n3A_432 : vector<16xi32> to vector<16x1xi32>
          %gather3A_434 = vector.shape_cast %reshape3A_433 : vector<16x1xi32> to vector<16xi32>
          %gather3A_435 = tpu.dynamic_gather %masked_cumsum3A_425[%gather3A_434] in [0] : vector<16xf32>, vector<16xi32> -> vector<16xf32>
          %eq3A_436 = vector.broadcast %add3A_356 : i32 to vector<16xi32>
          %eq3A_437 = arith.cmpi eq, %iota3A, %eq3A_436 : vector<16xi32>
          %select_n3A_438 = arith.select %eq3A_437, %gather3A_435, %select_n3A_354 : vector<16xi1>, vector<16xf32>
          %add3A_439 = arith.constant 3 : i32
          %add3A_440 = arith.addi %mul3A_192, %add3A_439 : i32
          %mul3A_441 = arith.constant 16 : i32
          %mul3A_442 = arith.muli %scan3A_174, %mul3A_441 : i32
          %add3A_443 = arith.addi %mul3A_442, %add3A_440 : i32
          %get3A_444 = arith.index_cast %add3A_443 : i32 to index
          %get3A_445 = arith.constant 0 : index
          %get3A_446 = tpu.vector_load %arg9[%get3A_444, %get3A_445] {strides = array<i32>} : memref<80x128xf32, #tpu.memory_space<vmem>>, vector<16xf32>,
          %get3A_447 = arith.index_cast %add3A_443 : i32 to index
          %get3A_448 = arith.constant 0 : index
          %get3A_449 = tpu.vector_load %arg10[%get3A_447, %get3A_448] {strides = array<i32>} : memref<80x128xf32, #tpu.memory_space<vmem>>, vector<16xf32>,
          %mul3A_450 = arith.mulf %get3A_446, %get3A_449 : vector<16xf32>
          %get3A_451 = arith.index_cast %add3A_443 : i32 to index
          %get3A_452 = arith.constant 16 : index
          %get3A_453 = tpu.vector_load %arg9[%get3A_451, %get3A_452] {strides = array<i32>} : memref<80x128xf32, #tpu.memory_space<vmem>>, vector<16xf32>,
          %get3A_454 = arith.index_cast %add3A_443 : i32 to index
          %get3A_455 = arith.constant 16 : index
          %get3A_456 = tpu.vector_load %arg10[%get3A_454, %get3A_455] {strides = array<i32>} : memref<80x128xf32, #tpu.memory_space<vmem>>, vector<16xf32>,
          %mul3A_457 = arith.mulf %get3A_453, %get3A_456 : vector<16xf32>
          %add3A_458 = arith.addf %mul3A_450, %mul3A_457 : vector<16xf32>
          %get3A_459 = arith.index_cast %add3A_443 : i32 to index
          %get3A_460 = arith.constant 32 : index
          %get3A_461 = tpu.vector_load %arg9[%get3A_459, %get3A_460] {strides = array<i32>} : memref<80x128xf32, #tpu.memory_space<vmem>>, vector<16xf32>,
          %get3A_462 = arith.index_cast %add3A_443 : i32 to index
          %get3A_463 = arith.constant 32 : index
          %get3A_464 = tpu.vector_load %arg10[%get3A_462, %get3A_463] {strides = array<i32>} : memref<80x128xf32, #tpu.memory_space<vmem>>, vector<16xf32>,
          %mul3A_465 = arith.mulf %get3A_461, %get3A_464 : vector<16xf32>
          %get3A_466 = arith.index_cast %add3A_443 : i32 to index
          %get3A_467 = arith.constant 48 : index
          %get3A_468 = tpu.vector_load %arg9[%get3A_466, %get3A_467] {strides = array<i32>} : memref<80x128xf32, #tpu.memory_space<vmem>>, vector<16xf32>,
          %get3A_469 = arith.index_cast %add3A_443 : i32 to index
          %get3A_470 = arith.constant 48 : index
          %get3A_471 = tpu.vector_load %arg10[%get3A_469, %get3A_470] {strides = array<i32>} : memref<80x128xf32, #tpu.memory_space<vmem>>, vector<16xf32>,
          %mul3A_472 = arith.mulf %get3A_468, %get3A_471 : vector<16xf32>
          %add3A_473 = arith.addf %mul3A_465, %mul3A_472 : vector<16xf32>
          %add3A_474 = arith.addf %add3A_458, %add3A_473 : vector<16xf32>
          %get3A_475 = arith.index_cast %add3A_443 : i32 to index
          %get3A_476 = arith.constant 64 : index
          %get3A_477 = tpu.vector_load %arg9[%get3A_475, %get3A_476] {strides = array<i32>} : memref<80x128xf32, #tpu.memory_space<vmem>>, vector<16xf32>,
          %get3A_478 = arith.index_cast %add3A_443 : i32 to index
          %get3A_479 = arith.constant 64 : index
          %get3A_480 = tpu.vector_load %arg10[%get3A_478, %get3A_479] {strides = array<i32>} : memref<80x128xf32, #tpu.memory_space<vmem>>, vector<16xf32>,
          %mul3A_481 = arith.mulf %get3A_477, %get3A_480 : vector<16xf32>
          %get3A_482 = arith.index_cast %add3A_443 : i32 to index
          %get3A_483 = arith.constant 80 : index
          %get3A_484 = tpu.vector_load %arg9[%get3A_482, %get3A_483] {strides = array<i32>} : memref<80x128xf32, #tpu.memory_space<vmem>>, vector<16xf32>,
          %get3A_485 = arith.index_cast %add3A_443 : i32 to index
          %get3A_486 = arith.constant 80 : index
          %get3A_487 = tpu.vector_load %arg10[%get3A_485, %get3A_486] {strides = array<i32>} : memref<80x128xf32, #tpu.memory_space<vmem>>, vector<16xf32>,
          %mul3A_488 = arith.mulf %get3A_484, %get3A_487 : vector<16xf32>
          %add3A_489 = arith.addf %mul3A_481, %mul3A_488 : vector<16xf32>
          %get3A_490 = arith.index_cast %add3A_443 : i32 to index
          %get3A_491 = arith.constant 96 : index
          %get3A_492 = tpu.vector_load %arg9[%get3A_490, %get3A_491] {strides = array<i32>} : memref<80x128xf32, #tpu.memory_space<vmem>>, vector<16xf32>,
          %get3A_493 = arith.index_cast %add3A_443 : i32 to index
          %get3A_494 = arith.constant 96 : index
          %get3A_495 = tpu.vector_load %arg10[%get3A_493, %get3A_494] {strides = array<i32>} : memref<80x128xf32, #tpu.memory_space<vmem>>, vector<16xf32>,
          %mul3A_496 = arith.mulf %get3A_492, %get3A_495 : vector<16xf32>
          %get3A_497 = arith.index_cast %add3A_443 : i32 to index
          %get3A_498 = arith.constant 112 : index
          %get3A_499 = tpu.vector_load %arg9[%get3A_497, %get3A_498] {strides = array<i32>} : memref<80x128xf32, #tpu.memory_space<vmem>>, vector<16xf32>,
          %get3A_500 = arith.index_cast %add3A_443 : i32 to index
          %get3A_501 = arith.constant 112 : index
          %get3A_502 = tpu.vector_load %arg10[%get3A_500, %get3A_501] {strides = array<i32>} : memref<80x128xf32, #tpu.memory_space<vmem>>, vector<16xf32>,
          %mul3A_503 = arith.mulf %get3A_499, %get3A_502 : vector<16xf32>
          %add3A_504 = arith.addf %mul3A_496, %mul3A_503 : vector<16xf32>
          %add3A_505 = arith.addf %add3A_489, %add3A_504 : vector<16xf32>
          %add3A_506 = arith.addf %add3A_474, %add3A_505 : vector<16xf32>
          %broadcast_in_dim3A_507 = arith.constant true
          %broadcast_in_dim3A_508 = vector.broadcast %broadcast_in_dim3A_507 : i1 to vector<16xi1>
          %masked_cumsum3A_509 = tpu.scan <sum>, %add3A_506 masked %broadcast_in_dim3A_508 : vector<16xf32>, vector<16xi1> -> vector<16xf32>
          %lt3A_510 = arith.constant 0 : i32
          %lt3A_511 = vector.broadcast %lt3A_510 : i32 to vector<16xi32>
          %lt3A_512 = arith.cmpi slt, %broadcast_in_dim3A_3, %lt3A_511 : vector<16xi32>
          %add3A_513 = arith.constant 16 : i32
          %add3A_514 = vector.broadcast %add3A_513 : i32 to vector<16xi32>
          %add3A_515 = arith.addi %broadcast_in_dim3A_3, %add3A_514 : vector<16xi32>
          %select_n3A_516 = arith.select %lt3A_512, %add3A_515, %broadcast_in_dim3A_3 : vector<16xi1>, vector<16xi32>
          %reshape3A_517 = vector.shape_cast %select_n3A_516 : vector<16xi32> to vector<16x1xi32>
          %gather3A_518 = vector.shape_cast %reshape3A_517 : vector<16x1xi32> to vector<16xi32>
          %gather3A_519 = tpu.dynamic_gather %masked_cumsum3A_509[%gather3A_518] in [0] : vector<16xf32>, vector<16xi32> -> vector<16xf32>
          %eq3A_520 = vector.broadcast %add3A_440 : i32 to vector<16xi32>
          %eq3A_521 = arith.cmpi eq, %iota3A, %eq3A_520 : vector<16xi32>
          %select_n3A_522 = arith.select %eq3A_521, %gather3A_519, %select_n3A_438 : vector<16xi1>, vector<16xf32>
          scf.yield %select_n3A_522 : vector<16xf32>
        }
        %scan3A_182 = arith.constant 4 : i32
        %mul3A_183 = arith.constant 80 : i32
        %mul3A_184 = arith.muli %add3A_57, %mul3A_183 : i32
        %mul3A_185 = arith.constant 16 : i32
        %mul3A_186 = arith.muli %scan3A_174, %mul3A_185 : i32
        %add3A_187 = arith.addi %mul3A_184, %mul3A_186 : i32
        %swap3A = arith.index_cast %add3A_187 : i32 to index
        %swap3A_188 = tpu.vector_load %arg8[%swap3A] {strides = array<i32>} : memref<10000xf32, #tpu.memory_space<vmem>>, vector<16xf32>,
        tpu.vector_store %arg8[%swap3A], %scan3A_181 {strides = array<i32>} : memref<10000xf32, #tpu.memory_space<vmem>>, vector<16xf32>,
      }
      %scan3A_80 = arith.constant 5 : i32
      %mul3A_81 = arith.constant 4 : i32
      %mul3A_82 = arith.muli %scan3A_53, %mul3A_81 : i32
      %add3A_83 = arith.constant 1 : i32
      %add3A_84 = arith.addi %mul3A_82, %add3A_83 : i32
      %add3A_85 = arith.constant 4 : i32
      %add3A_86 = arith.addi %add3A_84, %add3A_85 : i32
      %sub3A_87 = arith.constant 1 : i32
      %sub3A_88 = arith.subi %add3A_86, %sub3A_87 : i32
      %lt3A_89 = arith.constant 125 : i32
      %lt3A_90 = arith.cmpi slt, %sub3A_88, %lt3A_89 : i32
      %convert_element_type3A_91 = arith.extui %lt3A_90 : i1 to i32
      %cond3A_92 = arith.constant 0 : i32
      %cond3A_93 = arith.cmpi ne, %convert_element_type3A_91, %cond3A_92 : i32
      scf.if %cond3A_93 {
        %add3A_174 = arith.constant 4 : i32
        %add3A_175 = arith.addi %add3A_84, %add3A_174 : i32
        %sub3A_176 = arith.constant 1 : i32
        %sub3A_177 = arith.subi %add3A_175, %sub3A_176 : i32
        %mul3A_178 = arith.constant 80 : i32
        %mul3A_179 = arith.muli %sub3A_177, %mul3A_178 : i32
        %dma_start3A_180 = tpu.memref_slice %arg6[%mul3A_179] : memref<10000xi32, #tpu.memory_space<vmem>> -> memref<80xi32, #tpu.memory_space<vmem>>
        %dma_start3A_181 = arith.constant 0 : i32
        %dma_start3A_182 = arith.constant 0 : i32
        %dma_start3A_183 = tpu.memref_slice %arg2[%dma_start3A_181, %dma_start3A_182] : memref<10000x128xf32, #tpu.memory_space<hbm>> -> memref<10000x128xf32, #tpu.memory_space<hbm>>
        tpu.enqueue_indirect_dma source(%dma_start3A_183 : memref<10000x128xf32, #tpu.memory_space<hbm>>) target(%arg9 : memref<80x128xf32, #tpu.memory_space<vmem>>) offsets(%dma_start3A_180 : memref<80xi32, #tpu.memory_space<vmem>>) semaphore(%arg17 : memref<!tpu.dma_semaphore, #tpu.memory_space<semaphore_mem>>)
        %mul3A_184 = arith.constant 80 : i32
        %mul3A_185 = arith.muli %sub3A_177, %mul3A_184 : i32
        %dma_start3A_186 = tpu.memref_slice %arg7[%mul3A_185] : memref<10000xi32, #tpu.memory_space<vmem>> -> memref<80xi32, #tpu.memory_space<vmem>>
        %dma_start3A_187 = arith.constant 0 : i32
        %dma_start3A_188 = arith.constant 0 : i32
        %dma_start3A_189 = tpu.memref_slice %arg2[%dma_start3A_187, %dma_start3A_188] : memref<10000x128xf32, #tpu.memory_space<hbm>> -> memref<10000x128xf32, #tpu.memory_space<hbm>>
        tpu.enqueue_indirect_dma source(%dma_start3A_189 : memref<10000x128xf32, #tpu.memory_space<hbm>>) target(%arg10 : memref<80x128xf32, #tpu.memory_space<vmem>>) offsets(%dma_start3A_186 : memref<80xi32, #tpu.memory_space<vmem>>) semaphore(%arg17 : memref<!tpu.dma_semaphore, #tpu.memory_space<semaphore_mem>>)
      } else {
      }
      %mul3A_94 = arith.constant 80 : i32
      %mul3A_95 = arith.muli %add3A_84, %mul3A_94 : i32
      %dma_wait3A_96 = tpu.memref_slice %arg6[%mul3A_95] : memref<10000xi32, #tpu.memory_space<vmem>> -> memref<80xi32, #tpu.memory_space<vmem>>
      %dma_wait3A_97 = arith.constant 0 : i32
      %dma_wait3A_98 = arith.constant 0 : i32
      %dma_wait3A_99 = tpu.memref_slice %arg2[%dma_wait3A_97, %dma_wait3A_98] : memref<10000x128xf32, #tpu.memory_space<hbm>> -> memref<10000x128xf32, #tpu.memory_space<hbm>>
      tpu.wait_indirect_dma semaphore(%arg18 : memref<!tpu.dma_semaphore, #tpu.memory_space<semaphore_mem>>) src(%dma_wait3A_99 : memref<10000x128xf32, #tpu.memory_space<hbm>>) dst(%arg11 : memref<80x128xf32, #tpu.memory_space<vmem>>)
      %mul3A_100 = arith.constant 80 : i32
      %mul3A_101 = arith.muli %add3A_84, %mul3A_100 : i32
      %dma_wait3A_102 = tpu.memref_slice %arg7[%mul3A_101] : memref<10000xi32, #tpu.memory_space<vmem>> -> memref<80xi32, #tpu.memory_space<vmem>>
      %dma_wait3A_103 = arith.constant 0 : i32
      %dma_wait3A_104 = arith.constant 0 : i32
      %dma_wait3A_105 = tpu.memref_slice %arg2[%dma_wait3A_103, %dma_wait3A_104] : memref<10000x128xf32, #tpu.memory_space<hbm>> -> memref<10000x128xf32, #tpu.memory_space<hbm>>
      tpu.wait_indirect_dma semaphore(%arg18 : memref<!tpu.dma_semaphore, #tpu.memory_space<semaphore_mem>>) src(%dma_wait3A_105 : memref<10000x128xf32, #tpu.memory_space<hbm>>) dst(%arg12 : memref<80x128xf32, #tpu.memory_space<vmem>>)
      %scan3A_106 = arith.constant 0 : i32
      %scan3A_107 = arith.constant 0 : i32
      %scan3A_108 = arith.constant 5 : i32
      %scan3A_109 = arith.addi %scan3A_107, %scan3A_108 : i32
      %scan3A_110 = arith.constant 1 : i32
      scf.for %scan3A_174 = %scan3A_107 to %scan3A_109 step %scan3A_110  : i32 {
        %broadcast_in_dim3A_175 = arith.constant 0.000000e+00 : f32
        %broadcast_in_dim3A_176 = vector.broadcast %broadcast_in_dim3A_175 : f32 to vector<16xf32>
        %scan3A_177 = arith.constant 0 : i32
        %scan3A_178 = arith.constant 4 : i32
        %scan3A_179 = arith.addi %scan3A_177, %scan3A_178 : i32
        %scan3A_180 = arith.constant 1 : i32
        %scan3A_181 = scf.for %scan3A_189 = %scan3A_177 to %scan3A_179 step %scan3A_180 iter_args(%scan3A_190 = %broadcast_in_dim3A_176) -> (vector<16xf32>)  : i32 {
          %mul3A_191 = arith.constant 4 : i32
          %mul3A_192 = arith.muli %scan3A_189, %mul3A_191 : i32
          %add3A_193 = arith.constant 0 : i32
          %add3A_194 = arith.addi %mul3A_192, %add3A_193 : i32
          %mul3A_195 = arith.constant 16 : i32
          %mul3A_196 = arith.muli %scan3A_174, %mul3A_195 : i32
          %add3A_197 = arith.addi %mul3A_196, %add3A_194 : i32
          %get3A = arith.index_cast %add3A_197 : i32 to index
          %get3A_198 = arith.constant 0 : index
          %get3A_199 = tpu.vector_load %arg11[%get3A, %get3A_198] {strides = array<i32>} : memref<80x128xf32, #tpu.memory_space<vmem>>, vector<16xf32>,
          %get3A_200 = arith.index_cast %add3A_197 : i32 to index
          %get3A_201 = arith.constant 0 : index
          %get3A_202 = tpu.vector_load %arg12[%get3A_200, %get3A_201] {strides = array<i32>} : memref<80x128xf32, #tpu.memory_space<vmem>>, vector<16xf32>,
          %mul3A_203 = arith.mulf %get3A_199, %get3A_202 : vector<16xf32>
          %get3A_204 = arith.index_cast %add3A_197 : i32 to index
          %get3A_205 = arith.constant 16 : index
          %get3A_206 = tpu.vector_load %arg11[%get3A_204, %get3A_205] {strides = array<i32>} : memref<80x128xf32, #tpu.memory_space<vmem>>, vector<16xf32>,
          %get3A_207 = arith.index_cast %add3A_197 : i32 to index
          %get3A_208 = arith.constant 16 : index
          %get3A_209 = tpu.vector_load %arg12[%get3A_207, %get3A_208] {strides = array<i32>} : memref<80x128xf32, #tpu.memory_space<vmem>>, vector<16xf32>,
          %mul3A_210 = arith.mulf %get3A_206, %get3A_209 : vector<16xf32>
          %add3A_211 = arith.addf %mul3A_203, %mul3A_210 : vector<16xf32>
          %get3A_212 = arith.index_cast %add3A_197 : i32 to index
          %get3A_213 = arith.constant 32 : index
          %get3A_214 = tpu.vector_load %arg11[%get3A_212, %get3A_213] {strides = array<i32>} : memref<80x128xf32, #tpu.memory_space<vmem>>, vector<16xf32>,
          %get3A_215 = arith.index_cast %add3A_197 : i32 to index
          %get3A_216 = arith.constant 32 : index
          %get3A_217 = tpu.vector_load %arg12[%get3A_215, %get3A_216] {strides = array<i32>} : memref<80x128xf32, #tpu.memory_space<vmem>>, vector<16xf32>,
          %mul3A_218 = arith.mulf %get3A_214, %get3A_217 : vector<16xf32>
          %get3A_219 = arith.index_cast %add3A_197 : i32 to index
          %get3A_220 = arith.constant 48 : index
          %get3A_221 = tpu.vector_load %arg11[%get3A_219, %get3A_220] {strides = array<i32>} : memref<80x128xf32, #tpu.memory_space<vmem>>, vector<16xf32>,
          %get3A_222 = arith.index_cast %add3A_197 : i32 to index
          %get3A_223 = arith.constant 48 : index
          %get3A_224 = tpu.vector_load %arg12[%get3A_222, %get3A_223] {strides = array<i32>} : memref<80x128xf32, #tpu.memory_space<vmem>>, vector<16xf32>,
          %mul3A_225 = arith.mulf %get3A_221, %get3A_224 : vector<16xf32>
          %add3A_226 = arith.addf %mul3A_218, %mul3A_225 : vector<16xf32>
          %add3A_227 = arith.addf %add3A_211, %add3A_226 : vector<16xf32>
          %get3A_228 = arith.index_cast %add3A_197 : i32 to index
          %get3A_229 = arith.constant 64 : index
          %get3A_230 = tpu.vector_load %arg11[%get3A_228, %get3A_229] {strides = array<i32>} : memref<80x128xf32, #tpu.memory_space<vmem>>, vector<16xf32>,
          %get3A_231 = arith.index_cast %add3A_197 : i32 to index
          %get3A_232 = arith.constant 64 : index
          %get3A_233 = tpu.vector_load %arg12[%get3A_231, %get3A_232] {strides = array<i32>} : memref<80x128xf32, #tpu.memory_space<vmem>>, vector<16xf32>,
          %mul3A_234 = arith.mulf %get3A_230, %get3A_233 : vector<16xf32>
          %get3A_235 = arith.index_cast %add3A_197 : i32 to index
          %get3A_236 = arith.constant 80 : index
          %get3A_237 = tpu.vector_load %arg11[%get3A_235, %get3A_236] {strides = array<i32>} : memref<80x128xf32, #tpu.memory_space<vmem>>, vector<16xf32>,
          %get3A_238 = arith.index_cast %add3A_197 : i32 to index
          %get3A_239 = arith.constant 80 : index
          %get3A_240 = tpu.vector_load %arg12[%get3A_238, %get3A_239] {strides = array<i32>} : memref<80x128xf32, #tpu.memory_space<vmem>>, vector<16xf32>,
          %mul3A_241 = arith.mulf %get3A_237, %get3A_240 : vector<16xf32>
          %add3A_242 = arith.addf %mul3A_234, %mul3A_241 : vector<16xf32>
          %get3A_243 = arith.index_cast %add3A_197 : i32 to index
          %get3A_244 = arith.constant 96 : index
          %get3A_245 = tpu.vector_load %arg11[%get3A_243, %get3A_244] {strides = array<i32>} : memref<80x128xf32, #tpu.memory_space<vmem>>, vector<16xf32>,
          %get3A_246 = arith.index_cast %add3A_197 : i32 to index
          %get3A_247 = arith.constant 96 : index
          %get3A_248 = tpu.vector_load %arg12[%get3A_246, %get3A_247] {strides = array<i32>} : memref<80x128xf32, #tpu.memory_space<vmem>>, vector<16xf32>,
          %mul3A_249 = arith.mulf %get3A_245, %get3A_248 : vector<16xf32>
          %get3A_250 = arith.index_cast %add3A_197 : i32 to index
          %get3A_251 = arith.constant 112 : index
          %get3A_252 = tpu.vector_load %arg11[%get3A_250, %get3A_251] {strides = array<i32>} : memref<80x128xf32, #tpu.memory_space<vmem>>, vector<16xf32>,
          %get3A_253 = arith.index_cast %add3A_197 : i32 to index
          %get3A_254 = arith.constant 112 : index
          %get3A_255 = tpu.vector_load %arg12[%get3A_253, %get3A_254] {strides = array<i32>} : memref<80x128xf32, #tpu.memory_space<vmem>>, vector<16xf32>,
          %mul3A_256 = arith.mulf %get3A_252, %get3A_255 : vector<16xf32>
          %add3A_257 = arith.addf %mul3A_249, %mul3A_256 : vector<16xf32>
          %add3A_258 = arith.addf %add3A_242, %add3A_257 : vector<16xf32>
          %add3A_259 = arith.addf %add3A_227, %add3A_258 : vector<16xf32>
          %broadcast_in_dim3A_260 = arith.constant true
          %broadcast_in_dim3A_261 = vector.broadcast %broadcast_in_dim3A_260 : i1 to vector<16xi1>
          %masked_cumsum3A = tpu.scan <sum>, %add3A_259 masked %broadcast_in_dim3A_261 : vector<16xf32>, vector<16xi1> -> vector<16xf32>
          %lt3A_262 = arith.constant 0 : i32
          %lt3A_263 = vector.broadcast %lt3A_262 : i32 to vector<16xi32>
          %lt3A_264 = arith.cmpi slt, %broadcast_in_dim3A_3, %lt3A_263 : vector<16xi32>
          %add3A_265 = arith.constant 16 : i32
          %add3A_266 = vector.broadcast %add3A_265 : i32 to vector<16xi32>
          %add3A_267 = arith.addi %broadcast_in_dim3A_3, %add3A_266 : vector<16xi32>
          %select_n3A = arith.select %lt3A_264, %add3A_267, %broadcast_in_dim3A_3 : vector<16xi1>, vector<16xi32>
          %reshape3A = vector.shape_cast %select_n3A : vector<16xi32> to vector<16x1xi32>
          %gather3A = vector.shape_cast %reshape3A : vector<16x1xi32> to vector<16xi32>
          %gather3A_268 = tpu.dynamic_gather %masked_cumsum3A[%gather3A] in [0] : vector<16xf32>, vector<16xi32> -> vector<16xf32>
          %eq3A = vector.broadcast %add3A_194 : i32 to vector<16xi32>
          %eq3A_269 = arith.cmpi eq, %iota3A, %eq3A : vector<16xi32>
          %select_n3A_270 = arith.select %eq3A_269, %gather3A_268, %scan3A_190 : vector<16xi1>, vector<16xf32>
          %add3A_271 = arith.constant 1 : i32
          %add3A_272 = arith.addi %mul3A_192, %add3A_271 : i32
          %mul3A_273 = arith.constant 16 : i32
          %mul3A_274 = arith.muli %scan3A_174, %mul3A_273 : i32
          %add3A_275 = arith.addi %mul3A_274, %add3A_272 : i32
          %get3A_276 = arith.index_cast %add3A_275 : i32 to index
          %get3A_277 = arith.constant 0 : index
          %get3A_278 = tpu.vector_load %arg11[%get3A_276, %get3A_277] {strides = array<i32>} : memref<80x128xf32, #tpu.memory_space<vmem>>, vector<16xf32>,
          %get3A_279 = arith.index_cast %add3A_275 : i32 to index
          %get3A_280 = arith.constant 0 : index
          %get3A_281 = tpu.vector_load %arg12[%get3A_279, %get3A_280] {strides = array<i32>} : memref<80x128xf32, #tpu.memory_space<vmem>>, vector<16xf32>,
          %mul3A_282 = arith.mulf %get3A_278, %get3A_281 : vector<16xf32>
          %get3A_283 = arith.index_cast %add3A_275 : i32 to index
          %get3A_284 = arith.constant 16 : index
          %get3A_285 = tpu.vector_load %arg11[%get3A_283, %get3A_284] {strides = array<i32>} : memref<80x128xf32, #tpu.memory_space<vmem>>, vector<16xf32>,
          %get3A_286 = arith.index_cast %add3A_275 : i32 to index
          %get3A_287 = arith.constant 16 : index
          %get3A_288 = tpu.vector_load %arg12[%get3A_286, %get3A_287] {strides = array<i32>} : memref<80x128xf32, #tpu.memory_space<vmem>>, vector<16xf32>,
          %mul3A_289 = arith.mulf %get3A_285, %get3A_288 : vector<16xf32>
          %add3A_290 = arith.addf %mul3A_282, %mul3A_289 : vector<16xf32>
          %get3A_291 = arith.index_cast %add3A_275 : i32 to index
          %get3A_292 = arith.constant 32 : index
          %get3A_293 = tpu.vector_load %arg11[%get3A_291, %get3A_292] {strides = array<i32>} : memref<80x128xf32, #tpu.memory_space<vmem>>, vector<16xf32>,
          %get3A_294 = arith.index_cast %add3A_275 : i32 to index
          %get3A_295 = arith.constant 32 : index
          %get3A_296 = tpu.vector_load %arg12[%get3A_294, %get3A_295] {strides = array<i32>} : memref<80x128xf32, #tpu.memory_space<vmem>>, vector<16xf32>,
          %mul3A_297 = arith.mulf %get3A_293, %get3A_296 : vector<16xf32>
          %get3A_298 = arith.index_cast %add3A_275 : i32 to index
          %get3A_299 = arith.constant 48 : index
          %get3A_300 = tpu.vector_load %arg11[%get3A_298, %get3A_299] {strides = array<i32>} : memref<80x128xf32, #tpu.memory_space<vmem>>, vector<16xf32>,
          %get3A_301 = arith.index_cast %add3A_275 : i32 to index
          %get3A_302 = arith.constant 48 : index
          %get3A_303 = tpu.vector_load %arg12[%get3A_301, %get3A_302] {strides = array<i32>} : memref<80x128xf32, #tpu.memory_space<vmem>>, vector<16xf32>,
          %mul3A_304 = arith.mulf %get3A_300, %get3A_303 : vector<16xf32>
          %add3A_305 = arith.addf %mul3A_297, %mul3A_304 : vector<16xf32>
          %add3A_306 = arith.addf %add3A_290, %add3A_305 : vector<16xf32>
          %get3A_307 = arith.index_cast %add3A_275 : i32 to index
          %get3A_308 = arith.constant 64 : index
          %get3A_309 = tpu.vector_load %arg11[%get3A_307, %get3A_308] {strides = array<i32>} : memref<80x128xf32, #tpu.memory_space<vmem>>, vector<16xf32>,
          %get3A_310 = arith.index_cast %add3A_275 : i32 to index
          %get3A_311 = arith.constant 64 : index
          %get3A_312 = tpu.vector_load %arg12[%get3A_310, %get3A_311] {strides = array<i32>} : memref<80x128xf32, #tpu.memory_space<vmem>>, vector<16xf32>,
          %mul3A_313 = arith.mulf %get3A_309, %get3A_312 : vector<16xf32>
          %get3A_314 = arith.index_cast %add3A_275 : i32 to index
          %get3A_315 = arith.constant 80 : index
          %get3A_316 = tpu.vector_load %arg11[%get3A_314, %get3A_315] {strides = array<i32>} : memref<80x128xf32, #tpu.memory_space<vmem>>, vector<16xf32>,
          %get3A_317 = arith.index_cast %add3A_275 : i32 to index
          %get3A_318 = arith.constant 80 : index
          %get3A_319 = tpu.vector_load %arg12[%get3A_317, %get3A_318] {strides = array<i32>} : memref<80x128xf32, #tpu.memory_space<vmem>>, vector<16xf32>,
          %mul3A_320 = arith.mulf %get3A_316, %get3A_319 : vector<16xf32>
          %add3A_321 = arith.addf %mul3A_313, %mul3A_320 : vector<16xf32>
          %get3A_322 = arith.index_cast %add3A_275 : i32 to index
          %get3A_323 = arith.constant 96 : index
          %get3A_324 = tpu.vector_load %arg11[%get3A_322, %get3A_323] {strides = array<i32>} : memref<80x128xf32, #tpu.memory_space<vmem>>, vector<16xf32>,
          %get3A_325 = arith.index_cast %add3A_275 : i32 to index
          %get3A_326 = arith.constant 96 : index
          %get3A_327 = tpu.vector_load %arg12[%get3A_325, %get3A_326] {strides = array<i32>} : memref<80x128xf32, #tpu.memory_space<vmem>>, vector<16xf32>,
          %mul3A_328 = arith.mulf %get3A_324, %get3A_327 : vector<16xf32>
          %get3A_329 = arith.index_cast %add3A_275 : i32 to index
          %get3A_330 = arith.constant 112 : index
          %get3A_331 = tpu.vector_load %arg11[%get3A_329, %get3A_330] {strides = array<i32>} : memref<80x128xf32, #tpu.memory_space<vmem>>, vector<16xf32>,
          %get3A_332 = arith.index_cast %add3A_275 : i32 to index
          %get3A_333 = arith.constant 112 : index
          %get3A_334 = tpu.vector_load %arg12[%get3A_332, %get3A_333] {strides = array<i32>} : memref<80x128xf32, #tpu.memory_space<vmem>>, vector<16xf32>,
          %mul3A_335 = arith.mulf %get3A_331, %get3A_334 : vector<16xf32>
          %add3A_336 = arith.addf %mul3A_328, %mul3A_335 : vector<16xf32>
          %add3A_337 = arith.addf %add3A_321, %add3A_336 : vector<16xf32>
          %add3A_338 = arith.addf %add3A_306, %add3A_337 : vector<16xf32>
          %broadcast_in_dim3A_339 = arith.constant true
          %broadcast_in_dim3A_340 = vector.broadcast %broadcast_in_dim3A_339 : i1 to vector<16xi1>
          %masked_cumsum3A_341 = tpu.scan <sum>, %add3A_338 masked %broadcast_in_dim3A_340 : vector<16xf32>, vector<16xi1> -> vector<16xf32>
          %lt3A_342 = arith.constant 0 : i32
          %lt3A_343 = vector.broadcast %lt3A_342 : i32 to vector<16xi32>
          %lt3A_344 = arith.cmpi slt, %broadcast_in_dim3A_3, %lt3A_343 : vector<16xi32>
          %add3A_345 = arith.constant 16 : i32
          %add3A_346 = vector.broadcast %add3A_345 : i32 to vector<16xi32>
          %add3A_347 = arith.addi %broadcast_in_dim3A_3, %add3A_346 : vector<16xi32>
          %select_n3A_348 = arith.select %lt3A_344, %add3A_347, %broadcast_in_dim3A_3 : vector<16xi1>, vector<16xi32>
          %reshape3A_349 = vector.shape_cast %select_n3A_348 : vector<16xi32> to vector<16x1xi32>
          %gather3A_350 = vector.shape_cast %reshape3A_349 : vector<16x1xi32> to vector<16xi32>
          %gather3A_351 = tpu.dynamic_gather %masked_cumsum3A_341[%gather3A_350] in [0] : vector<16xf32>, vector<16xi32> -> vector<16xf32>
          %eq3A_352 = vector.broadcast %add3A_272 : i32 to vector<16xi32>
          %eq3A_353 = arith.cmpi eq, %iota3A, %eq3A_352 : vector<16xi32>
          %select_n3A_354 = arith.select %eq3A_353, %gather3A_351, %select_n3A_270 : vector<16xi1>, vector<16xf32>
          %add3A_355 = arith.constant 2 : i32
          %add3A_356 = arith.addi %mul3A_192, %add3A_355 : i32
          %mul3A_357 = arith.constant 16 : i32
          %mul3A_358 = arith.muli %scan3A_174, %mul3A_357 : i32
          %add3A_359 = arith.addi %mul3A_358, %add3A_356 : i32
          %get3A_360 = arith.index_cast %add3A_359 : i32 to index
          %get3A_361 = arith.constant 0 : index
          %get3A_362 = tpu.vector_load %arg11[%get3A_360, %get3A_361] {strides = array<i32>} : memref<80x128xf32, #tpu.memory_space<vmem>>, vector<16xf32>,
          %get3A_363 = arith.index_cast %add3A_359 : i32 to index
          %get3A_364 = arith.constant 0 : index
          %get3A_365 = tpu.vector_load %arg12[%get3A_363, %get3A_364] {strides = array<i32>} : memref<80x128xf32, #tpu.memory_space<vmem>>, vector<16xf32>,
          %mul3A_366 = arith.mulf %get3A_362, %get3A_365 : vector<16xf32>
          %get3A_367 = arith.index_cast %add3A_359 : i32 to index
          %get3A_368 = arith.constant 16 : index
          %get3A_369 = tpu.vector_load %arg11[%get3A_367, %get3A_368] {strides = array<i32>} : memref<80x128xf32, #tpu.memory_space<vmem>>, vector<16xf32>,
          %get3A_370 = arith.index_cast %add3A_359 : i32 to index
          %get3A_371 = arith.constant 16 : index
          %get3A_372 = tpu.vector_load %arg12[%get3A_370, %get3A_371] {strides = array<i32>} : memref<80x128xf32, #tpu.memory_space<vmem>>, vector<16xf32>,
          %mul3A_373 = arith.mulf %get3A_369, %get3A_372 : vector<16xf32>
          %add3A_374 = arith.addf %mul3A_366, %mul3A_373 : vector<16xf32>
          %get3A_375 = arith.index_cast %add3A_359 : i32 to index
          %get3A_376 = arith.constant 32 : index
          %get3A_377 = tpu.vector_load %arg11[%get3A_375, %get3A_376] {strides = array<i32>} : memref<80x128xf32, #tpu.memory_space<vmem>>, vector<16xf32>,
          %get3A_378 = arith.index_cast %add3A_359 : i32 to index
          %get3A_379 = arith.constant 32 : index
          %get3A_380 = tpu.vector_load %arg12[%get3A_378, %get3A_379] {strides = array<i32>} : memref<80x128xf32, #tpu.memory_space<vmem>>, vector<16xf32>,
          %mul3A_381 = arith.mulf %get3A_377, %get3A_380 : vector<16xf32>
          %get3A_382 = arith.index_cast %add3A_359 : i32 to index
          %get3A_383 = arith.constant 48 : index
          %get3A_384 = tpu.vector_load %arg11[%get3A_382, %get3A_383] {strides = array<i32>} : memref<80x128xf32, #tpu.memory_space<vmem>>, vector<16xf32>,
          %get3A_385 = arith.index_cast %add3A_359 : i32 to index
          %get3A_386 = arith.constant 48 : index
          %get3A_387 = tpu.vector_load %arg12[%get3A_385, %get3A_386] {strides = array<i32>} : memref<80x128xf32, #tpu.memory_space<vmem>>, vector<16xf32>,
          %mul3A_388 = arith.mulf %get3A_384, %get3A_387 : vector<16xf32>
          %add3A_389 = arith.addf %mul3A_381, %mul3A_388 : vector<16xf32>
          %add3A_390 = arith.addf %add3A_374, %add3A_389 : vector<16xf32>
          %get3A_391 = arith.index_cast %add3A_359 : i32 to index
          %get3A_392 = arith.constant 64 : index
          %get3A_393 = tpu.vector_load %arg11[%get3A_391, %get3A_392] {strides = array<i32>} : memref<80x128xf32, #tpu.memory_space<vmem>>, vector<16xf32>,
          %get3A_394 = arith.index_cast %add3A_359 : i32 to index
          %get3A_395 = arith.constant 64 : index
          %get3A_396 = tpu.vector_load %arg12[%get3A_394, %get3A_395] {strides = array<i32>} : memref<80x128xf32, #tpu.memory_space<vmem>>, vector<16xf32>,
          %mul3A_397 = arith.mulf %get3A_393, %get3A_396 : vector<16xf32>
          %get3A_398 = arith.index_cast %add3A_359 : i32 to index
          %get3A_399 = arith.constant 80 : index
          %get3A_400 = tpu.vector_load %arg11[%get3A_398, %get3A_399] {strides = array<i32>} : memref<80x128xf32, #tpu.memory_space<vmem>>, vector<16xf32>,
          %get3A_401 = arith.index_cast %add3A_359 : i32 to index
          %get3A_402 = arith.constant 80 : index
          %get3A_403 = tpu.vector_load %arg12[%get3A_401, %get3A_402] {strides = array<i32>} : memref<80x128xf32, #tpu.memory_space<vmem>>, vector<16xf32>,
          %mul3A_404 = arith.mulf %get3A_400, %get3A_403 : vector<16xf32>
          %add3A_405 = arith.addf %mul3A_397, %mul3A_404 : vector<16xf32>
          %get3A_406 = arith.index_cast %add3A_359 : i32 to index
          %get3A_407 = arith.constant 96 : index
          %get3A_408 = tpu.vector_load %arg11[%get3A_406, %get3A_407] {strides = array<i32>} : memref<80x128xf32, #tpu.memory_space<vmem>>, vector<16xf32>,
          %get3A_409 = arith.index_cast %add3A_359 : i32 to index
          %get3A_410 = arith.constant 96 : index
          %get3A_411 = tpu.vector_load %arg12[%get3A_409, %get3A_410] {strides = array<i32>} : memref<80x128xf32, #tpu.memory_space<vmem>>, vector<16xf32>,
          %mul3A_412 = arith.mulf %get3A_408, %get3A_411 : vector<16xf32>
          %get3A_413 = arith.index_cast %add3A_359 : i32 to index
          %get3A_414 = arith.constant 112 : index
          %get3A_415 = tpu.vector_load %arg11[%get3A_413, %get3A_414] {strides = array<i32>} : memref<80x128xf32, #tpu.memory_space<vmem>>, vector<16xf32>,
          %get3A_416 = arith.index_cast %add3A_359 : i32 to index
          %get3A_417 = arith.constant 112 : index
          %get3A_418 = tpu.vector_load %arg12[%get3A_416, %get3A_417] {strides = array<i32>} : memref<80x128xf32, #tpu.memory_space<vmem>>, vector<16xf32>,
          %mul3A_419 = arith.mulf %get3A_415, %get3A_418 : vector<16xf32>
          %add3A_420 = arith.addf %mul3A_412, %mul3A_419 : vector<16xf32>
          %add3A_421 = arith.addf %add3A_405, %add3A_420 : vector<16xf32>
          %add3A_422 = arith.addf %add3A_390, %add3A_421 : vector<16xf32>
          %broadcast_in_dim3A_423 = arith.constant true
          %broadcast_in_dim3A_424 = vector.broadcast %broadcast_in_dim3A_423 : i1 to vector<16xi1>
          %masked_cumsum3A_425 = tpu.scan <sum>, %add3A_422 masked %broadcast_in_dim3A_424 : vector<16xf32>, vector<16xi1> -> vector<16xf32>
          %lt3A_426 = arith.constant 0 : i32
          %lt3A_427 = vector.broadcast %lt3A_426 : i32 to vector<16xi32>
          %lt3A_428 = arith.cmpi slt, %broadcast_in_dim3A_3, %lt3A_427 : vector<16xi32>
          %add3A_429 = arith.constant 16 : i32
          %add3A_430 = vector.broadcast %add3A_429 : i32 to vector<16xi32>
          %add3A_431 = arith.addi %broadcast_in_dim3A_3, %add3A_430 : vector<16xi32>
          %select_n3A_432 = arith.select %lt3A_428, %add3A_431, %broadcast_in_dim3A_3 : vector<16xi1>, vector<16xi32>
          %reshape3A_433 = vector.shape_cast %select_n3A_432 : vector<16xi32> to vector<16x1xi32>
          %gather3A_434 = vector.shape_cast %reshape3A_433 : vector<16x1xi32> to vector<16xi32>
          %gather3A_435 = tpu.dynamic_gather %masked_cumsum3A_425[%gather3A_434] in [0] : vector<16xf32>, vector<16xi32> -> vector<16xf32>
          %eq3A_436 = vector.broadcast %add3A_356 : i32 to vector<16xi32>
          %eq3A_437 = arith.cmpi eq, %iota3A, %eq3A_436 : vector<16xi32>
          %select_n3A_438 = arith.select %eq3A_437, %gather3A_435, %select_n3A_354 : vector<16xi1>, vector<16xf32>
          %add3A_439 = arith.constant 3 : i32
          %add3A_440 = arith.addi %mul3A_192, %add3A_439 : i32
          %mul3A_441 = arith.constant 16 : i32
          %mul3A_442 = arith.muli %scan3A_174, %mul3A_441 : i32
          %add3A_443 = arith.addi %mul3A_442, %add3A_440 : i32
          %get3A_444 = arith.index_cast %add3A_443 : i32 to index
          %get3A_445 = arith.constant 0 : index
          %get3A_446 = tpu.vector_load %arg11[%get3A_444, %get3A_445] {strides = array<i32>} : memref<80x128xf32, #tpu.memory_space<vmem>>, vector<16xf32>,
          %get3A_447 = arith.index_cast %add3A_443 : i32 to index
          %get3A_448 = arith.constant 0 : index
          %get3A_449 = tpu.vector_load %arg12[%get3A_447, %get3A_448] {strides = array<i32>} : memref<80x128xf32, #tpu.memory_space<vmem>>, vector<16xf32>,
          %mul3A_450 = arith.mulf %get3A_446, %get3A_449 : vector<16xf32>
          %get3A_451 = arith.index_cast %add3A_443 : i32 to index
          %get3A_452 = arith.constant 16 : index
          %get3A_453 = tpu.vector_load %arg11[%get3A_451, %get3A_452] {strides = array<i32>} : memref<80x128xf32, #tpu.memory_space<vmem>>, vector<16xf32>,
          %get3A_454 = arith.index_cast %add3A_443 : i32 to index
          %get3A_455 = arith.constant 16 : index
          %get3A_456 = tpu.vector_load %arg12[%get3A_454, %get3A_455] {strides = array<i32>} : memref<80x128xf32, #tpu.memory_space<vmem>>, vector<16xf32>,
          %mul3A_457 = arith.mulf %get3A_453, %get3A_456 : vector<16xf32>
          %add3A_458 = arith.addf %mul3A_450, %mul3A_457 : vector<16xf32>
          %get3A_459 = arith.index_cast %add3A_443 : i32 to index
          %get3A_460 = arith.constant 32 : index
          %get3A_461 = tpu.vector_load %arg11[%get3A_459, %get3A_460] {strides = array<i32>} : memref<80x128xf32, #tpu.memory_space<vmem>>, vector<16xf32>,
          %get3A_462 = arith.index_cast %add3A_443 : i32 to index
          %get3A_463 = arith.constant 32 : index
          %get3A_464 = tpu.vector_load %arg12[%get3A_462, %get3A_463] {strides = array<i32>} : memref<80x128xf32, #tpu.memory_space<vmem>>, vector<16xf32>,
          %mul3A_465 = arith.mulf %get3A_461, %get3A_464 : vector<16xf32>
          %get3A_466 = arith.index_cast %add3A_443 : i32 to index
          %get3A_467 = arith.constant 48 : index
          %get3A_468 = tpu.vector_load %arg11[%get3A_466, %get3A_467] {strides = array<i32>} : memref<80x128xf32, #tpu.memory_space<vmem>>, vector<16xf32>,
          %get3A_469 = arith.index_cast %add3A_443 : i32 to index
          %get3A_470 = arith.constant 48 : index
          %get3A_471 = tpu.vector_load %arg12[%get3A_469, %get3A_470] {strides = array<i32>} : memref<80x128xf32, #tpu.memory_space<vmem>>, vector<16xf32>,
          %mul3A_472 = arith.mulf %get3A_468, %get3A_471 : vector<16xf32>
          %add3A_473 = arith.addf %mul3A_465, %mul3A_472 : vector<16xf32>
          %add3A_474 = arith.addf %add3A_458, %add3A_473 : vector<16xf32>
          %get3A_475 = arith.index_cast %add3A_443 : i32 to index
          %get3A_476 = arith.constant 64 : index
          %get3A_477 = tpu.vector_load %arg11[%get3A_475, %get3A_476] {strides = array<i32>} : memref<80x128xf32, #tpu.memory_space<vmem>>, vector<16xf32>,
          %get3A_478 = arith.index_cast %add3A_443 : i32 to index
          %get3A_479 = arith.constant 64 : index
          %get3A_480 = tpu.vector_load %arg12[%get3A_478, %get3A_479] {strides = array<i32>} : memref<80x128xf32, #tpu.memory_space<vmem>>, vector<16xf32>,
          %mul3A_481 = arith.mulf %get3A_477, %get3A_480 : vector<16xf32>
          %get3A_482 = arith.index_cast %add3A_443 : i32 to index
          %get3A_483 = arith.constant 80 : index
          %get3A_484 = tpu.vector_load %arg11[%get3A_482, %get3A_483] {strides = array<i32>} : memref<80x128xf32, #tpu.memory_space<vmem>>, vector<16xf32>,
          %get3A_485 = arith.index_cast %add3A_443 : i32 to index
          %get3A_486 = arith.constant 80 : index
          %get3A_487 = tpu.vector_load %arg12[%get3A_485, %get3A_486] {strides = array<i32>} : memref<80x128xf32, #tpu.memory_space<vmem>>, vector<16xf32>,
          %mul3A_488 = arith.mulf %get3A_484, %get3A_487 : vector<16xf32>
          %add3A_489 = arith.addf %mul3A_481, %mul3A_488 : vector<16xf32>
          %get3A_490 = arith.index_cast %add3A_443 : i32 to index
          %get3A_491 = arith.constant 96 : index
          %get3A_492 = tpu.vector_load %arg11[%get3A_490, %get3A_491] {strides = array<i32>} : memref<80x128xf32, #tpu.memory_space<vmem>>, vector<16xf32>,
          %get3A_493 = arith.index_cast %add3A_443 : i32 to index
          %get3A_494 = arith.constant 96 : index
          %get3A_495 = tpu.vector_load %arg12[%get3A_493, %get3A_494] {strides = array<i32>} : memref<80x128xf32, #tpu.memory_space<vmem>>, vector<16xf32>,
          %mul3A_496 = arith.mulf %get3A_492, %get3A_495 : vector<16xf32>
          %get3A_497 = arith.index_cast %add3A_443 : i32 to index
          %get3A_498 = arith.constant 112 : index
          %get3A_499 = tpu.vector_load %arg11[%get3A_497, %get3A_498] {strides = array<i32>} : memref<80x128xf32, #tpu.memory_space<vmem>>, vector<16xf32>,
          %get3A_500 = arith.index_cast %add3A_443 : i32 to index
          %get3A_501 = arith.constant 112 : index
          %get3A_502 = tpu.vector_load %arg12[%get3A_500, %get3A_501] {strides = array<i32>} : memref<80x128xf32, #tpu.memory_space<vmem>>, vector<16xf32>,
          %mul3A_503 = arith.mulf %get3A_499, %get3A_502 : vector<16xf32>
          %add3A_504 = arith.addf %mul3A_496, %mul3A_503 : vector<16xf32>
          %add3A_505 = arith.addf %add3A_489, %add3A_504 : vector<16xf32>
          %add3A_506 = arith.addf %add3A_474, %add3A_505 : vector<16xf32>
          %broadcast_in_dim3A_507 = arith.constant true
          %broadcast_in_dim3A_508 = vector.broadcast %broadcast_in_dim3A_507 : i1 to vector<16xi1>
          %masked_cumsum3A_509 = tpu.scan <sum>, %add3A_506 masked %broadcast_in_dim3A_508 : vector<16xf32>, vector<16xi1> -> vector<16xf32>
          %lt3A_510 = arith.constant 0 : i32
          %lt3A_511 = vector.broadcast %lt3A_510 : i32 to vector<16xi32>
          %lt3A_512 = arith.cmpi slt, %broadcast_in_dim3A_3, %lt3A_511 : vector<16xi32>
          %add3A_513 = arith.constant 16 : i32
          %add3A_514 = vector.broadcast %add3A_513 : i32 to vector<16xi32>
          %add3A_515 = arith.addi %broadcast_in_dim3A_3, %add3A_514 : vector<16xi32>
          %select_n3A_516 = arith.select %lt3A_512, %add3A_515, %broadcast_in_dim3A_3 : vector<16xi1>, vector<16xi32>
          %reshape3A_517 = vector.shape_cast %select_n3A_516 : vector<16xi32> to vector<16x1xi32>
          %gather3A_518 = vector.shape_cast %reshape3A_517 : vector<16x1xi32> to vector<16xi32>
          %gather3A_519 = tpu.dynamic_gather %masked_cumsum3A_509[%gather3A_518] in [0] : vector<16xf32>, vector<16xi32> -> vector<16xf32>
          %eq3A_520 = vector.broadcast %add3A_440 : i32 to vector<16xi32>
          %eq3A_521 = arith.cmpi eq, %iota3A, %eq3A_520 : vector<16xi32>
          %select_n3A_522 = arith.select %eq3A_521, %gather3A_519, %select_n3A_438 : vector<16xi1>, vector<16xf32>
          scf.yield %select_n3A_522 : vector<16xf32>
        }
        %scan3A_182 = arith.constant 4 : i32
        %mul3A_183 = arith.constant 80 : i32
        %mul3A_184 = arith.muli %add3A_84, %mul3A_183 : i32
        %mul3A_185 = arith.constant 16 : i32
        %mul3A_186 = arith.muli %scan3A_174, %mul3A_185 : i32
        %add3A_187 = arith.addi %mul3A_184, %mul3A_186 : i32
        %swap3A = arith.index_cast %add3A_187 : i32 to index
        %swap3A_188 = tpu.vector_load %arg8[%swap3A] {strides = array<i32>} : memref<10000xf32, #tpu.memory_space<vmem>>, vector<16xf32>,
        tpu.vector_store %arg8[%swap3A], %scan3A_181 {strides = array<i32>} : memref<10000xf32, #tpu.memory_space<vmem>>, vector<16xf32>,
      }
      %scan3A_111 = arith.constant 5 : i32
      %mul3A_112 = arith.constant 4 : i32
      %mul3A_113 = arith.muli %scan3A_53, %mul3A_112 : i32
      %add3A_114 = arith.constant 2 : i32
      %add3A_115 = arith.addi %mul3A_113, %add3A_114 : i32
      %add3A_116 = arith.constant 4 : i32
      %add3A_117 = arith.addi %add3A_115, %add3A_116 : i32
      %sub3A_118 = arith.constant 1 : i32
      %sub3A_119 = arith.subi %add3A_117, %sub3A_118 : i32
      %lt3A_120 = arith.constant 125 : i32
      %lt3A_121 = arith.cmpi slt, %sub3A_119, %lt3A_120 : i32
      %convert_element_type3A_122 = arith.extui %lt3A_121 : i1 to i32
      %cond3A_123 = arith.constant 0 : i32
      %cond3A_124 = arith.cmpi ne, %convert_element_type3A_122, %cond3A_123 : i32
      scf.if %cond3A_124 {
        %add3A_174 = arith.constant 4 : i32
        %add3A_175 = arith.addi %add3A_115, %add3A_174 : i32
        %sub3A_176 = arith.constant 1 : i32
        %sub3A_177 = arith.subi %add3A_175, %sub3A_176 : i32
        %mul3A_178 = arith.constant 80 : i32
        %mul3A_179 = arith.muli %sub3A_177, %mul3A_178 : i32
        %dma_start3A_180 = tpu.memref_slice %arg6[%mul3A_179] : memref<10000xi32, #tpu.memory_space<vmem>> -> memref<80xi32, #tpu.memory_space<vmem>>
        %dma_start3A_181 = arith.constant 0 : i32
        %dma_start3A_182 = arith.constant 0 : i32
        %dma_start3A_183 = tpu.memref_slice %arg2[%dma_start3A_181, %dma_start3A_182] : memref<10000x128xf32, #tpu.memory_space<hbm>> -> memref<10000x128xf32, #tpu.memory_space<hbm>>
        tpu.enqueue_indirect_dma source(%dma_start3A_183 : memref<10000x128xf32, #tpu.memory_space<hbm>>) target(%arg11 : memref<80x128xf32, #tpu.memory_space<vmem>>) offsets(%dma_start3A_180 : memref<80xi32, #tpu.memory_space<vmem>>) semaphore(%arg18 : memref<!tpu.dma_semaphore, #tpu.memory_space<semaphore_mem>>)
        %mul3A_184 = arith.constant 80 : i32
        %mul3A_185 = arith.muli %sub3A_177, %mul3A_184 : i32
        %dma_start3A_186 = tpu.memref_slice %arg7[%mul3A_185] : memref<10000xi32, #tpu.memory_space<vmem>> -> memref<80xi32, #tpu.memory_space<vmem>>
        %dma_start3A_187 = arith.constant 0 : i32
        %dma_start3A_188 = arith.constant 0 : i32
        %dma_start3A_189 = tpu.memref_slice %arg2[%dma_start3A_187, %dma_start3A_188] : memref<10000x128xf32, #tpu.memory_space<hbm>> -> memref<10000x128xf32, #tpu.memory_space<hbm>>
        tpu.enqueue_indirect_dma source(%dma_start3A_189 : memref<10000x128xf32, #tpu.memory_space<hbm>>) target(%arg12 : memref<80x128xf32, #tpu.memory_space<vmem>>) offsets(%dma_start3A_186 : memref<80xi32, #tpu.memory_space<vmem>>) semaphore(%arg18 : memref<!tpu.dma_semaphore, #tpu.memory_space<semaphore_mem>>)
      } else {
      }
      %mul3A_125 = arith.constant 80 : i32
      %mul3A_126 = arith.muli %add3A_115, %mul3A_125 : i32
      %dma_wait3A_127 = tpu.memref_slice %arg6[%mul3A_126] : memref<10000xi32, #tpu.memory_space<vmem>> -> memref<80xi32, #tpu.memory_space<vmem>>
      %dma_wait3A_128 = arith.constant 0 : i32
      %dma_wait3A_129 = arith.constant 0 : i32
      %dma_wait3A_130 = tpu.memref_slice %arg2[%dma_wait3A_128, %dma_wait3A_129] : memref<10000x128xf32, #tpu.memory_space<hbm>> -> memref<10000x128xf32, #tpu.memory_space<hbm>>
      tpu.wait_indirect_dma semaphore(%arg19 : memref<!tpu.dma_semaphore, #tpu.memory_space<semaphore_mem>>) src(%dma_wait3A_130 : memref<10000x128xf32, #tpu.memory_space<hbm>>) dst(%arg13 : memref<80x128xf32, #tpu.memory_space<vmem>>)
      %mul3A_131 = arith.constant 80 : i32
      %mul3A_132 = arith.muli %add3A_115, %mul3A_131 : i32
      %dma_wait3A_133 = tpu.memref_slice %arg7[%mul3A_132] : memref<10000xi32, #tpu.memory_space<vmem>> -> memref<80xi32, #tpu.memory_space<vmem>>
      %dma_wait3A_134 = arith.constant 0 : i32
      %dma_wait3A_135 = arith.constant 0 : i32
      %dma_wait3A_136 = tpu.memref_slice %arg2[%dma_wait3A_134, %dma_wait3A_135] : memref<10000x128xf32, #tpu.memory_space<hbm>> -> memref<10000x128xf32, #tpu.memory_space<hbm>>
      tpu.wait_indirect_dma semaphore(%arg19 : memref<!tpu.dma_semaphore, #tpu.memory_space<semaphore_mem>>) src(%dma_wait3A_136 : memref<10000x128xf32, #tpu.memory_space<hbm>>) dst(%arg14 : memref<80x128xf32, #tpu.memory_space<vmem>>)
      %scan3A_137 = arith.constant 0 : i32
      %scan3A_138 = arith.constant 0 : i32
      %scan3A_139 = arith.constant 5 : i32
      %scan3A_140 = arith.addi %scan3A_138, %scan3A_139 : i32
      %scan3A_141 = arith.constant 1 : i32
      scf.for %scan3A_174 = %scan3A_138 to %scan3A_140 step %scan3A_141  : i32 {
        %broadcast_in_dim3A_175 = arith.constant 0.000000e+00 : f32
        %broadcast_in_dim3A_176 = vector.broadcast %broadcast_in_dim3A_175 : f32 to vector<16xf32>
        %scan3A_177 = arith.constant 0 : i32
        %scan3A_178 = arith.constant 4 : i32
        %scan3A_179 = arith.addi %scan3A_177, %scan3A_178 : i32
        %scan3A_180 = arith.constant 1 : i32
        %scan3A_181 = scf.for %scan3A_189 = %scan3A_177 to %scan3A_179 step %scan3A_180 iter_args(%scan3A_190 = %broadcast_in_dim3A_176) -> (vector<16xf32>)  : i32 {
          %mul3A_191 = arith.constant 4 : i32
          %mul3A_192 = arith.muli %scan3A_189, %mul3A_191 : i32
          %add3A_193 = arith.constant 0 : i32
          %add3A_194 = arith.addi %mul3A_192, %add3A_193 : i32
          %mul3A_195 = arith.constant 16 : i32
          %mul3A_196 = arith.muli %scan3A_174, %mul3A_195 : i32
          %add3A_197 = arith.addi %mul3A_196, %add3A_194 : i32
          %get3A = arith.index_cast %add3A_197 : i32 to index
          %get3A_198 = arith.constant 0 : index
          %get3A_199 = tpu.vector_load %arg13[%get3A, %get3A_198] {strides = array<i32>} : memref<80x128xf32, #tpu.memory_space<vmem>>, vector<16xf32>,
          %get3A_200 = arith.index_cast %add3A_197 : i32 to index
          %get3A_201 = arith.constant 0 : index
          %get3A_202 = tpu.vector_load %arg14[%get3A_200, %get3A_201] {strides = array<i32>} : memref<80x128xf32, #tpu.memory_space<vmem>>, vector<16xf32>,
          %mul3A_203 = arith.mulf %get3A_199, %get3A_202 : vector<16xf32>
          %get3A_204 = arith.index_cast %add3A_197 : i32 to index
          %get3A_205 = arith.constant 16 : index
          %get3A_206 = tpu.vector_load %arg13[%get3A_204, %get3A_205] {strides = array<i32>} : memref<80x128xf32, #tpu.memory_space<vmem>>, vector<16xf32>,
          %get3A_207 = arith.index_cast %add3A_197 : i32 to index
          %get3A_208 = arith.constant 16 : index
          %get3A_209 = tpu.vector_load %arg14[%get3A_207, %get3A_208] {strides = array<i32>} : memref<80x128xf32, #tpu.memory_space<vmem>>, vector<16xf32>,
          %mul3A_210 = arith.mulf %get3A_206, %get3A_209 : vector<16xf32>
          %add3A_211 = arith.addf %mul3A_203, %mul3A_210 : vector<16xf32>
          %get3A_212 = arith.index_cast %add3A_197 : i32 to index
          %get3A_213 = arith.constant 32 : index
          %get3A_214 = tpu.vector_load %arg13[%get3A_212, %get3A_213] {strides = array<i32>} : memref<80x128xf32, #tpu.memory_space<vmem>>, vector<16xf32>,
          %get3A_215 = arith.index_cast %add3A_197 : i32 to index
          %get3A_216 = arith.constant 32 : index
          %get3A_217 = tpu.vector_load %arg14[%get3A_215, %get3A_216] {strides = array<i32>} : memref<80x128xf32, #tpu.memory_space<vmem>>, vector<16xf32>,
          %mul3A_218 = arith.mulf %get3A_214, %get3A_217 : vector<16xf32>
          %get3A_219 = arith.index_cast %add3A_197 : i32 to index
          %get3A_220 = arith.constant 48 : index
          %get3A_221 = tpu.vector_load %arg13[%get3A_219, %get3A_220] {strides = array<i32>} : memref<80x128xf32, #tpu.memory_space<vmem>>, vector<16xf32>,
          %get3A_222 = arith.index_cast %add3A_197 : i32 to index
          %get3A_223 = arith.constant 48 : index
          %get3A_224 = tpu.vector_load %arg14[%get3A_222, %get3A_223] {strides = array<i32>} : memref<80x128xf32, #tpu.memory_space<vmem>>, vector<16xf32>,
          %mul3A_225 = arith.mulf %get3A_221, %get3A_224 : vector<16xf32>
          %add3A_226 = arith.addf %mul3A_218, %mul3A_225 : vector<16xf32>
          %add3A_227 = arith.addf %add3A_211, %add3A_226 : vector<16xf32>
          %get3A_228 = arith.index_cast %add3A_197 : i32 to index
          %get3A_229 = arith.constant 64 : index
          %get3A_230 = tpu.vector_load %arg13[%get3A_228, %get3A_229] {strides = array<i32>} : memref<80x128xf32, #tpu.memory_space<vmem>>, vector<16xf32>,
          %get3A_231 = arith.index_cast %add3A_197 : i32 to index
          %get3A_232 = arith.constant 64 : index
          %get3A_233 = tpu.vector_load %arg14[%get3A_231, %get3A_232] {strides = array<i32>} : memref<80x128xf32, #tpu.memory_space<vmem>>, vector<16xf32>,
          %mul3A_234 = arith.mulf %get3A_230, %get3A_233 : vector<16xf32>
          %get3A_235 = arith.index_cast %add3A_197 : i32 to index
          %get3A_236 = arith.constant 80 : index
          %get3A_237 = tpu.vector_load %arg13[%get3A_235, %get3A_236] {strides = array<i32>} : memref<80x128xf32, #tpu.memory_space<vmem>>, vector<16xf32>,
          %get3A_238 = arith.index_cast %add3A_197 : i32 to index
          %get3A_239 = arith.constant 80 : index
          %get3A_240 = tpu.vector_load %arg14[%get3A_238, %get3A_239] {strides = array<i32>} : memref<80x128xf32, #tpu.memory_space<vmem>>, vector<16xf32>,
          %mul3A_241 = arith.mulf %get3A_237, %get3A_240 : vector<16xf32>
          %add3A_242 = arith.addf %mul3A_234, %mul3A_241 : vector<16xf32>
          %get3A_243 = arith.index_cast %add3A_197 : i32 to index
          %get3A_244 = arith.constant 96 : index
          %get3A_245 = tpu.vector_load %arg13[%get3A_243, %get3A_244] {strides = array<i32>} : memref<80x128xf32, #tpu.memory_space<vmem>>, vector<16xf32>,
          %get3A_246 = arith.index_cast %add3A_197 : i32 to index
          %get3A_247 = arith.constant 96 : index
          %get3A_248 = tpu.vector_load %arg14[%get3A_246, %get3A_247] {strides = array<i32>} : memref<80x128xf32, #tpu.memory_space<vmem>>, vector<16xf32>,
          %mul3A_249 = arith.mulf %get3A_245, %get3A_248 : vector<16xf32>
          %get3A_250 = arith.index_cast %add3A_197 : i32 to index
          %get3A_251 = arith.constant 112 : index
          %get3A_252 = tpu.vector_load %arg13[%get3A_250, %get3A_251] {strides = array<i32>} : memref<80x128xf32, #tpu.memory_space<vmem>>, vector<16xf32>,
          %get3A_253 = arith.index_cast %add3A_197 : i32 to index
          %get3A_254 = arith.constant 112 : index
          %get3A_255 = tpu.vector_load %arg14[%get3A_253, %get3A_254] {strides = array<i32>} : memref<80x128xf32, #tpu.memory_space<vmem>>, vector<16xf32>,
          %mul3A_256 = arith.mulf %get3A_252, %get3A_255 : vector<16xf32>
          %add3A_257 = arith.addf %mul3A_249, %mul3A_256 : vector<16xf32>
          %add3A_258 = arith.addf %add3A_242, %add3A_257 : vector<16xf32>
          %add3A_259 = arith.addf %add3A_227, %add3A_258 : vector<16xf32>
          %broadcast_in_dim3A_260 = arith.constant true
          %broadcast_in_dim3A_261 = vector.broadcast %broadcast_in_dim3A_260 : i1 to vector<16xi1>
          %masked_cumsum3A = tpu.scan <sum>, %add3A_259 masked %broadcast_in_dim3A_261 : vector<16xf32>, vector<16xi1> -> vector<16xf32>
          %lt3A_262 = arith.constant 0 : i32
          %lt3A_263 = vector.broadcast %lt3A_262 : i32 to vector<16xi32>
          %lt3A_264 = arith.cmpi slt, %broadcast_in_dim3A_3, %lt3A_263 : vector<16xi32>
          %add3A_265 = arith.constant 16 : i32
          %add3A_266 = vector.broadcast %add3A_265 : i32 to vector<16xi32>
          %add3A_267 = arith.addi %broadcast_in_dim3A_3, %add3A_266 : vector<16xi32>
          %select_n3A = arith.select %lt3A_264, %add3A_267, %broadcast_in_dim3A_3 : vector<16xi1>, vector<16xi32>
          %reshape3A = vector.shape_cast %select_n3A : vector<16xi32> to vector<16x1xi32>
          %gather3A = vector.shape_cast %reshape3A : vector<16x1xi32> to vector<16xi32>
          %gather3A_268 = tpu.dynamic_gather %masked_cumsum3A[%gather3A] in [0] : vector<16xf32>, vector<16xi32> -> vector<16xf32>
          %eq3A = vector.broadcast %add3A_194 : i32 to vector<16xi32>
          %eq3A_269 = arith.cmpi eq, %iota3A, %eq3A : vector<16xi32>
          %select_n3A_270 = arith.select %eq3A_269, %gather3A_268, %scan3A_190 : vector<16xi1>, vector<16xf32>
          %add3A_271 = arith.constant 1 : i32
          %add3A_272 = arith.addi %mul3A_192, %add3A_271 : i32
          %mul3A_273 = arith.constant 16 : i32
          %mul3A_274 = arith.muli %scan3A_174, %mul3A_273 : i32
          %add3A_275 = arith.addi %mul3A_274, %add3A_272 : i32
          %get3A_276 = arith.index_cast %add3A_275 : i32 to index
          %get3A_277 = arith.constant 0 : index
          %get3A_278 = tpu.vector_load %arg13[%get3A_276, %get3A_277] {strides = array<i32>} : memref<80x128xf32, #tpu.memory_space<vmem>>, vector<16xf32>,
          %get3A_279 = arith.index_cast %add3A_275 : i32 to index
          %get3A_280 = arith.constant 0 : index
          %get3A_281 = tpu.vector_load %arg14[%get3A_279, %get3A_280] {strides = array<i32>} : memref<80x128xf32, #tpu.memory_space<vmem>>, vector<16xf32>,
          %mul3A_282 = arith.mulf %get3A_278, %get3A_281 : vector<16xf32>
          %get3A_283 = arith.index_cast %add3A_275 : i32 to index
          %get3A_284 = arith.constant 16 : index
          %get3A_285 = tpu.vector_load %arg13[%get3A_283, %get3A_284] {strides = array<i32>} : memref<80x128xf32, #tpu.memory_space<vmem>>, vector<16xf32>,
          %get3A_286 = arith.index_cast %add3A_275 : i32 to index
          %get3A_287 = arith.constant 16 : index
          %get3A_288 = tpu.vector_load %arg14[%get3A_286, %get3A_287] {strides = array<i32>} : memref<80x128xf32, #tpu.memory_space<vmem>>, vector<16xf32>,
          %mul3A_289 = arith.mulf %get3A_285, %get3A_288 : vector<16xf32>
          %add3A_290 = arith.addf %mul3A_282, %mul3A_289 : vector<16xf32>
          %get3A_291 = arith.index_cast %add3A_275 : i32 to index
          %get3A_292 = arith.constant 32 : index
          %get3A_293 = tpu.vector_load %arg13[%get3A_291, %get3A_292] {strides = array<i32>} : memref<80x128xf32, #tpu.memory_space<vmem>>, vector<16xf32>,
          %get3A_294 = arith.index_cast %add3A_275 : i32 to index
          %get3A_295 = arith.constant 32 : index
          %get3A_296 = tpu.vector_load %arg14[%get3A_294, %get3A_295] {strides = array<i32>} : memref<80x128xf32, #tpu.memory_space<vmem>>, vector<16xf32>,
          %mul3A_297 = arith.mulf %get3A_293, %get3A_296 : vector<16xf32>
          %get3A_298 = arith.index_cast %add3A_275 : i32 to index
          %get3A_299 = arith.constant 48 : index
          %get3A_300 = tpu.vector_load %arg13[%get3A_298, %get3A_299] {strides = array<i32>} : memref<80x128xf32, #tpu.memory_space<vmem>>, vector<16xf32>,
          %get3A_301 = arith.index_cast %add3A_275 : i32 to index
          %get3A_302 = arith.constant 48 : index
          %get3A_303 = tpu.vector_load %arg14[%get3A_301, %get3A_302] {strides = array<i32>} : memref<80x128xf32, #tpu.memory_space<vmem>>, vector<16xf32>,
          %mul3A_304 = arith.mulf %get3A_300, %get3A_303 : vector<16xf32>
          %add3A_305 = arith.addf %mul3A_297, %mul3A_304 : vector<16xf32>
          %add3A_306 = arith.addf %add3A_290, %add3A_305 : vector<16xf32>
          %get3A_307 = arith.index_cast %add3A_275 : i32 to index
          %get3A_308 = arith.constant 64 : index
          %get3A_309 = tpu.vector_load %arg13[%get3A_307, %get3A_308] {strides = array<i32>} : memref<80x128xf32, #tpu.memory_space<vmem>>, vector<16xf32>,
          %get3A_310 = arith.index_cast %add3A_275 : i32 to index
          %get3A_311 = arith.constant 64 : index
          %get3A_312 = tpu.vector_load %arg14[%get3A_310, %get3A_311] {strides = array<i32>} : memref<80x128xf32, #tpu.memory_space<vmem>>, vector<16xf32>,
          %mul3A_313 = arith.mulf %get3A_309, %get3A_312 : vector<16xf32>
          %get3A_314 = arith.index_cast %add3A_275 : i32 to index
          %get3A_315 = arith.constant 80 : index
          %get3A_316 = tpu.vector_load %arg13[%get3A_314, %get3A_315] {strides = array<i32>} : memref<80x128xf32, #tpu.memory_space<vmem>>, vector<16xf32>,
          %get3A_317 = arith.index_cast %add3A_275 : i32 to index
          %get3A_318 = arith.constant 80 : index
          %get3A_319 = tpu.vector_load %arg14[%get3A_317, %get3A_318] {strides = array<i32>} : memref<80x128xf32, #tpu.memory_space<vmem>>, vector<16xf32>,
          %mul3A_320 = arith.mulf %get3A_316, %get3A_319 : vector<16xf32>
          %add3A_321 = arith.addf %mul3A_313, %mul3A_320 : vector<16xf32>
          %get3A_322 = arith.index_cast %add3A_275 : i32 to index
          %get3A_323 = arith.constant 96 : index
          %get3A_324 = tpu.vector_load %arg13[%get3A_322, %get3A_323] {strides = array<i32>} : memref<80x128xf32, #tpu.memory_space<vmem>>, vector<16xf32>,
          %get3A_325 = arith.index_cast %add3A_275 : i32 to index
          %get3A_326 = arith.constant 96 : index
          %get3A_327 = tpu.vector_load %arg14[%get3A_325, %get3A_326] {strides = array<i32>} : memref<80x128xf32, #tpu.memory_space<vmem>>, vector<16xf32>,
          %mul3A_328 = arith.mulf %get3A_324, %get3A_327 : vector<16xf32>
          %get3A_329 = arith.index_cast %add3A_275 : i32 to index
          %get3A_330 = arith.constant 112 : index
          %get3A_331 = tpu.vector_load %arg13[%get3A_329, %get3A_330] {strides = array<i32>} : memref<80x128xf32, #tpu.memory_space<vmem>>, vector<16xf32>,
          %get3A_332 = arith.index_cast %add3A_275 : i32 to index
          %get3A_333 = arith.constant 112 : index
          %get3A_334 = tpu.vector_load %arg14[%get3A_332, %get3A_333] {strides = array<i32>} : memref<80x128xf32, #tpu.memory_space<vmem>>, vector<16xf32>,
          %mul3A_335 = arith.mulf %get3A_331, %get3A_334 : vector<16xf32>
          %add3A_336 = arith.addf %mul3A_328, %mul3A_335 : vector<16xf32>
          %add3A_337 = arith.addf %add3A_321, %add3A_336 : vector<16xf32>
          %add3A_338 = arith.addf %add3A_306, %add3A_337 : vector<16xf32>
          %broadcast_in_dim3A_339 = arith.constant true
          %broadcast_in_dim3A_340 = vector.broadcast %broadcast_in_dim3A_339 : i1 to vector<16xi1>
          %masked_cumsum3A_341 = tpu.scan <sum>, %add3A_338 masked %broadcast_in_dim3A_340 : vector<16xf32>, vector<16xi1> -> vector<16xf32>
          %lt3A_342 = arith.constant 0 : i32
          %lt3A_343 = vector.broadcast %lt3A_342 : i32 to vector<16xi32>
          %lt3A_344 = arith.cmpi slt, %broadcast_in_dim3A_3, %lt3A_343 : vector<16xi32>
          %add3A_345 = arith.constant 16 : i32
          %add3A_346 = vector.broadcast %add3A_345 : i32 to vector<16xi32>
          %add3A_347 = arith.addi %broadcast_in_dim3A_3, %add3A_346 : vector<16xi32>
          %select_n3A_348 = arith.select %lt3A_344, %add3A_347, %broadcast_in_dim3A_3 : vector<16xi1>, vector<16xi32>
          %reshape3A_349 = vector.shape_cast %select_n3A_348 : vector<16xi32> to vector<16x1xi32>
          %gather3A_350 = vector.shape_cast %reshape3A_349 : vector<16x1xi32> to vector<16xi32>
          %gather3A_351 = tpu.dynamic_gather %masked_cumsum3A_341[%gather3A_350] in [0] : vector<16xf32>, vector<16xi32> -> vector<16xf32>
          %eq3A_352 = vector.broadcast %add3A_272 : i32 to vector<16xi32>
          %eq3A_353 = arith.cmpi eq, %iota3A, %eq3A_352 : vector<16xi32>
          %select_n3A_354 = arith.select %eq3A_353, %gather3A_351, %select_n3A_270 : vector<16xi1>, vector<16xf32>
          %add3A_355 = arith.constant 2 : i32
          %add3A_356 = arith.addi %mul3A_192, %add3A_355 : i32
          %mul3A_357 = arith.constant 16 : i32
          %mul3A_358 = arith.muli %scan3A_174, %mul3A_357 : i32
          %add3A_359 = arith.addi %mul3A_358, %add3A_356 : i32
          %get3A_360 = arith.index_cast %add3A_359 : i32 to index
          %get3A_361 = arith.constant 0 : index
          %get3A_362 = tpu.vector_load %arg13[%get3A_360, %get3A_361] {strides = array<i32>} : memref<80x128xf32, #tpu.memory_space<vmem>>, vector<16xf32>,
          %get3A_363 = arith.index_cast %add3A_359 : i32 to index
          %get3A_364 = arith.constant 0 : index
          %get3A_365 = tpu.vector_load %arg14[%get3A_363, %get3A_364] {strides = array<i32>} : memref<80x128xf32, #tpu.memory_space<vmem>>, vector<16xf32>,
          %mul3A_366 = arith.mulf %get3A_362, %get3A_365 : vector<16xf32>
          %get3A_367 = arith.index_cast %add3A_359 : i32 to index
          %get3A_368 = arith.constant 16 : index
          %get3A_369 = tpu.vector_load %arg13[%get3A_367, %get3A_368] {strides = array<i32>} : memref<80x128xf32, #tpu.memory_space<vmem>>, vector<16xf32>,
          %get3A_370 = arith.index_cast %add3A_359 : i32 to index
          %get3A_371 = arith.constant 16 : index
          %get3A_372 = tpu.vector_load %arg14[%get3A_370, %get3A_371] {strides = array<i32>} : memref<80x128xf32, #tpu.memory_space<vmem>>, vector<16xf32>,
          %mul3A_373 = arith.mulf %get3A_369, %get3A_372 : vector<16xf32>
          %add3A_374 = arith.addf %mul3A_366, %mul3A_373 : vector<16xf32>
          %get3A_375 = arith.index_cast %add3A_359 : i32 to index
          %get3A_376 = arith.constant 32 : index
          %get3A_377 = tpu.vector_load %arg13[%get3A_375, %get3A_376] {strides = array<i32>} : memref<80x128xf32, #tpu.memory_space<vmem>>, vector<16xf32>,
          %get3A_378 = arith.index_cast %add3A_359 : i32 to index
          %get3A_379 = arith.constant 32 : index
          %get3A_380 = tpu.vector_load %arg14[%get3A_378, %get3A_379] {strides = array<i32>} : memref<80x128xf32, #tpu.memory_space<vmem>>, vector<16xf32>,
          %mul3A_381 = arith.mulf %get3A_377, %get3A_380 : vector<16xf32>
          %get3A_382 = arith.index_cast %add3A_359 : i32 to index
          %get3A_383 = arith.constant 48 : index
          %get3A_384 = tpu.vector_load %arg13[%get3A_382, %get3A_383] {strides = array<i32>} : memref<80x128xf32, #tpu.memory_space<vmem>>, vector<16xf32>,
          %get3A_385 = arith.index_cast %add3A_359 : i32 to index
          %get3A_386 = arith.constant 48 : index
          %get3A_387 = tpu.vector_load %arg14[%get3A_385, %get3A_386] {strides = array<i32>} : memref<80x128xf32, #tpu.memory_space<vmem>>, vector<16xf32>,
          %mul3A_388 = arith.mulf %get3A_384, %get3A_387 : vector<16xf32>
          %add3A_389 = arith.addf %mul3A_381, %mul3A_388 : vector<16xf32>
          %add3A_390 = arith.addf %add3A_374, %add3A_389 : vector<16xf32>
          %get3A_391 = arith.index_cast %add3A_359 : i32 to index
          %get3A_392 = arith.constant 64 : index
          %get3A_393 = tpu.vector_load %arg13[%get3A_391, %get3A_392] {strides = array<i32>} : memref<80x128xf32, #tpu.memory_space<vmem>>, vector<16xf32>,
          %get3A_394 = arith.index_cast %add3A_359 : i32 to index
          %get3A_395 = arith.constant 64 : index
          %get3A_396 = tpu.vector_load %arg14[%get3A_394, %get3A_395] {strides = array<i32>} : memref<80x128xf32, #tpu.memory_space<vmem>>, vector<16xf32>,
          %mul3A_397 = arith.mulf %get3A_393, %get3A_396 : vector<16xf32>
          %get3A_398 = arith.index_cast %add3A_359 : i32 to index
          %get3A_399 = arith.constant 80 : index
          %get3A_400 = tpu.vector_load %arg13[%get3A_398, %get3A_399] {strides = array<i32>} : memref<80x128xf32, #tpu.memory_space<vmem>>, vector<16xf32>,
          %get3A_401 = arith.index_cast %add3A_359 : i32 to index
          %get3A_402 = arith.constant 80 : index
          %get3A_403 = tpu.vector_load %arg14[%get3A_401, %get3A_402] {strides = array<i32>} : memref<80x128xf32, #tpu.memory_space<vmem>>, vector<16xf32>,
          %mul3A_404 = arith.mulf %get3A_400, %get3A_403 : vector<16xf32>
          %add3A_405 = arith.addf %mul3A_397, %mul3A_404 : vector<16xf32>
          %get3A_406 = arith.index_cast %add3A_359 : i32 to index
          %get3A_407 = arith.constant 96 : index
          %get3A_408 = tpu.vector_load %arg13[%get3A_406, %get3A_407] {strides = array<i32>} : memref<80x128xf32, #tpu.memory_space<vmem>>, vector<16xf32>,
          %get3A_409 = arith.index_cast %add3A_359 : i32 to index
          %get3A_410 = arith.constant 96 : index
          %get3A_411 = tpu.vector_load %arg14[%get3A_409, %get3A_410] {strides = array<i32>} : memref<80x128xf32, #tpu.memory_space<vmem>>, vector<16xf32>,
          %mul3A_412 = arith.mulf %get3A_408, %get3A_411 : vector<16xf32>
          %get3A_413 = arith.index_cast %add3A_359 : i32 to index
          %get3A_414 = arith.constant 112 : index
          %get3A_415 = tpu.vector_load %arg13[%get3A_413, %get3A_414] {strides = array<i32>} : memref<80x128xf32, #tpu.memory_space<vmem>>, vector<16xf32>,
          %get3A_416 = arith.index_cast %add3A_359 : i32 to index
          %get3A_417 = arith.constant 112 : index
          %get3A_418 = tpu.vector_load %arg14[%get3A_416, %get3A_417] {strides = array<i32>} : memref<80x128xf32, #tpu.memory_space<vmem>>, vector<16xf32>,
          %mul3A_419 = arith.mulf %get3A_415, %get3A_418 : vector<16xf32>
          %add3A_420 = arith.addf %mul3A_412, %mul3A_419 : vector<16xf32>
          %add3A_421 = arith.addf %add3A_405, %add3A_420 : vector<16xf32>
          %add3A_422 = arith.addf %add3A_390, %add3A_421 : vector<16xf32>
          %broadcast_in_dim3A_423 = arith.constant true
          %broadcast_in_dim3A_424 = vector.broadcast %broadcast_in_dim3A_423 : i1 to vector<16xi1>
          %masked_cumsum3A_425 = tpu.scan <sum>, %add3A_422 masked %broadcast_in_dim3A_424 : vector<16xf32>, vector<16xi1> -> vector<16xf32>
          %lt3A_426 = arith.constant 0 : i32
          %lt3A_427 = vector.broadcast %lt3A_426 : i32 to vector<16xi32>
          %lt3A_428 = arith.cmpi slt, %broadcast_in_dim3A_3, %lt3A_427 : vector<16xi32>
          %add3A_429 = arith.constant 16 : i32
          %add3A_430 = vector.broadcast %add3A_429 : i32 to vector<16xi32>
          %add3A_431 = arith.addi %broadcast_in_dim3A_3, %add3A_430 : vector<16xi32>
          %select_n3A_432 = arith.select %lt3A_428, %add3A_431, %broadcast_in_dim3A_3 : vector<16xi1>, vector<16xi32>
          %reshape3A_433 = vector.shape_cast %select_n3A_432 : vector<16xi32> to vector<16x1xi32>
          %gather3A_434 = vector.shape_cast %reshape3A_433 : vector<16x1xi32> to vector<16xi32>
          %gather3A_435 = tpu.dynamic_gather %masked_cumsum3A_425[%gather3A_434] in [0] : vector<16xf32>, vector<16xi32> -> vector<16xf32>
          %eq3A_436 = vector.broadcast %add3A_356 : i32 to vector<16xi32>
          %eq3A_437 = arith.cmpi eq, %iota3A, %eq3A_436 : vector<16xi32>
          %select_n3A_438 = arith.select %eq3A_437, %gather3A_435, %select_n3A_354 : vector<16xi1>, vector<16xf32>
          %add3A_439 = arith.constant 3 : i32
          %add3A_440 = arith.addi %mul3A_192, %add3A_439 : i32
          %mul3A_441 = arith.constant 16 : i32
          %mul3A_442 = arith.muli %scan3A_174, %mul3A_441 : i32
          %add3A_443 = arith.addi %mul3A_442, %add3A_440 : i32
          %get3A_444 = arith.index_cast %add3A_443 : i32 to index
          %get3A_445 = arith.constant 0 : index
          %get3A_446 = tpu.vector_load %arg13[%get3A_444, %get3A_445] {strides = array<i32>} : memref<80x128xf32, #tpu.memory_space<vmem>>, vector<16xf32>,
          %get3A_447 = arith.index_cast %add3A_443 : i32 to index
          %get3A_448 = arith.constant 0 : index
          %get3A_449 = tpu.vector_load %arg14[%get3A_447, %get3A_448] {strides = array<i32>} : memref<80x128xf32, #tpu.memory_space<vmem>>, vector<16xf32>,
          %mul3A_450 = arith.mulf %get3A_446, %get3A_449 : vector<16xf32>
          %get3A_451 = arith.index_cast %add3A_443 : i32 to index
          %get3A_452 = arith.constant 16 : index
          %get3A_453 = tpu.vector_load %arg13[%get3A_451, %get3A_452] {strides = array<i32>} : memref<80x128xf32, #tpu.memory_space<vmem>>, vector<16xf32>,
          %get3A_454 = arith.index_cast %add3A_443 : i32 to index
          %get3A_455 = arith.constant 16 : index
          %get3A_456 = tpu.vector_load %arg14[%get3A_454, %get3A_455] {strides = array<i32>} : memref<80x128xf32, #tpu.memory_space<vmem>>, vector<16xf32>,
          %mul3A_457 = arith.mulf %get3A_453, %get3A_456 : vector<16xf32>
          %add3A_458 = arith.addf %mul3A_450, %mul3A_457 : vector<16xf32>
          %get3A_459 = arith.index_cast %add3A_443 : i32 to index
          %get3A_460 = arith.constant 32 : index
          %get3A_461 = tpu.vector_load %arg13[%get3A_459, %get3A_460] {strides = array<i32>} : memref<80x128xf32, #tpu.memory_space<vmem>>, vector<16xf32>,
          %get3A_462 = arith.index_cast %add3A_443 : i32 to index
          %get3A_463 = arith.constant 32 : index
          %get3A_464 = tpu.vector_load %arg14[%get3A_462, %get3A_463] {strides = array<i32>} : memref<80x128xf32, #tpu.memory_space<vmem>>, vector<16xf32>,
          %mul3A_465 = arith.mulf %get3A_461, %get3A_464 : vector<16xf32>
          %get3A_466 = arith.index_cast %add3A_443 : i32 to index
          %get3A_467 = arith.constant 48 : index
          %get3A_468 = tpu.vector_load %arg13[%get3A_466, %get3A_467] {strides = array<i32>} : memref<80x128xf32, #tpu.memory_space<vmem>>, vector<16xf32>,
          %get3A_469 = arith.index_cast %add3A_443 : i32 to index
          %get3A_470 = arith.constant 48 : index
          %get3A_471 = tpu.vector_load %arg14[%get3A_469, %get3A_470] {strides = array<i32>} : memref<80x128xf32, #tpu.memory_space<vmem>>, vector<16xf32>,
          %mul3A_472 = arith.mulf %get3A_468, %get3A_471 : vector<16xf32>
          %add3A_473 = arith.addf %mul3A_465, %mul3A_472 : vector<16xf32>
          %add3A_474 = arith.addf %add3A_458, %add3A_473 : vector<16xf32>
          %get3A_475 = arith.index_cast %add3A_443 : i32 to index
          %get3A_476 = arith.constant 64 : index
          %get3A_477 = tpu.vector_load %arg13[%get3A_475, %get3A_476] {strides = array<i32>} : memref<80x128xf32, #tpu.memory_space<vmem>>, vector<16xf32>,
          %get3A_478 = arith.index_cast %add3A_443 : i32 to index
          %get3A_479 = arith.constant 64 : index
          %get3A_480 = tpu.vector_load %arg14[%get3A_478, %get3A_479] {strides = array<i32>} : memref<80x128xf32, #tpu.memory_space<vmem>>, vector<16xf32>,
          %mul3A_481 = arith.mulf %get3A_477, %get3A_480 : vector<16xf32>
          %get3A_482 = arith.index_cast %add3A_443 : i32 to index
          %get3A_483 = arith.constant 80 : index
          %get3A_484 = tpu.vector_load %arg13[%get3A_482, %get3A_483] {strides = array<i32>} : memref<80x128xf32, #tpu.memory_space<vmem>>, vector<16xf32>,
          %get3A_485 = arith.index_cast %add3A_443 : i32 to index
          %get3A_486 = arith.constant 80 : index
          %get3A_487 = tpu.vector_load %arg14[%get3A_485, %get3A_486] {strides = array<i32>} : memref<80x128xf32, #tpu.memory_space<vmem>>, vector<16xf32>,
          %mul3A_488 = arith.mulf %get3A_484, %get3A_487 : vector<16xf32>
          %add3A_489 = arith.addf %mul3A_481, %mul3A_488 : vector<16xf32>
          %get3A_490 = arith.index_cast %add3A_443 : i32 to index
          %get3A_491 = arith.constant 96 : index
          %get3A_492 = tpu.vector_load %arg13[%get3A_490, %get3A_491] {strides = array<i32>} : memref<80x128xf32, #tpu.memory_space<vmem>>, vector<16xf32>,
          %get3A_493 = arith.index_cast %add3A_443 : i32 to index
          %get3A_494 = arith.constant 96 : index
          %get3A_495 = tpu.vector_load %arg14[%get3A_493, %get3A_494] {strides = array<i32>} : memref<80x128xf32, #tpu.memory_space<vmem>>, vector<16xf32>,
          %mul3A_496 = arith.mulf %get3A_492, %get3A_495 : vector<16xf32>
          %get3A_497 = arith.index_cast %add3A_443 : i32 to index
          %get3A_498 = arith.constant 112 : index
          %get3A_499 = tpu.vector_load %arg13[%get3A_497, %get3A_498] {strides = array<i32>} : memref<80x128xf32, #tpu.memory_space<vmem>>, vector<16xf32>,
          %get3A_500 = arith.index_cast %add3A_443 : i32 to index
          %get3A_501 = arith.constant 112 : index
          %get3A_502 = tpu.vector_load %arg14[%get3A_500, %get3A_501] {strides = array<i32>} : memref<80x128xf32, #tpu.memory_space<vmem>>, vector<16xf32>,
          %mul3A_503 = arith.mulf %get3A_499, %get3A_502 : vector<16xf32>
          %add3A_504 = arith.addf %mul3A_496, %mul3A_503 : vector<16xf32>
          %add3A_505 = arith.addf %add3A_489, %add3A_504 : vector<16xf32>
          %add3A_506 = arith.addf %add3A_474, %add3A_505 : vector<16xf32>
          %broadcast_in_dim3A_507 = arith.constant true
          %broadcast_in_dim3A_508 = vector.broadcast %broadcast_in_dim3A_507 : i1 to vector<16xi1>
          %masked_cumsum3A_509 = tpu.scan <sum>, %add3A_506 masked %broadcast_in_dim3A_508 : vector<16xf32>, vector<16xi1> -> vector<16xf32>
          %lt3A_510 = arith.constant 0 : i32
          %lt3A_511 = vector.broadcast %lt3A_510 : i32 to vector<16xi32>
          %lt3A_512 = arith.cmpi slt, %broadcast_in_dim3A_3, %lt3A_511 : vector<16xi32>
          %add3A_513 = arith.constant 16 : i32
          %add3A_514 = vector.broadcast %add3A_513 : i32 to vector<16xi32>
          %add3A_515 = arith.addi %broadcast_in_dim3A_3, %add3A_514 : vector<16xi32>
          %select_n3A_516 = arith.select %lt3A_512, %add3A_515, %broadcast_in_dim3A_3 : vector<16xi1>, vector<16xi32>
          %reshape3A_517 = vector.shape_cast %select_n3A_516 : vector<16xi32> to vector<16x1xi32>
          %gather3A_518 = vector.shape_cast %reshape3A_517 : vector<16x1xi32> to vector<16xi32>
          %gather3A_519 = tpu.dynamic_gather %masked_cumsum3A_509[%gather3A_518] in [0] : vector<16xf32>, vector<16xi32> -> vector<16xf32>
          %eq3A_520 = vector.broadcast %add3A_440 : i32 to vector<16xi32>
          %eq3A_521 = arith.cmpi eq, %iota3A, %eq3A_520 : vector<16xi32>
          %select_n3A_522 = arith.select %eq3A_521, %gather3A_519, %select_n3A_438 : vector<16xi1>, vector<16xf32>
          scf.yield %select_n3A_522 : vector<16xf32>
        }
        %scan3A_182 = arith.constant 4 : i32
        %mul3A_183 = arith.constant 80 : i32
        %mul3A_184 = arith.muli %add3A_115, %mul3A_183 : i32
        %mul3A_185 = arith.constant 16 : i32
        %mul3A_186 = arith.muli %scan3A_174, %mul3A_185 : i32
        %add3A_187 = arith.addi %mul3A_184, %mul3A_186 : i32
        %swap3A = arith.index_cast %add3A_187 : i32 to index
        %swap3A_188 = tpu.vector_load %arg8[%swap3A] {strides = array<i32>} : memref<10000xf32, #tpu.memory_space<vmem>>, vector<16xf32>,
        tpu.vector_store %arg8[%swap3A], %scan3A_181 {strides = array<i32>} : memref<10000xf32, #tpu.memory_space<vmem>>, vector<16xf32>,
      }
      %scan3A_142 = arith.constant 5 : i32
      %mul3A_143 = arith.constant 4 : i32
      %mul3A_144 = arith.muli %scan3A_53, %mul3A_143 : i32
      %add3A_145 = arith.constant 3 : i32
      %add3A_146 = arith.addi %mul3A_144, %add3A_145 : i32
      %add3A_147 = arith.constant 4 : i32
      %add3A_148 = arith.addi %add3A_146, %add3A_147 : i32
      %sub3A_149 = arith.constant 1 : i32
      %sub3A_150 = arith.subi %add3A_148, %sub3A_149 : i32
      %lt3A_151 = arith.constant 125 : i32
      %lt3A_152 = arith.cmpi slt, %sub3A_150, %lt3A_151 : i32
      %convert_element_type3A_153 = arith.extui %lt3A_152 : i1 to i32
      %cond3A_154 = arith.constant 0 : i32
      %cond3A_155 = arith.cmpi ne, %convert_element_type3A_153, %cond3A_154 : i32
      scf.if %cond3A_155 {
        %add3A_174 = arith.constant 4 : i32
        %add3A_175 = arith.addi %add3A_146, %add3A_174 : i32
        %sub3A_176 = arith.constant 1 : i32
        %sub3A_177 = arith.subi %add3A_175, %sub3A_176 : i32
        %mul3A_178 = arith.constant 80 : i32
        %mul3A_179 = arith.muli %sub3A_177, %mul3A_178 : i32
        %dma_start3A_180 = tpu.memref_slice %arg6[%mul3A_179] : memref<10000xi32, #tpu.memory_space<vmem>> -> memref<80xi32, #tpu.memory_space<vmem>>
        %dma_start3A_181 = arith.constant 0 : i32
        %dma_start3A_182 = arith.constant 0 : i32
        %dma_start3A_183 = tpu.memref_slice %arg2[%dma_start3A_181, %dma_start3A_182] : memref<10000x128xf32, #tpu.memory_space<hbm>> -> memref<10000x128xf32, #tpu.memory_space<hbm>>
        tpu.enqueue_indirect_dma source(%dma_start3A_183 : memref<10000x128xf32, #tpu.memory_space<hbm>>) target(%arg13 : memref<80x128xf32, #tpu.memory_space<vmem>>) offsets(%dma_start3A_180 : memref<80xi32, #tpu.memory_space<vmem>>) semaphore(%arg19 : memref<!tpu.dma_semaphore, #tpu.memory_space<semaphore_mem>>)
        %mul3A_184 = arith.constant 80 : i32
        %mul3A_185 = arith.muli %sub3A_177, %mul3A_184 : i32
        %dma_start3A_186 = tpu.memref_slice %arg7[%mul3A_185] : memref<10000xi32, #tpu.memory_space<vmem>> -> memref<80xi32, #tpu.memory_space<vmem>>
        %dma_start3A_187 = arith.constant 0 : i32
        %dma_start3A_188 = arith.constant 0 : i32
        %dma_start3A_189 = tpu.memref_slice %arg2[%dma_start3A_187, %dma_start3A_188] : memref<10000x128xf32, #tpu.memory_space<hbm>> -> memref<10000x128xf32, #tpu.memory_space<hbm>>
        tpu.enqueue_indirect_dma source(%dma_start3A_189 : memref<10000x128xf32, #tpu.memory_space<hbm>>) target(%arg14 : memref<80x128xf32, #tpu.memory_space<vmem>>) offsets(%dma_start3A_186 : memref<80xi32, #tpu.memory_space<vmem>>) semaphore(%arg19 : memref<!tpu.dma_semaphore, #tpu.memory_space<semaphore_mem>>)
      } else {
      }
      %mul3A_156 = arith.constant 80 : i32
      %mul3A_157 = arith.muli %add3A_146, %mul3A_156 : i32
      %dma_wait3A_158 = tpu.memref_slice %arg6[%mul3A_157] : memref<10000xi32, #tpu.memory_space<vmem>> -> memref<80xi32, #tpu.memory_space<vmem>>
      %dma_wait3A_159 = arith.constant 0 : i32
      %dma_wait3A_160 = arith.constant 0 : i32
      %dma_wait3A_161 = tpu.memref_slice %arg2[%dma_wait3A_159, %dma_wait3A_160] : memref<10000x128xf32, #tpu.memory_space<hbm>> -> memref<10000x128xf32, #tpu.memory_space<hbm>>
      tpu.wait_indirect_dma semaphore(%arg20 : memref<!tpu.dma_semaphore, #tpu.memory_space<semaphore_mem>>) src(%dma_wait3A_161 : memref<10000x128xf32, #tpu.memory_space<hbm>>) dst(%arg15 : memref<80x128xf32, #tpu.memory_space<vmem>>)
      %mul3A_162 = arith.constant 80 : i32
      %mul3A_163 = arith.muli %add3A_146, %mul3A_162 : i32
      %dma_wait3A_164 = tpu.memref_slice %arg7[%mul3A_163] : memref<10000xi32, #tpu.memory_space<vmem>> -> memref<80xi32, #tpu.memory_space<vmem>>
      %dma_wait3A_165 = arith.constant 0 : i32
      %dma_wait3A_166 = arith.constant 0 : i32
      %dma_wait3A_167 = tpu.memref_slice %arg2[%dma_wait3A_165, %dma_wait3A_166] : memref<10000x128xf32, #tpu.memory_space<hbm>> -> memref<10000x128xf32, #tpu.memory_space<hbm>>
      tpu.wait_indirect_dma semaphore(%arg20 : memref<!tpu.dma_semaphore, #tpu.memory_space<semaphore_mem>>) src(%dma_wait3A_167 : memref<10000x128xf32, #tpu.memory_space<hbm>>) dst(%arg16 : memref<80x128xf32, #tpu.memory_space<vmem>>)
      %scan3A_168 = arith.constant 0 : i32
      %scan3A_169 = arith.constant 0 : i32
      %scan3A_170 = arith.constant 5 : i32
      %scan3A_171 = arith.addi %scan3A_169, %scan3A_170 : i32
      %scan3A_172 = arith.constant 1 : i32
      scf.for %scan3A_174 = %scan3A_169 to %scan3A_171 step %scan3A_172  : i32 {
        %broadcast_in_dim3A_175 = arith.constant 0.000000e+00 : f32
        %broadcast_in_dim3A_176 = vector.broadcast %broadcast_in_dim3A_175 : f32 to vector<16xf32>
        %scan3A_177 = arith.constant 0 : i32
        %scan3A_178 = arith.constant 4 : i32
        %scan3A_179 = arith.addi %scan3A_177, %scan3A_178 : i32
        %scan3A_180 = arith.constant 1 : i32
        %scan3A_181 = scf.for %scan3A_189 = %scan3A_177 to %scan3A_179 step %scan3A_180 iter_args(%scan3A_190 = %broadcast_in_dim3A_176) -> (vector<16xf32>)  : i32 {
          %mul3A_191 = arith.constant 4 : i32
          %mul3A_192 = arith.muli %scan3A_189, %mul3A_191 : i32
          %add3A_193 = arith.constant 0 : i32
          %add3A_194 = arith.addi %mul3A_192, %add3A_193 : i32
          %mul3A_195 = arith.constant 16 : i32
          %mul3A_196 = arith.muli %scan3A_174, %mul3A_195 : i32
          %add3A_197 = arith.addi %mul3A_196, %add3A_194 : i32
          %get3A = arith.index_cast %add3A_197 : i32 to index
          %get3A_198 = arith.constant 0 : index
          %get3A_199 = tpu.vector_load %arg15[%get3A, %get3A_198] {strides = array<i32>} : memref<80x128xf32, #tpu.memory_space<vmem>>, vector<16xf32>,
          %get3A_200 = arith.index_cast %add3A_197 : i32 to index
          %get3A_201 = arith.constant 0 : index
          %get3A_202 = tpu.vector_load %arg16[%get3A_200, %get3A_201] {strides = array<i32>} : memref<80x128xf32, #tpu.memory_space<vmem>>, vector<16xf32>,
          %mul3A_203 = arith.mulf %get3A_199, %get3A_202 : vector<16xf32>
          %get3A_204 = arith.index_cast %add3A_197 : i32 to index
          %get3A_205 = arith.constant 16 : index
          %get3A_206 = tpu.vector_load %arg15[%get3A_204, %get3A_205] {strides = array<i32>} : memref<80x128xf32, #tpu.memory_space<vmem>>, vector<16xf32>,
          %get3A_207 = arith.index_cast %add3A_197 : i32 to index
          %get3A_208 = arith.constant 16 : index
          %get3A_209 = tpu.vector_load %arg16[%get3A_207, %get3A_208] {strides = array<i32>} : memref<80x128xf32, #tpu.memory_space<vmem>>, vector<16xf32>,
          %mul3A_210 = arith.mulf %get3A_206, %get3A_209 : vector<16xf32>
          %add3A_211 = arith.addf %mul3A_203, %mul3A_210 : vector<16xf32>
          %get3A_212 = arith.index_cast %add3A_197 : i32 to index
          %get3A_213 = arith.constant 32 : index
          %get3A_214 = tpu.vector_load %arg15[%get3A_212, %get3A_213] {strides = array<i32>} : memref<80x128xf32, #tpu.memory_space<vmem>>, vector<16xf32>,
          %get3A_215 = arith.index_cast %add3A_197 : i32 to index
          %get3A_216 = arith.constant 32 : index
          %get3A_217 = tpu.vector_load %arg16[%get3A_215, %get3A_216] {strides = array<i32>} : memref<80x128xf32, #tpu.memory_space<vmem>>, vector<16xf32>,
          %mul3A_218 = arith.mulf %get3A_214, %get3A_217 : vector<16xf32>
          %get3A_219 = arith.index_cast %add3A_197 : i32 to index
          %get3A_220 = arith.constant 48 : index
          %get3A_221 = tpu.vector_load %arg15[%get3A_219, %get3A_220] {strides = array<i32>} : memref<80x128xf32, #tpu.memory_space<vmem>>, vector<16xf32>,
          %get3A_222 = arith.index_cast %add3A_197 : i32 to index
          %get3A_223 = arith.constant 48 : index
          %get3A_224 = tpu.vector_load %arg16[%get3A_222, %get3A_223] {strides = array<i32>} : memref<80x128xf32, #tpu.memory_space<vmem>>, vector<16xf32>,
          %mul3A_225 = arith.mulf %get3A_221, %get3A_224 : vector<16xf32>
          %add3A_226 = arith.addf %mul3A_218, %mul3A_225 : vector<16xf32>
          %add3A_227 = arith.addf %add3A_211, %add3A_226 : vector<16xf32>
          %get3A_228 = arith.index_cast %add3A_197 : i32 to index
          %get3A_229 = arith.constant 64 : index
          %get3A_230 = tpu.vector_load %arg15[%get3A_228, %get3A_229] {strides = array<i32>} : memref<80x128xf32, #tpu.memory_space<vmem>>, vector<16xf32>,
          %get3A_231 = arith.index_cast %add3A_197 : i32 to index
          %get3A_232 = arith.constant 64 : index
          %get3A_233 = tpu.vector_load %arg16[%get3A_231, %get3A_232] {strides = array<i32>} : memref<80x128xf32, #tpu.memory_space<vmem>>, vector<16xf32>,
          %mul3A_234 = arith.mulf %get3A_230, %get3A_233 : vector<16xf32>
          %get3A_235 = arith.index_cast %add3A_197 : i32 to index
          %get3A_236 = arith.constant 80 : index
          %get3A_237 = tpu.vector_load %arg15[%get3A_235, %get3A_236] {strides = array<i32>} : memref<80x128xf32, #tpu.memory_space<vmem>>, vector<16xf32>,
          %get3A_238 = arith.index_cast %add3A_197 : i32 to index
          %get3A_239 = arith.constant 80 : index
          %get3A_240 = tpu.vector_load %arg16[%get3A_238, %get3A_239] {strides = array<i32>} : memref<80x128xf32, #tpu.memory_space<vmem>>, vector<16xf32>,
          %mul3A_241 = arith.mulf %get3A_237, %get3A_240 : vector<16xf32>
          %add3A_242 = arith.addf %mul3A_234, %mul3A_241 : vector<16xf32>
          %get3A_243 = arith.index_cast %add3A_197 : i32 to index
          %get3A_244 = arith.constant 96 : index
          %get3A_245 = tpu.vector_load %arg15[%get3A_243, %get3A_244] {strides = array<i32>} : memref<80x128xf32, #tpu.memory_space<vmem>>, vector<16xf32>,
          %get3A_246 = arith.index_cast %add3A_197 : i32 to index
          %get3A_247 = arith.constant 96 : index
          %get3A_248 = tpu.vector_load %arg16[%get3A_246, %get3A_247] {strides = array<i32>} : memref<80x128xf32, #tpu.memory_space<vmem>>, vector<16xf32>,
          %mul3A_249 = arith.mulf %get3A_245, %get3A_248 : vector<16xf32>
          %get3A_250 = arith.index_cast %add3A_197 : i32 to index
          %get3A_251 = arith.constant 112 : index
          %get3A_252 = tpu.vector_load %arg15[%get3A_250, %get3A_251] {strides = array<i32>} : memref<80x128xf32, #tpu.memory_space<vmem>>, vector<16xf32>,
          %get3A_253 = arith.index_cast %add3A_197 : i32 to index
          %get3A_254 = arith.constant 112 : index
          %get3A_255 = tpu.vector_load %arg16[%get3A_253, %get3A_254] {strides = array<i32>} : memref<80x128xf32, #tpu.memory_space<vmem>>, vector<16xf32>,
          %mul3A_256 = arith.mulf %get3A_252, %get3A_255 : vector<16xf32>
          %add3A_257 = arith.addf %mul3A_249, %mul3A_256 : vector<16xf32>
          %add3A_258 = arith.addf %add3A_242, %add3A_257 : vector<16xf32>
          %add3A_259 = arith.addf %add3A_227, %add3A_258 : vector<16xf32>
          %broadcast_in_dim3A_260 = arith.constant true
          %broadcast_in_dim3A_261 = vector.broadcast %broadcast_in_dim3A_260 : i1 to vector<16xi1>
          %masked_cumsum3A = tpu.scan <sum>, %add3A_259 masked %broadcast_in_dim3A_261 : vector<16xf32>, vector<16xi1> -> vector<16xf32>
          %lt3A_262 = arith.constant 0 : i32
          %lt3A_263 = vector.broadcast %lt3A_262 : i32 to vector<16xi32>
          %lt3A_264 = arith.cmpi slt, %broadcast_in_dim3A_3, %lt3A_263 : vector<16xi32>
          %add3A_265 = arith.constant 16 : i32
          %add3A_266 = vector.broadcast %add3A_265 : i32 to vector<16xi32>
          %add3A_267 = arith.addi %broadcast_in_dim3A_3, %add3A_266 : vector<16xi32>
          %select_n3A = arith.select %lt3A_264, %add3A_267, %broadcast_in_dim3A_3 : vector<16xi1>, vector<16xi32>
          %reshape3A = vector.shape_cast %select_n3A : vector<16xi32> to vector<16x1xi32>
          %gather3A = vector.shape_cast %reshape3A : vector<16x1xi32> to vector<16xi32>
          %gather3A_268 = tpu.dynamic_gather %masked_cumsum3A[%gather3A] in [0] : vector<16xf32>, vector<16xi32> -> vector<16xf32>
          %eq3A = vector.broadcast %add3A_194 : i32 to vector<16xi32>
          %eq3A_269 = arith.cmpi eq, %iota3A, %eq3A : vector<16xi32>
          %select_n3A_270 = arith.select %eq3A_269, %gather3A_268, %scan3A_190 : vector<16xi1>, vector<16xf32>
          %add3A_271 = arith.constant 1 : i32
          %add3A_272 = arith.addi %mul3A_192, %add3A_271 : i32
          %mul3A_273 = arith.constant 16 : i32
          %mul3A_274 = arith.muli %scan3A_174, %mul3A_273 : i32
          %add3A_275 = arith.addi %mul3A_274, %add3A_272 : i32
          %get3A_276 = arith.index_cast %add3A_275 : i32 to index
          %get3A_277 = arith.constant 0 : index
          %get3A_278 = tpu.vector_load %arg15[%get3A_276, %get3A_277] {strides = array<i32>} : memref<80x128xf32, #tpu.memory_space<vmem>>, vector<16xf32>,
          %get3A_279 = arith.index_cast %add3A_275 : i32 to index
          %get3A_280 = arith.constant 0 : index
          %get3A_281 = tpu.vector_load %arg16[%get3A_279, %get3A_280] {strides = array<i32>} : memref<80x128xf32, #tpu.memory_space<vmem>>, vector<16xf32>,
          %mul3A_282 = arith.mulf %get3A_278, %get3A_281 : vector<16xf32>
          %get3A_283 = arith.index_cast %add3A_275 : i32 to index
          %get3A_284 = arith.constant 16 : index
          %get3A_285 = tpu.vector_load %arg15[%get3A_283, %get3A_284] {strides = array<i32>} : memref<80x128xf32, #tpu.memory_space<vmem>>, vector<16xf32>,
          %get3A_286 = arith.index_cast %add3A_275 : i32 to index
          %get3A_287 = arith.constant 16 : index
          %get3A_288 = tpu.vector_load %arg16[%get3A_286, %get3A_287] {strides = array<i32>} : memref<80x128xf32, #tpu.memory_space<vmem>>, vector<16xf32>,
          %mul3A_289 = arith.mulf %get3A_285, %get3A_288 : vector<16xf32>
          %add3A_290 = arith.addf %mul3A_282, %mul3A_289 : vector<16xf32>
          %get3A_291 = arith.index_cast %add3A_275 : i32 to index
          %get3A_292 = arith.constant 32 : index
          %get3A_293 = tpu.vector_load %arg15[%get3A_291, %get3A_292] {strides = array<i32>} : memref<80x128xf32, #tpu.memory_space<vmem>>, vector<16xf32>,
          %get3A_294 = arith.index_cast %add3A_275 : i32 to index
          %get3A_295 = arith.constant 32 : index
          %get3A_296 = tpu.vector_load %arg16[%get3A_294, %get3A_295] {strides = array<i32>} : memref<80x128xf32, #tpu.memory_space<vmem>>, vector<16xf32>,
          %mul3A_297 = arith.mulf %get3A_293, %get3A_296 : vector<16xf32>
          %get3A_298 = arith.index_cast %add3A_275 : i32 to index
          %get3A_299 = arith.constant 48 : index
          %get3A_300 = tpu.vector_load %arg15[%get3A_298, %get3A_299] {strides = array<i32>} : memref<80x128xf32, #tpu.memory_space<vmem>>, vector<16xf32>,
          %get3A_301 = arith.index_cast %add3A_275 : i32 to index
          %get3A_302 = arith.constant 48 : index
          %get3A_303 = tpu.vector_load %arg16[%get3A_301, %get3A_302] {strides = array<i32>} : memref<80x128xf32, #tpu.memory_space<vmem>>, vector<16xf32>,
          %mul3A_304 = arith.mulf %get3A_300, %get3A_303 : vector<16xf32>
          %add3A_305 = arith.addf %mul3A_297, %mul3A_304 : vector<16xf32>
          %add3A_306 = arith.addf %add3A_290, %add3A_305 : vector<16xf32>
          %get3A_307 = arith.index_cast %add3A_275 : i32 to index
          %get3A_308 = arith.constant 64 : index
          %get3A_309 = tpu.vector_load %arg15[%get3A_307, %get3A_308] {strides = array<i32>} : memref<80x128xf32, #tpu.memory_space<vmem>>, vector<16xf32>,
          %get3A_310 = arith.index_cast %add3A_275 : i32 to index
          %get3A_311 = arith.constant 64 : index
          %get3A_312 = tpu.vector_load %arg16[%get3A_310, %get3A_311] {strides = array<i32>} : memref<80x128xf32, #tpu.memory_space<vmem>>, vector<16xf32>,
          %mul3A_313 = arith.mulf %get3A_309, %get3A_312 : vector<16xf32>
          %get3A_314 = arith.index_cast %add3A_275 : i32 to index
          %get3A_315 = arith.constant 80 : index
          %get3A_316 = tpu.vector_load %arg15[%get3A_314, %get3A_315] {strides = array<i32>} : memref<80x128xf32, #tpu.memory_space<vmem>>, vector<16xf32>,
          %get3A_317 = arith.index_cast %add3A_275 : i32 to index
          %get3A_318 = arith.constant 80 : index
          %get3A_319 = tpu.vector_load %arg16[%get3A_317, %get3A_318] {strides = array<i32>} : memref<80x128xf32, #tpu.memory_space<vmem>>, vector<16xf32>,
          %mul3A_320 = arith.mulf %get3A_316, %get3A_319 : vector<16xf32>
          %add3A_321 = arith.addf %mul3A_313, %mul3A_320 : vector<16xf32>
          %get3A_322 = arith.index_cast %add3A_275 : i32 to index
          %get3A_323 = arith.constant 96 : index
          %get3A_324 = tpu.vector_load %arg15[%get3A_322, %get3A_323] {strides = array<i32>} : memref<80x128xf32, #tpu.memory_space<vmem>>, vector<16xf32>,
          %get3A_325 = arith.index_cast %add3A_275 : i32 to index
          %get3A_326 = arith.constant 96 : index
          %get3A_327 = tpu.vector_load %arg16[%get3A_325, %get3A_326] {strides = array<i32>} : memref<80x128xf32, #tpu.memory_space<vmem>>, vector<16xf32>,
          %mul3A_328 = arith.mulf %get3A_324, %get3A_327 : vector<16xf32>
          %get3A_329 = arith.index_cast %add3A_275 : i32 to index
          %get3A_330 = arith.constant 112 : index
          %get3A_331 = tpu.vector_load %arg15[%get3A_329, %get3A_330] {strides = array<i32>} : memref<80x128xf32, #tpu.memory_space<vmem>>, vector<16xf32>,
          %get3A_332 = arith.index_cast %add3A_275 : i32 to index
          %get3A_333 = arith.constant 112 : index
          %get3A_334 = tpu.vector_load %arg16[%get3A_332, %get3A_333] {strides = array<i32>} : memref<80x128xf32, #tpu.memory_space<vmem>>, vector<16xf32>,
          %mul3A_335 = arith.mulf %get3A_331, %get3A_334 : vector<16xf32>
          %add3A_336 = arith.addf %mul3A_328, %mul3A_335 : vector<16xf32>
          %add3A_337 = arith.addf %add3A_321, %add3A_336 : vector<16xf32>
          %add3A_338 = arith.addf %add3A_306, %add3A_337 : vector<16xf32>
          %broadcast_in_dim3A_339 = arith.constant true
          %broadcast_in_dim3A_340 = vector.broadcast %broadcast_in_dim3A_339 : i1 to vector<16xi1>
          %masked_cumsum3A_341 = tpu.scan <sum>, %add3A_338 masked %broadcast_in_dim3A_340 : vector<16xf32>, vector<16xi1> -> vector<16xf32>
          %lt3A_342 = arith.constant 0 : i32
          %lt3A_343 = vector.broadcast %lt3A_342 : i32 to vector<16xi32>
          %lt3A_344 = arith.cmpi slt, %broadcast_in_dim3A_3, %lt3A_343 : vector<16xi32>
          %add3A_345 = arith.constant 16 : i32
          %add3A_346 = vector.broadcast %add3A_345 : i32 to vector<16xi32>
          %add3A_347 = arith.addi %broadcast_in_dim3A_3, %add3A_346 : vector<16xi32>
          %select_n3A_348 = arith.select %lt3A_344, %add3A_347, %broadcast_in_dim3A_3 : vector<16xi1>, vector<16xi32>
          %reshape3A_349 = vector.shape_cast %select_n3A_348 : vector<16xi32> to vector<16x1xi32>
          %gather3A_350 = vector.shape_cast %reshape3A_349 : vector<16x1xi32> to vector<16xi32>
          %gather3A_351 = tpu.dynamic_gather %masked_cumsum3A_341[%gather3A_350] in [0] : vector<16xf32>, vector<16xi32> -> vector<16xf32>
          %eq3A_352 = vector.broadcast %add3A_272 : i32 to vector<16xi32>
          %eq3A_353 = arith.cmpi eq, %iota3A, %eq3A_352 : vector<16xi32>
          %select_n3A_354 = arith.select %eq3A_353, %gather3A_351, %select_n3A_270 : vector<16xi1>, vector<16xf32>
          %add3A_355 = arith.constant 2 : i32
          %add3A_356 = arith.addi %mul3A_192, %add3A_355 : i32
          %mul3A_357 = arith.constant 16 : i32
          %mul3A_358 = arith.muli %scan3A_174, %mul3A_357 : i32
          %add3A_359 = arith.addi %mul3A_358, %add3A_356 : i32
          %get3A_360 = arith.index_cast %add3A_359 : i32 to index
          %get3A_361 = arith.constant 0 : index
          %get3A_362 = tpu.vector_load %arg15[%get3A_360, %get3A_361] {strides = array<i32>} : memref<80x128xf32, #tpu.memory_space<vmem>>, vector<16xf32>,
          %get3A_363 = arith.index_cast %add3A_359 : i32 to index
          %get3A_364 = arith.constant 0 : index
          %get3A_365 = tpu.vector_load %arg16[%get3A_363, %get3A_364] {strides = array<i32>} : memref<80x128xf32, #tpu.memory_space<vmem>>, vector<16xf32>,
          %mul3A_366 = arith.mulf %get3A_362, %get3A_365 : vector<16xf32>
          %get3A_367 = arith.index_cast %add3A_359 : i32 to index
          %get3A_368 = arith.constant 16 : index
          %get3A_369 = tpu.vector_load %arg15[%get3A_367, %get3A_368] {strides = array<i32>} : memref<80x128xf32, #tpu.memory_space<vmem>>, vector<16xf32>,
          %get3A_370 = arith.index_cast %add3A_359 : i32 to index
          %get3A_371 = arith.constant 16 : index
          %get3A_372 = tpu.vector_load %arg16[%get3A_370, %get3A_371] {strides = array<i32>} : memref<80x128xf32, #tpu.memory_space<vmem>>, vector<16xf32>,
          %mul3A_373 = arith.mulf %get3A_369, %get3A_372 : vector<16xf32>
          %add3A_374 = arith.addf %mul3A_366, %mul3A_373 : vector<16xf32>
          %get3A_375 = arith.index_cast %add3A_359 : i32 to index
          %get3A_376 = arith.constant 32 : index
          %get3A_377 = tpu.vector_load %arg15[%get3A_375, %get3A_376] {strides = array<i32>} : memref<80x128xf32, #tpu.memory_space<vmem>>, vector<16xf32>,
          %get3A_378 = arith.index_cast %add3A_359 : i32 to index
          %get3A_379 = arith.constant 32 : index
          %get3A_380 = tpu.vector_load %arg16[%get3A_378, %get3A_379] {strides = array<i32>} : memref<80x128xf32, #tpu.memory_space<vmem>>, vector<16xf32>,
          %mul3A_381 = arith.mulf %get3A_377, %get3A_380 : vector<16xf32>
          %get3A_382 = arith.index_cast %add3A_359 : i32 to index
          %get3A_383 = arith.constant 48 : index
          %get3A_384 = tpu.vector_load %arg15[%get3A_382, %get3A_383] {strides = array<i32>} : memref<80x128xf32, #tpu.memory_space<vmem>>, vector<16xf32>,
          %get3A_385 = arith.index_cast %add3A_359 : i32 to index
          %get3A_386 = arith.constant 48 : index
          %get3A_387 = tpu.vector_load %arg16[%get3A_385, %get3A_386] {strides = array<i32>} : memref<80x128xf32, #tpu.memory_space<vmem>>, vector<16xf32>,
          %mul3A_388 = arith.mulf %get3A_384, %get3A_387 : vector<16xf32>
          %add3A_389 = arith.addf %mul3A_381, %mul3A_388 : vector<16xf32>
          %add3A_390 = arith.addf %add3A_374, %add3A_389 : vector<16xf32>
          %get3A_391 = arith.index_cast %add3A_359 : i32 to index
          %get3A_392 = arith.constant 64 : index
          %get3A_393 = tpu.vector_load %arg15[%get3A_391, %get3A_392] {strides = array<i32>} : memref<80x128xf32, #tpu.memory_space<vmem>>, vector<16xf32>,
          %get3A_394 = arith.index_cast %add3A_359 : i32 to index
          %get3A_395 = arith.constant 64 : index
          %get3A_396 = tpu.vector_load %arg16[%get3A_394, %get3A_395] {strides = array<i32>} : memref<80x128xf32, #tpu.memory_space<vmem>>, vector<16xf32>,
          %mul3A_397 = arith.mulf %get3A_393, %get3A_396 : vector<16xf32>
          %get3A_398 = arith.index_cast %add3A_359 : i32 to index
          %get3A_399 = arith.constant 80 : index
          %get3A_400 = tpu.vector_load %arg15[%get3A_398, %get3A_399] {strides = array<i32>} : memref<80x128xf32, #tpu.memory_space<vmem>>, vector<16xf32>,
          %get3A_401 = arith.index_cast %add3A_359 : i32 to index
          %get3A_402 = arith.constant 80 : index
          %get3A_403 = tpu.vector_load %arg16[%get3A_401, %get3A_402] {strides = array<i32>} : memref<80x128xf32, #tpu.memory_space<vmem>>, vector<16xf32>,
          %mul3A_404 = arith.mulf %get3A_400, %get3A_403 : vector<16xf32>
          %add3A_405 = arith.addf %mul3A_397, %mul3A_404 : vector<16xf32>
          %get3A_406 = arith.index_cast %add3A_359 : i32 to index
          %get3A_407 = arith.constant 96 : index
          %get3A_408 = tpu.vector_load %arg15[%get3A_406, %get3A_407] {strides = array<i32>} : memref<80x128xf32, #tpu.memory_space<vmem>>, vector<16xf32>,
          %get3A_409 = arith.index_cast %add3A_359 : i32 to index
          %get3A_410 = arith.constant 96 : index
          %get3A_411 = tpu.vector_load %arg16[%get3A_409, %get3A_410] {strides = array<i32>} : memref<80x128xf32, #tpu.memory_space<vmem>>, vector<16xf32>,
          %mul3A_412 = arith.mulf %get3A_408, %get3A_411 : vector<16xf32>
          %get3A_413 = arith.index_cast %add3A_359 : i32 to index
          %get3A_414 = arith.constant 112 : index
          %get3A_415 = tpu.vector_load %arg15[%get3A_413, %get3A_414] {strides = array<i32>} : memref<80x128xf32, #tpu.memory_space<vmem>>, vector<16xf32>,
          %get3A_416 = arith.index_cast %add3A_359 : i32 to index
          %get3A_417 = arith.constant 112 : index
          %get3A_418 = tpu.vector_load %arg16[%get3A_416, %get3A_417] {strides = array<i32>} : memref<80x128xf32, #tpu.memory_space<vmem>>, vector<16xf32>,
          %mul3A_419 = arith.mulf %get3A_415, %get3A_418 : vector<16xf32>
          %add3A_420 = arith.addf %mul3A_412, %mul3A_419 : vector<16xf32>
          %add3A_421 = arith.addf %add3A_405, %add3A_420 : vector<16xf32>
          %add3A_422 = arith.addf %add3A_390, %add3A_421 : vector<16xf32>
          %broadcast_in_dim3A_423 = arith.constant true
          %broadcast_in_dim3A_424 = vector.broadcast %broadcast_in_dim3A_423 : i1 to vector<16xi1>
          %masked_cumsum3A_425 = tpu.scan <sum>, %add3A_422 masked %broadcast_in_dim3A_424 : vector<16xf32>, vector<16xi1> -> vector<16xf32>
          %lt3A_426 = arith.constant 0 : i32
          %lt3A_427 = vector.broadcast %lt3A_426 : i32 to vector<16xi32>
          %lt3A_428 = arith.cmpi slt, %broadcast_in_dim3A_3, %lt3A_427 : vector<16xi32>
          %add3A_429 = arith.constant 16 : i32
          %add3A_430 = vector.broadcast %add3A_429 : i32 to vector<16xi32>
          %add3A_431 = arith.addi %broadcast_in_dim3A_3, %add3A_430 : vector<16xi32>
          %select_n3A_432 = arith.select %lt3A_428, %add3A_431, %broadcast_in_dim3A_3 : vector<16xi1>, vector<16xi32>
          %reshape3A_433 = vector.shape_cast %select_n3A_432 : vector<16xi32> to vector<16x1xi32>
          %gather3A_434 = vector.shape_cast %reshape3A_433 : vector<16x1xi32> to vector<16xi32>
          %gather3A_435 = tpu.dynamic_gather %masked_cumsum3A_425[%gather3A_434] in [0] : vector<16xf32>, vector<16xi32> -> vector<16xf32>
          %eq3A_436 = vector.broadcast %add3A_356 : i32 to vector<16xi32>
          %eq3A_437 = arith.cmpi eq, %iota3A, %eq3A_436 : vector<16xi32>
          %select_n3A_438 = arith.select %eq3A_437, %gather3A_435, %select_n3A_354 : vector<16xi1>, vector<16xf32>
          %add3A_439 = arith.constant 3 : i32
          %add3A_440 = arith.addi %mul3A_192, %add3A_439 : i32
          %mul3A_441 = arith.constant 16 : i32
          %mul3A_442 = arith.muli %scan3A_174, %mul3A_441 : i32
          %add3A_443 = arith.addi %mul3A_442, %add3A_440 : i32
          %get3A_444 = arith.index_cast %add3A_443 : i32 to index
          %get3A_445 = arith.constant 0 : index
          %get3A_446 = tpu.vector_load %arg15[%get3A_444, %get3A_445] {strides = array<i32>} : memref<80x128xf32, #tpu.memory_space<vmem>>, vector<16xf32>,
          %get3A_447 = arith.index_cast %add3A_443 : i32 to index
          %get3A_448 = arith.constant 0 : index
          %get3A_449 = tpu.vector_load %arg16[%get3A_447, %get3A_448] {strides = array<i32>} : memref<80x128xf32, #tpu.memory_space<vmem>>, vector<16xf32>,
          %mul3A_450 = arith.mulf %get3A_446, %get3A_449 : vector<16xf32>
          %get3A_451 = arith.index_cast %add3A_443 : i32 to index
          %get3A_452 = arith.constant 16 : index
          %get3A_453 = tpu.vector_load %arg15[%get3A_451, %get3A_452] {strides = array<i32>} : memref<80x128xf32, #tpu.memory_space<vmem>>, vector<16xf32>,
          %get3A_454 = arith.index_cast %add3A_443 : i32 to index
          %get3A_455 = arith.constant 16 : index
          %get3A_456 = tpu.vector_load %arg16[%get3A_454, %get3A_455] {strides = array<i32>} : memref<80x128xf32, #tpu.memory_space<vmem>>, vector<16xf32>,
          %mul3A_457 = arith.mulf %get3A_453, %get3A_456 : vector<16xf32>
          %add3A_458 = arith.addf %mul3A_450, %mul3A_457 : vector<16xf32>
          %get3A_459 = arith.index_cast %add3A_443 : i32 to index
          %get3A_460 = arith.constant 32 : index
          %get3A_461 = tpu.vector_load %arg15[%get3A_459, %get3A_460] {strides = array<i32>} : memref<80x128xf32, #tpu.memory_space<vmem>>, vector<16xf32>,
          %get3A_462 = arith.index_cast %add3A_443 : i32 to index
          %get3A_463 = arith.constant 32 : index
          %get3A_464 = tpu.vector_load %arg16[%get3A_462, %get3A_463] {strides = array<i32>} : memref<80x128xf32, #tpu.memory_space<vmem>>, vector<16xf32>,
          %mul3A_465 = arith.mulf %get3A_461, %get3A_464 : vector<16xf32>
          %get3A_466 = arith.index_cast %add3A_443 : i32 to index
          %get3A_467 = arith.constant 48 : index
          %get3A_468 = tpu.vector_load %arg15[%get3A_466, %get3A_467] {strides = array<i32>} : memref<80x128xf32, #tpu.memory_space<vmem>>, vector<16xf32>,
          %get3A_469 = arith.index_cast %add3A_443 : i32 to index
          %get3A_470 = arith.constant 48 : index
          %get3A_471 = tpu.vector_load %arg16[%get3A_469, %get3A_470] {strides = array<i32>} : memref<80x128xf32, #tpu.memory_space<vmem>>, vector<16xf32>,
          %mul3A_472 = arith.mulf %get3A_468, %get3A_471 : vector<16xf32>
          %add3A_473 = arith.addf %mul3A_465, %mul3A_472 : vector<16xf32>
          %add3A_474 = arith.addf %add3A_458, %add3A_473 : vector<16xf32>
          %get3A_475 = arith.index_cast %add3A_443 : i32 to index
          %get3A_476 = arith.constant 64 : index
          %get3A_477 = tpu.vector_load %arg15[%get3A_475, %get3A_476] {strides = array<i32>} : memref<80x128xf32, #tpu.memory_space<vmem>>, vector<16xf32>,
          %get3A_478 = arith.index_cast %add3A_443 : i32 to index
          %get3A_479 = arith.constant 64 : index
          %get3A_480 = tpu.vector_load %arg16[%get3A_478, %get3A_479] {strides = array<i32>} : memref<80x128xf32, #tpu.memory_space<vmem>>, vector<16xf32>,
          %mul3A_481 = arith.mulf %get3A_477, %get3A_480 : vector<16xf32>
          %get3A_482 = arith.index_cast %add3A_443 : i32 to index
          %get3A_483 = arith.constant 80 : index
          %get3A_484 = tpu.vector_load %arg15[%get3A_482, %get3A_483] {strides = array<i32>} : memref<80x128xf32, #tpu.memory_space<vmem>>, vector<16xf32>,
          %get3A_485 = arith.index_cast %add3A_443 : i32 to index
          %get3A_486 = arith.constant 80 : index
          %get3A_487 = tpu.vector_load %arg16[%get3A_485, %get3A_486] {strides = array<i32>} : memref<80x128xf32, #tpu.memory_space<vmem>>, vector<16xf32>,
          %mul3A_488 = arith.mulf %get3A_484, %get3A_487 : vector<16xf32>
          %add3A_489 = arith.addf %mul3A_481, %mul3A_488 : vector<16xf32>
          %get3A_490 = arith.index_cast %add3A_443 : i32 to index
          %get3A_491 = arith.constant 96 : index
          %get3A_492 = tpu.vector_load %arg15[%get3A_490, %get3A_491] {strides = array<i32>} : memref<80x128xf32, #tpu.memory_space<vmem>>, vector<16xf32>,
          %get3A_493 = arith.index_cast %add3A_443 : i32 to index
          %get3A_494 = arith.constant 96 : index
          %get3A_495 = tpu.vector_load %arg16[%get3A_493, %get3A_494] {strides = array<i32>} : memref<80x128xf32, #tpu.memory_space<vmem>>, vector<16xf32>,
          %mul3A_496 = arith.mulf %get3A_492, %get3A_495 : vector<16xf32>
          %get3A_497 = arith.index_cast %add3A_443 : i32 to index
          %get3A_498 = arith.constant 112 : index
          %get3A_499 = tpu.vector_load %arg15[%get3A_497, %get3A_498] {strides = array<i32>} : memref<80x128xf32, #tpu.memory_space<vmem>>, vector<16xf32>,
          %get3A_500 = arith.index_cast %add3A_443 : i32 to index
          %get3A_501 = arith.constant 112 : index
          %get3A_502 = tpu.vector_load %arg16[%get3A_500, %get3A_501] {strides = array<i32>} : memref<80x128xf32, #tpu.memory_space<vmem>>, vector<16xf32>,
          %mul3A_503 = arith.mulf %get3A_499, %get3A_502 : vector<16xf32>
          %add3A_504 = arith.addf %mul3A_496, %mul3A_503 : vector<16xf32>
          %add3A_505 = arith.addf %add3A_489, %add3A_504 : vector<16xf32>
          %add3A_506 = arith.addf %add3A_474, %add3A_505 : vector<16xf32>
          %broadcast_in_dim3A_507 = arith.constant true
          %broadcast_in_dim3A_508 = vector.broadcast %broadcast_in_dim3A_507 : i1 to vector<16xi1>
          %masked_cumsum3A_509 = tpu.scan <sum>, %add3A_506 masked %broadcast_in_dim3A_508 : vector<16xf32>, vector<16xi1> -> vector<16xf32>
          %lt3A_510 = arith.constant 0 : i32
          %lt3A_511 = vector.broadcast %lt3A_510 : i32 to vector<16xi32>
          %lt3A_512 = arith.cmpi slt, %broadcast_in_dim3A_3, %lt3A_511 : vector<16xi32>
          %add3A_513 = arith.constant 16 : i32
          %add3A_514 = vector.broadcast %add3A_513 : i32 to vector<16xi32>
          %add3A_515 = arith.addi %broadcast_in_dim3A_3, %add3A_514 : vector<16xi32>
          %select_n3A_516 = arith.select %lt3A_512, %add3A_515, %broadcast_in_dim3A_3 : vector<16xi1>, vector<16xi32>
          %reshape3A_517 = vector.shape_cast %select_n3A_516 : vector<16xi32> to vector<16x1xi32>
          %gather3A_518 = vector.shape_cast %reshape3A_517 : vector<16x1xi32> to vector<16xi32>
          %gather3A_519 = tpu.dynamic_gather %masked_cumsum3A_509[%gather3A_518] in [0] : vector<16xf32>, vector<16xi32> -> vector<16xf32>
          %eq3A_520 = vector.broadcast %add3A_440 : i32 to vector<16xi32>
          %eq3A_521 = arith.cmpi eq, %iota3A, %eq3A_520 : vector<16xi32>
          %select_n3A_522 = arith.select %eq3A_521, %gather3A_519, %select_n3A_438 : vector<16xi1>, vector<16xf32>
          scf.yield %select_n3A_522 : vector<16xf32>
        }
        %scan3A_182 = arith.constant 4 : i32
        %mul3A_183 = arith.constant 80 : i32
        %mul3A_184 = arith.muli %add3A_146, %mul3A_183 : i32
        %mul3A_185 = arith.constant 16 : i32
        %mul3A_186 = arith.muli %scan3A_174, %mul3A_185 : i32
        %add3A_187 = arith.addi %mul3A_184, %mul3A_186 : i32
        %swap3A = arith.index_cast %add3A_187 : i32 to index
        %swap3A_188 = tpu.vector_load %arg8[%swap3A] {strides = array<i32>} : memref<10000xf32, #tpu.memory_space<vmem>>, vector<16xf32>,
        tpu.vector_store %arg8[%swap3A], %scan3A_181 {strides = array<i32>} : memref<10000xf32, #tpu.memory_space<vmem>>, vector<16xf32>,
      }
      %scan3A_173 = arith.constant 5 : i32
    }
    %scan3A_37 = arith.constant 31 : i32
    %dma_wait3A = arith.constant 9920 : i32
    %dma_wait3A_38 = tpu.memref_slice %arg6[%dma_wait3A] : memref<10000xi32, #tpu.memory_space<vmem>> -> memref<80xi32, #tpu.memory_space<vmem>>
    %dma_wait3A_39 = arith.constant 0 : i32
    %dma_wait3A_40 = arith.constant 0 : i32
    %dma_wait3A_41 = tpu.memref_slice %arg2[%dma_wait3A_39, %dma_wait3A_40] : memref<10000x128xf32, #tpu.memory_space<hbm>> -> memref<10000x128xf32, #tpu.memory_space<hbm>>
    tpu.wait_indirect_dma semaphore(%arg17 : memref<!tpu.dma_semaphore, #tpu.memory_space<semaphore_mem>>) src(%dma_wait3A_41 : memref<10000x128xf32, #tpu.memory_space<hbm>>) dst(%arg9 : memref<80x128xf32, #tpu.memory_space<vmem>>)
    %dma_wait3A_42 = arith.constant 9920 : i32
    %dma_wait3A_43 = tpu.memref_slice %arg7[%dma_wait3A_42] : memref<10000xi32, #tpu.memory_space<vmem>> -> memref<80xi32, #tpu.memory_space<vmem>>
    %dma_wait3A_44 = arith.constant 0 : i32
    %dma_wait3A_45 = arith.constant 0 : i32
    %dma_wait3A_46 = tpu.memref_slice %arg2[%dma_wait3A_44, %dma_wait3A_45] : memref<10000x128xf32, #tpu.memory_space<hbm>> -> memref<10000x128xf32, #tpu.memory_space<hbm>>
    tpu.wait_indirect_dma semaphore(%arg17 : memref<!tpu.dma_semaphore, #tpu.memory_space<semaphore_mem>>) src(%dma_wait3A_46 : memref<10000x128xf32, #tpu.memory_space<hbm>>) dst(%arg10 : memref<80x128xf32, #tpu.memory_space<vmem>>)
    %scan3A_47 = arith.constant 0 : i32
    %scan3A_48 = arith.constant 0 : i32
    %scan3A_49 = arith.constant 5 : i32
    %scan3A_50 = arith.addi %scan3A_48, %scan3A_49 : i32
    %scan3A_51 = arith.constant 1 : i32
    scf.for %scan3A_53 = %scan3A_48 to %scan3A_50 step %scan3A_51  : i32 {
      %broadcast_in_dim3A_54 = arith.constant 0.000000e+00 : f32
      %broadcast_in_dim3A_55 = vector.broadcast %broadcast_in_dim3A_54 : f32 to vector<16xf32>
      %scan3A_56 = arith.constant 0 : i32
      %scan3A_57 = arith.constant 4 : i32
      %scan3A_58 = arith.addi %scan3A_56, %scan3A_57 : i32
      %scan3A_59 = arith.constant 1 : i32
      %scan3A_60 = scf.for %scan3A_67 = %scan3A_56 to %scan3A_58 step %scan3A_59 iter_args(%scan3A_68 = %broadcast_in_dim3A_55) -> (vector<16xf32>)  : i32 {
        %mul3A_69 = arith.constant 4 : i32
        %mul3A_70 = arith.muli %scan3A_67, %mul3A_69 : i32
        %add3A_71 = arith.constant 0 : i32
        %add3A_72 = arith.addi %mul3A_70, %add3A_71 : i32
        %mul3A_73 = arith.constant 16 : i32
        %mul3A_74 = arith.muli %scan3A_53, %mul3A_73 : i32
        %add3A_75 = arith.addi %mul3A_74, %add3A_72 : i32
        %get3A = arith.index_cast %add3A_75 : i32 to index
        %get3A_76 = arith.constant 0 : index
        %get3A_77 = tpu.vector_load %arg9[%get3A, %get3A_76] {strides = array<i32>} : memref<80x128xf32, #tpu.memory_space<vmem>>, vector<16xf32>,
        %get3A_78 = arith.index_cast %add3A_75 : i32 to index
        %get3A_79 = arith.constant 0 : index
        %get3A_80 = tpu.vector_load %arg10[%get3A_78, %get3A_79] {strides = array<i32>} : memref<80x128xf32, #tpu.memory_space<vmem>>, vector<16xf32>,
        %mul3A_81 = arith.mulf %get3A_77, %get3A_80 : vector<16xf32>
        %get3A_82 = arith.index_cast %add3A_75 : i32 to index
        %get3A_83 = arith.constant 16 : index
        %get3A_84 = tpu.vector_load %arg9[%get3A_82, %get3A_83] {strides = array<i32>} : memref<80x128xf32, #tpu.memory_space<vmem>>, vector<16xf32>,
        %get3A_85 = arith.index_cast %add3A_75 : i32 to index
        %get3A_86 = arith.constant 16 : index
        %get3A_87 = tpu.vector_load %arg10[%get3A_85, %get3A_86] {strides = array<i32>} : memref<80x128xf32, #tpu.memory_space<vmem>>, vector<16xf32>,
        %mul3A_88 = arith.mulf %get3A_84, %get3A_87 : vector<16xf32>
        %add3A_89 = arith.addf %mul3A_81, %mul3A_88 : vector<16xf32>
        %get3A_90 = arith.index_cast %add3A_75 : i32 to index
        %get3A_91 = arith.constant 32 : index
        %get3A_92 = tpu.vector_load %arg9[%get3A_90, %get3A_91] {strides = array<i32>} : memref<80x128xf32, #tpu.memory_space<vmem>>, vector<16xf32>,
        %get3A_93 = arith.index_cast %add3A_75 : i32 to index
        %get3A_94 = arith.constant 32 : index
        %get3A_95 = tpu.vector_load %arg10[%get3A_93, %get3A_94] {strides = array<i32>} : memref<80x128xf32, #tpu.memory_space<vmem>>, vector<16xf32>,
        %mul3A_96 = arith.mulf %get3A_92, %get3A_95 : vector<16xf32>
        %get3A_97 = arith.index_cast %add3A_75 : i32 to index
        %get3A_98 = arith.constant 48 : index
        %get3A_99 = tpu.vector_load %arg9[%get3A_97, %get3A_98] {strides = array<i32>} : memref<80x128xf32, #tpu.memory_space<vmem>>, vector<16xf32>,
        %get3A_100 = arith.index_cast %add3A_75 : i32 to index
        %get3A_101 = arith.constant 48 : index
        %get3A_102 = tpu.vector_load %arg10[%get3A_100, %get3A_101] {strides = array<i32>} : memref<80x128xf32, #tpu.memory_space<vmem>>, vector<16xf32>,
        %mul3A_103 = arith.mulf %get3A_99, %get3A_102 : vector<16xf32>
        %add3A_104 = arith.addf %mul3A_96, %mul3A_103 : vector<16xf32>
        %add3A_105 = arith.addf %add3A_89, %add3A_104 : vector<16xf32>
        %get3A_106 = arith.index_cast %add3A_75 : i32 to index
        %get3A_107 = arith.constant 64 : index
        %get3A_108 = tpu.vector_load %arg9[%get3A_106, %get3A_107] {strides = array<i32>} : memref<80x128xf32, #tpu.memory_space<vmem>>, vector<16xf32>,
        %get3A_109 = arith.index_cast %add3A_75 : i32 to index
        %get3A_110 = arith.constant 64 : index
        %get3A_111 = tpu.vector_load %arg10[%get3A_109, %get3A_110] {strides = array<i32>} : memref<80x128xf32, #tpu.memory_space<vmem>>, vector<16xf32>,
        %mul3A_112 = arith.mulf %get3A_108, %get3A_111 : vector<16xf32>
        %get3A_113 = arith.index_cast %add3A_75 : i32 to index
        %get3A_114 = arith.constant 80 : index
        %get3A_115 = tpu.vector_load %arg9[%get3A_113, %get3A_114] {strides = array<i32>} : memref<80x128xf32, #tpu.memory_space<vmem>>, vector<16xf32>,
        %get3A_116 = arith.index_cast %add3A_75 : i32 to index
        %get3A_117 = arith.constant 80 : index
        %get3A_118 = tpu.vector_load %arg10[%get3A_116, %get3A_117] {strides = array<i32>} : memref<80x128xf32, #tpu.memory_space<vmem>>, vector<16xf32>,
        %mul3A_119 = arith.mulf %get3A_115, %get3A_118 : vector<16xf32>
        %add3A_120 = arith.addf %mul3A_112, %mul3A_119 : vector<16xf32>
        %get3A_121 = arith.index_cast %add3A_75 : i32 to index
        %get3A_122 = arith.constant 96 : index
        %get3A_123 = tpu.vector_load %arg9[%get3A_121, %get3A_122] {strides = array<i32>} : memref<80x128xf32, #tpu.memory_space<vmem>>, vector<16xf32>,
        %get3A_124 = arith.index_cast %add3A_75 : i32 to index
        %get3A_125 = arith.constant 96 : index
        %get3A_126 = tpu.vector_load %arg10[%get3A_124, %get3A_125] {strides = array<i32>} : memref<80x128xf32, #tpu.memory_space<vmem>>, vector<16xf32>,
        %mul3A_127 = arith.mulf %get3A_123, %get3A_126 : vector<16xf32>
        %get3A_128 = arith.index_cast %add3A_75 : i32 to index
        %get3A_129 = arith.constant 112 : index
        %get3A_130 = tpu.vector_load %arg9[%get3A_128, %get3A_129] {strides = array<i32>} : memref<80x128xf32, #tpu.memory_space<vmem>>, vector<16xf32>,
        %get3A_131 = arith.index_cast %add3A_75 : i32 to index
        %get3A_132 = arith.constant 112 : index
        %get3A_133 = tpu.vector_load %arg10[%get3A_131, %get3A_132] {strides = array<i32>} : memref<80x128xf32, #tpu.memory_space<vmem>>, vector<16xf32>,
        %mul3A_134 = arith.mulf %get3A_130, %get3A_133 : vector<16xf32>
        %add3A_135 = arith.addf %mul3A_127, %mul3A_134 : vector<16xf32>
        %add3A_136 = arith.addf %add3A_120, %add3A_135 : vector<16xf32>
        %add3A_137 = arith.addf %add3A_105, %add3A_136 : vector<16xf32>
        %broadcast_in_dim3A_138 = arith.constant true
        %broadcast_in_dim3A_139 = vector.broadcast %broadcast_in_dim3A_138 : i1 to vector<16xi1>
        %masked_cumsum3A = tpu.scan <sum>, %add3A_137 masked %broadcast_in_dim3A_139 : vector<16xf32>, vector<16xi1> -> vector<16xf32>
        %lt3A = arith.constant 0 : i32
        %lt3A_140 = vector.broadcast %lt3A : i32 to vector<16xi32>
        %lt3A_141 = arith.cmpi slt, %broadcast_in_dim3A_3, %lt3A_140 : vector<16xi32>
        %add3A_142 = arith.constant 16 : i32
        %add3A_143 = vector.broadcast %add3A_142 : i32 to vector<16xi32>
        %add3A_144 = arith.addi %broadcast_in_dim3A_3, %add3A_143 : vector<16xi32>
        %select_n3A = arith.select %lt3A_141, %add3A_144, %broadcast_in_dim3A_3 : vector<16xi1>, vector<16xi32>
        %reshape3A = vector.shape_cast %select_n3A : vector<16xi32> to vector<16x1xi32>
        %gather3A = vector.shape_cast %reshape3A : vector<16x1xi32> to vector<16xi32>
        %gather3A_145 = tpu.dynamic_gather %masked_cumsum3A[%gather3A] in [0] : vector<16xf32>, vector<16xi32> -> vector<16xf32>
        %eq3A = vector.broadcast %add3A_72 : i32 to vector<16xi32>
        %eq3A_146 = arith.cmpi eq, %iota3A, %eq3A : vector<16xi32>
        %select_n3A_147 = arith.select %eq3A_146, %gather3A_145, %scan3A_68 : vector<16xi1>, vector<16xf32>
        %add3A_148 = arith.constant 1 : i32
        %add3A_149 = arith.addi %mul3A_70, %add3A_148 : i32
        %mul3A_150 = arith.constant 16 : i32
        %mul3A_151 = arith.muli %scan3A_53, %mul3A_150 : i32
        %add3A_152 = arith.addi %mul3A_151, %add3A_149 : i32
        %get3A_153 = arith.index_cast %add3A_152 : i32 to index
        %get3A_154 = arith.constant 0 : index
        %get3A_155 = tpu.vector_load %arg9[%get3A_153, %get3A_154] {strides = array<i32>} : memref<80x128xf32, #tpu.memory_space<vmem>>, vector<16xf32>,
        %get3A_156 = arith.index_cast %add3A_152 : i32 to index
        %get3A_157 = arith.constant 0 : index
        %get3A_158 = tpu.vector_load %arg10[%get3A_156, %get3A_157] {strides = array<i32>} : memref<80x128xf32, #tpu.memory_space<vmem>>, vector<16xf32>,
        %mul3A_159 = arith.mulf %get3A_155, %get3A_158 : vector<16xf32>
        %get3A_160 = arith.index_cast %add3A_152 : i32 to index
        %get3A_161 = arith.constant 16 : index
        %get3A_162 = tpu.vector_load %arg9[%get3A_160, %get3A_161] {strides = array<i32>} : memref<80x128xf32, #tpu.memory_space<vmem>>, vector<16xf32>,
        %get3A_163 = arith.index_cast %add3A_152 : i32 to index
        %get3A_164 = arith.constant 16 : index
        %get3A_165 = tpu.vector_load %arg10[%get3A_163, %get3A_164] {strides = array<i32>} : memref<80x128xf32, #tpu.memory_space<vmem>>, vector<16xf32>,
        %mul3A_166 = arith.mulf %get3A_162, %get3A_165 : vector<16xf32>
        %add3A_167 = arith.addf %mul3A_159, %mul3A_166 : vector<16xf32>
        %get3A_168 = arith.index_cast %add3A_152 : i32 to index
        %get3A_169 = arith.constant 32 : index
        %get3A_170 = tpu.vector_load %arg9[%get3A_168, %get3A_169] {strides = array<i32>} : memref<80x128xf32, #tpu.memory_space<vmem>>, vector<16xf32>,
        %get3A_171 = arith.index_cast %add3A_152 : i32 to index
        %get3A_172 = arith.constant 32 : index
        %get3A_173 = tpu.vector_load %arg10[%get3A_171, %get3A_172] {strides = array<i32>} : memref<80x128xf32, #tpu.memory_space<vmem>>, vector<16xf32>,
        %mul3A_174 = arith.mulf %get3A_170, %get3A_173 : vector<16xf32>
        %get3A_175 = arith.index_cast %add3A_152 : i32 to index
        %get3A_176 = arith.constant 48 : index
        %get3A_177 = tpu.vector_load %arg9[%get3A_175, %get3A_176] {strides = array<i32>} : memref<80x128xf32, #tpu.memory_space<vmem>>, vector<16xf32>,
        %get3A_178 = arith.index_cast %add3A_152 : i32 to index
        %get3A_179 = arith.constant 48 : index
        %get3A_180 = tpu.vector_load %arg10[%get3A_178, %get3A_179] {strides = array<i32>} : memref<80x128xf32, #tpu.memory_space<vmem>>, vector<16xf32>,
        %mul3A_181 = arith.mulf %get3A_177, %get3A_180 : vector<16xf32>
        %add3A_182 = arith.addf %mul3A_174, %mul3A_181 : vector<16xf32>
        %add3A_183 = arith.addf %add3A_167, %add3A_182 : vector<16xf32>
        %get3A_184 = arith.index_cast %add3A_152 : i32 to index
        %get3A_185 = arith.constant 64 : index
        %get3A_186 = tpu.vector_load %arg9[%get3A_184, %get3A_185] {strides = array<i32>} : memref<80x128xf32, #tpu.memory_space<vmem>>, vector<16xf32>,
        %get3A_187 = arith.index_cast %add3A_152 : i32 to index
        %get3A_188 = arith.constant 64 : index
        %get3A_189 = tpu.vector_load %arg10[%get3A_187, %get3A_188] {strides = array<i32>} : memref<80x128xf32, #tpu.memory_space<vmem>>, vector<16xf32>,
        %mul3A_190 = arith.mulf %get3A_186, %get3A_189 : vector<16xf32>
        %get3A_191 = arith.index_cast %add3A_152 : i32 to index
        %get3A_192 = arith.constant 80 : index
        %get3A_193 = tpu.vector_load %arg9[%get3A_191, %get3A_192] {strides = array<i32>} : memref<80x128xf32, #tpu.memory_space<vmem>>, vector<16xf32>,
        %get3A_194 = arith.index_cast %add3A_152 : i32 to index
        %get3A_195 = arith.constant 80 : index
        %get3A_196 = tpu.vector_load %arg10[%get3A_194, %get3A_195] {strides = array<i32>} : memref<80x128xf32, #tpu.memory_space<vmem>>, vector<16xf32>,
        %mul3A_197 = arith.mulf %get3A_193, %get3A_196 : vector<16xf32>
        %add3A_198 = arith.addf %mul3A_190, %mul3A_197 : vector<16xf32>
        %get3A_199 = arith.index_cast %add3A_152 : i32 to index
        %get3A_200 = arith.constant 96 : index
        %get3A_201 = tpu.vector_load %arg9[%get3A_199, %get3A_200] {strides = array<i32>} : memref<80x128xf32, #tpu.memory_space<vmem>>, vector<16xf32>,
        %get3A_202 = arith.index_cast %add3A_152 : i32 to index
        %get3A_203 = arith.constant 96 : index
        %get3A_204 = tpu.vector_load %arg10[%get3A_202, %get3A_203] {strides = array<i32>} : memref<80x128xf32, #tpu.memory_space<vmem>>, vector<16xf32>,
        %mul3A_205 = arith.mulf %get3A_201, %get3A_204 : vector<16xf32>
        %get3A_206 = arith.index_cast %add3A_152 : i32 to index
        %get3A_207 = arith.constant 112 : index
        %get3A_208 = tpu.vector_load %arg9[%get3A_206, %get3A_207] {strides = array<i32>} : memref<80x128xf32, #tpu.memory_space<vmem>>, vector<16xf32>,
        %get3A_209 = arith.index_cast %add3A_152 : i32 to index
        %get3A_210 = arith.constant 112 : index
        %get3A_211 = tpu.vector_load %arg10[%get3A_209, %get3A_210] {strides = array<i32>} : memref<80x128xf32, #tpu.memory_space<vmem>>, vector<16xf32>,
        %mul3A_212 = arith.mulf %get3A_208, %get3A_211 : vector<16xf32>
        %add3A_213 = arith.addf %mul3A_205, %mul3A_212 : vector<16xf32>
        %add3A_214 = arith.addf %add3A_198, %add3A_213 : vector<16xf32>
        %add3A_215 = arith.addf %add3A_183, %add3A_214 : vector<16xf32>
        %broadcast_in_dim3A_216 = arith.constant true
        %broadcast_in_dim3A_217 = vector.broadcast %broadcast_in_dim3A_216 : i1 to vector<16xi1>
        %masked_cumsum3A_218 = tpu.scan <sum>, %add3A_215 masked %broadcast_in_dim3A_217 : vector<16xf32>, vector<16xi1> -> vector<16xf32>
        %lt3A_219 = arith.constant 0 : i32
        %lt3A_220 = vector.broadcast %lt3A_219 : i32 to vector<16xi32>
        %lt3A_221 = arith.cmpi slt, %broadcast_in_dim3A_3, %lt3A_220 : vector<16xi32>
        %add3A_222 = arith.constant 16 : i32
        %add3A_223 = vector.broadcast %add3A_222 : i32 to vector<16xi32>
        %add3A_224 = arith.addi %broadcast_in_dim3A_3, %add3A_223 : vector<16xi32>
        %select_n3A_225 = arith.select %lt3A_221, %add3A_224, %broadcast_in_dim3A_3 : vector<16xi1>, vector<16xi32>
        %reshape3A_226 = vector.shape_cast %select_n3A_225 : vector<16xi32> to vector<16x1xi32>
        %gather3A_227 = vector.shape_cast %reshape3A_226 : vector<16x1xi32> to vector<16xi32>
        %gather3A_228 = tpu.dynamic_gather %masked_cumsum3A_218[%gather3A_227] in [0] : vector<16xf32>, vector<16xi32> -> vector<16xf32>
        %eq3A_229 = vector.broadcast %add3A_149 : i32 to vector<16xi32>
        %eq3A_230 = arith.cmpi eq, %iota3A, %eq3A_229 : vector<16xi32>
        %select_n3A_231 = arith.select %eq3A_230, %gather3A_228, %select_n3A_147 : vector<16xi1>, vector<16xf32>
        %add3A_232 = arith.constant 2 : i32
        %add3A_233 = arith.addi %mul3A_70, %add3A_232 : i32
        %mul3A_234 = arith.constant 16 : i32
        %mul3A_235 = arith.muli %scan3A_53, %mul3A_234 : i32
        %add3A_236 = arith.addi %mul3A_235, %add3A_233 : i32
        %get3A_237 = arith.index_cast %add3A_236 : i32 to index
        %get3A_238 = arith.constant 0 : index
        %get3A_239 = tpu.vector_load %arg9[%get3A_237, %get3A_238] {strides = array<i32>} : memref<80x128xf32, #tpu.memory_space<vmem>>, vector<16xf32>,
        %get3A_240 = arith.index_cast %add3A_236 : i32 to index
        %get3A_241 = arith.constant 0 : index
        %get3A_242 = tpu.vector_load %arg10[%get3A_240, %get3A_241] {strides = array<i32>} : memref<80x128xf32, #tpu.memory_space<vmem>>, vector<16xf32>,
        %mul3A_243 = arith.mulf %get3A_239, %get3A_242 : vector<16xf32>
        %get3A_244 = arith.index_cast %add3A_236 : i32 to index
        %get3A_245 = arith.constant 16 : index
        %get3A_246 = tpu.vector_load %arg9[%get3A_244, %get3A_245] {strides = array<i32>} : memref<80x128xf32, #tpu.memory_space<vmem>>, vector<16xf32>,
        %get3A_247 = arith.index_cast %add3A_236 : i32 to index
        %get3A_248 = arith.constant 16 : index
        %get3A_249 = tpu.vector_load %arg10[%get3A_247, %get3A_248] {strides = array<i32>} : memref<80x128xf32, #tpu.memory_space<vmem>>, vector<16xf32>,
        %mul3A_250 = arith.mulf %get3A_246, %get3A_249 : vector<16xf32>
        %add3A_251 = arith.addf %mul3A_243, %mul3A_250 : vector<16xf32>
        %get3A_252 = arith.index_cast %add3A_236 : i32 to index
        %get3A_253 = arith.constant 32 : index
        %get3A_254 = tpu.vector_load %arg9[%get3A_252, %get3A_253] {strides = array<i32>} : memref<80x128xf32, #tpu.memory_space<vmem>>, vector<16xf32>,
        %get3A_255 = arith.index_cast %add3A_236 : i32 to index
        %get3A_256 = arith.constant 32 : index
        %get3A_257 = tpu.vector_load %arg10[%get3A_255, %get3A_256] {strides = array<i32>} : memref<80x128xf32, #tpu.memory_space<vmem>>, vector<16xf32>,
        %mul3A_258 = arith.mulf %get3A_254, %get3A_257 : vector<16xf32>
        %get3A_259 = arith.index_cast %add3A_236 : i32 to index
        %get3A_260 = arith.constant 48 : index
        %get3A_261 = tpu.vector_load %arg9[%get3A_259, %get3A_260] {strides = array<i32>} : memref<80x128xf32, #tpu.memory_space<vmem>>, vector<16xf32>,
        %get3A_262 = arith.index_cast %add3A_236 : i32 to index
        %get3A_263 = arith.constant 48 : index
        %get3A_264 = tpu.vector_load %arg10[%get3A_262, %get3A_263] {strides = array<i32>} : memref<80x128xf32, #tpu.memory_space<vmem>>, vector<16xf32>,
        %mul3A_265 = arith.mulf %get3A_261, %get3A_264 : vector<16xf32>
        %add3A_266 = arith.addf %mul3A_258, %mul3A_265 : vector<16xf32>
        %add3A_267 = arith.addf %add3A_251, %add3A_266 : vector<16xf32>
        %get3A_268 = arith.index_cast %add3A_236 : i32 to index
        %get3A_269 = arith.constant 64 : index
        %get3A_270 = tpu.vector_load %arg9[%get3A_268, %get3A_269] {strides = array<i32>} : memref<80x128xf32, #tpu.memory_space<vmem>>, vector<16xf32>,
        %get3A_271 = arith.index_cast %add3A_236 : i32 to index
        %get3A_272 = arith.constant 64 : index
        %get3A_273 = tpu.vector_load %arg10[%get3A_271, %get3A_272] {strides = array<i32>} : memref<80x128xf32, #tpu.memory_space<vmem>>, vector<16xf32>,
        %mul3A_274 = arith.mulf %get3A_270, %get3A_273 : vector<16xf32>
        %get3A_275 = arith.index_cast %add3A_236 : i32 to index
        %get3A_276 = arith.constant 80 : index
        %get3A_277 = tpu.vector_load %arg9[%get3A_275, %get3A_276] {strides = array<i32>} : memref<80x128xf32, #tpu.memory_space<vmem>>, vector<16xf32>,
        %get3A_278 = arith.index_cast %add3A_236 : i32 to index
        %get3A_279 = arith.constant 80 : index
        %get3A_280 = tpu.vector_load %arg10[%get3A_278, %get3A_279] {strides = array<i32>} : memref<80x128xf32, #tpu.memory_space<vmem>>, vector<16xf32>,
        %mul3A_281 = arith.mulf %get3A_277, %get3A_280 : vector<16xf32>
        %add3A_282 = arith.addf %mul3A_274, %mul3A_281 : vector<16xf32>
        %get3A_283 = arith.index_cast %add3A_236 : i32 to index
        %get3A_284 = arith.constant 96 : index
        %get3A_285 = tpu.vector_load %arg9[%get3A_283, %get3A_284] {strides = array<i32>} : memref<80x128xf32, #tpu.memory_space<vmem>>, vector<16xf32>,
        %get3A_286 = arith.index_cast %add3A_236 : i32 to index
        %get3A_287 = arith.constant 96 : index
        %get3A_288 = tpu.vector_load %arg10[%get3A_286, %get3A_287] {strides = array<i32>} : memref<80x128xf32, #tpu.memory_space<vmem>>, vector<16xf32>,
        %mul3A_289 = arith.mulf %get3A_285, %get3A_288 : vector<16xf32>
        %get3A_290 = arith.index_cast %add3A_236 : i32 to index
        %get3A_291 = arith.constant 112 : index
        %get3A_292 = tpu.vector_load %arg9[%get3A_290, %get3A_291] {strides = array<i32>} : memref<80x128xf32, #tpu.memory_space<vmem>>, vector<16xf32>,
        %get3A_293 = arith.index_cast %add3A_236 : i32 to index
        %get3A_294 = arith.constant 112 : index
        %get3A_295 = tpu.vector_load %arg10[%get3A_293, %get3A_294] {strides = array<i32>} : memref<80x128xf32, #tpu.memory_space<vmem>>, vector<16xf32>,
        %mul3A_296 = arith.mulf %get3A_292, %get3A_295 : vector<16xf32>
        %add3A_297 = arith.addf %mul3A_289, %mul3A_296 : vector<16xf32>
        %add3A_298 = arith.addf %add3A_282, %add3A_297 : vector<16xf32>
        %add3A_299 = arith.addf %add3A_267, %add3A_298 : vector<16xf32>
        %broadcast_in_dim3A_300 = arith.constant true
        %broadcast_in_dim3A_301 = vector.broadcast %broadcast_in_dim3A_300 : i1 to vector<16xi1>
        %masked_cumsum3A_302 = tpu.scan <sum>, %add3A_299 masked %broadcast_in_dim3A_301 : vector<16xf32>, vector<16xi1> -> vector<16xf32>
        %lt3A_303 = arith.constant 0 : i32
        %lt3A_304 = vector.broadcast %lt3A_303 : i32 to vector<16xi32>
        %lt3A_305 = arith.cmpi slt, %broadcast_in_dim3A_3, %lt3A_304 : vector<16xi32>
        %add3A_306 = arith.constant 16 : i32
        %add3A_307 = vector.broadcast %add3A_306 : i32 to vector<16xi32>
        %add3A_308 = arith.addi %broadcast_in_dim3A_3, %add3A_307 : vector<16xi32>
        %select_n3A_309 = arith.select %lt3A_305, %add3A_308, %broadcast_in_dim3A_3 : vector<16xi1>, vector<16xi32>
        %reshape3A_310 = vector.shape_cast %select_n3A_309 : vector<16xi32> to vector<16x1xi32>
        %gather3A_311 = vector.shape_cast %reshape3A_310 : vector<16x1xi32> to vector<16xi32>
        %gather3A_312 = tpu.dynamic_gather %masked_cumsum3A_302[%gather3A_311] in [0] : vector<16xf32>, vector<16xi32> -> vector<16xf32>
        %eq3A_313 = vector.broadcast %add3A_233 : i32 to vector<16xi32>
        %eq3A_314 = arith.cmpi eq, %iota3A, %eq3A_313 : vector<16xi32>
        %select_n3A_315 = arith.select %eq3A_314, %gather3A_312, %select_n3A_231 : vector<16xi1>, vector<16xf32>
        %add3A_316 = arith.constant 3 : i32
        %add3A_317 = arith.addi %mul3A_70, %add3A_316 : i32
        %mul3A_318 = arith.constant 16 : i32
        %mul3A_319 = arith.muli %scan3A_53, %mul3A_318 : i32
        %add3A_320 = arith.addi %mul3A_319, %add3A_317 : i32
        %get3A_321 = arith.index_cast %add3A_320 : i32 to index
        %get3A_322 = arith.constant 0 : index
        %get3A_323 = tpu.vector_load %arg9[%get3A_321, %get3A_322] {strides = array<i32>} : memref<80x128xf32, #tpu.memory_space<vmem>>, vector<16xf32>,
        %get3A_324 = arith.index_cast %add3A_320 : i32 to index
        %get3A_325 = arith.constant 0 : index
        %get3A_326 = tpu.vector_load %arg10[%get3A_324, %get3A_325] {strides = array<i32>} : memref<80x128xf32, #tpu.memory_space<vmem>>, vector<16xf32>,
        %mul3A_327 = arith.mulf %get3A_323, %get3A_326 : vector<16xf32>
        %get3A_328 = arith.index_cast %add3A_320 : i32 to index
        %get3A_329 = arith.constant 16 : index
        %get3A_330 = tpu.vector_load %arg9[%get3A_328, %get3A_329] {strides = array<i32>} : memref<80x128xf32, #tpu.memory_space<vmem>>, vector<16xf32>,
        %get3A_331 = arith.index_cast %add3A_320 : i32 to index
        %get3A_332 = arith.constant 16 : index
        %get3A_333 = tpu.vector_load %arg10[%get3A_331, %get3A_332] {strides = array<i32>} : memref<80x128xf32, #tpu.memory_space<vmem>>, vector<16xf32>,
        %mul3A_334 = arith.mulf %get3A_330, %get3A_333 : vector<16xf32>
        %add3A_335 = arith.addf %mul3A_327, %mul3A_334 : vector<16xf32>
        %get3A_336 = arith.index_cast %add3A_320 : i32 to index
        %get3A_337 = arith.constant 32 : index
        %get3A_338 = tpu.vector_load %arg9[%get3A_336, %get3A_337] {strides = array<i32>} : memref<80x128xf32, #tpu.memory_space<vmem>>, vector<16xf32>,
        %get3A_339 = arith.index_cast %add3A_320 : i32 to index
        %get3A_340 = arith.constant 32 : index
        %get3A_341 = tpu.vector_load %arg10[%get3A_339, %get3A_340] {strides = array<i32>} : memref<80x128xf32, #tpu.memory_space<vmem>>, vector<16xf32>,
        %mul3A_342 = arith.mulf %get3A_338, %get3A_341 : vector<16xf32>
        %get3A_343 = arith.index_cast %add3A_320 : i32 to index
        %get3A_344 = arith.constant 48 : index
        %get3A_345 = tpu.vector_load %arg9[%get3A_343, %get3A_344] {strides = array<i32>} : memref<80x128xf32, #tpu.memory_space<vmem>>, vector<16xf32>,
        %get3A_346 = arith.index_cast %add3A_320 : i32 to index
        %get3A_347 = arith.constant 48 : index
        %get3A_348 = tpu.vector_load %arg10[%get3A_346, %get3A_347] {strides = array<i32>} : memref<80x128xf32, #tpu.memory_space<vmem>>, vector<16xf32>,
        %mul3A_349 = arith.mulf %get3A_345, %get3A_348 : vector<16xf32>
        %add3A_350 = arith.addf %mul3A_342, %mul3A_349 : vector<16xf32>
        %add3A_351 = arith.addf %add3A_335, %add3A_350 : vector<16xf32>
        %get3A_352 = arith.index_cast %add3A_320 : i32 to index
        %get3A_353 = arith.constant 64 : index
        %get3A_354 = tpu.vector_load %arg9[%get3A_352, %get3A_353] {strides = array<i32>} : memref<80x128xf32, #tpu.memory_space<vmem>>, vector<16xf32>,
        %get3A_355 = arith.index_cast %add3A_320 : i32 to index
        %get3A_356 = arith.constant 64 : index
        %get3A_357 = tpu.vector_load %arg10[%get3A_355, %get3A_356] {strides = array<i32>} : memref<80x128xf32, #tpu.memory_space<vmem>>, vector<16xf32>,
        %mul3A_358 = arith.mulf %get3A_354, %get3A_357 : vector<16xf32>
        %get3A_359 = arith.index_cast %add3A_320 : i32 to index
        %get3A_360 = arith.constant 80 : index
        %get3A_361 = tpu.vector_load %arg9[%get3A_359, %get3A_360] {strides = array<i32>} : memref<80x128xf32, #tpu.memory_space<vmem>>, vector<16xf32>,
        %get3A_362 = arith.index_cast %add3A_320 : i32 to index
        %get3A_363 = arith.constant 80 : index
        %get3A_364 = tpu.vector_load %arg10[%get3A_362, %get3A_363] {strides = array<i32>} : memref<80x128xf32, #tpu.memory_space<vmem>>, vector<16xf32>,
        %mul3A_365 = arith.mulf %get3A_361, %get3A_364 : vector<16xf32>
        %add3A_366 = arith.addf %mul3A_358, %mul3A_365 : vector<16xf32>
        %get3A_367 = arith.index_cast %add3A_320 : i32 to index
        %get3A_368 = arith.constant 96 : index
        %get3A_369 = tpu.vector_load %arg9[%get3A_367, %get3A_368] {strides = array<i32>} : memref<80x128xf32, #tpu.memory_space<vmem>>, vector<16xf32>,
        %get3A_370 = arith.index_cast %add3A_320 : i32 to index
        %get3A_371 = arith.constant 96 : index
        %get3A_372 = tpu.vector_load %arg10[%get3A_370, %get3A_371] {strides = array<i32>} : memref<80x128xf32, #tpu.memory_space<vmem>>, vector<16xf32>,
        %mul3A_373 = arith.mulf %get3A_369, %get3A_372 : vector<16xf32>
        %get3A_374 = arith.index_cast %add3A_320 : i32 to index
        %get3A_375 = arith.constant 112 : index
        %get3A_376 = tpu.vector_load %arg9[%get3A_374, %get3A_375] {strides = array<i32>} : memref<80x128xf32, #tpu.memory_space<vmem>>, vector<16xf32>,
        %get3A_377 = arith.index_cast %add3A_320 : i32 to index
        %get3A_378 = arith.constant 112 : index
        %get3A_379 = tpu.vector_load %arg10[%get3A_377, %get3A_378] {strides = array<i32>} : memref<80x128xf32, #tpu.memory_space<vmem>>, vector<16xf32>,
        %mul3A_380 = arith.mulf %get3A_376, %get3A_379 : vector<16xf32>
        %add3A_381 = arith.addf %mul3A_373, %mul3A_380 : vector<16xf32>
        %add3A_382 = arith.addf %add3A_366, %add3A_381 : vector<16xf32>
        %add3A_383 = arith.addf %add3A_351, %add3A_382 : vector<16xf32>
        %broadcast_in_dim3A_384 = arith.constant true
        %broadcast_in_dim3A_385 = vector.broadcast %broadcast_in_dim3A_384 : i1 to vector<16xi1>
        %masked_cumsum3A_386 = tpu.scan <sum>, %add3A_383 masked %broadcast_in_dim3A_385 : vector<16xf32>, vector<16xi1> -> vector<16xf32>
        %lt3A_387 = arith.constant 0 : i32
        %lt3A_388 = vector.broadcast %lt3A_387 : i32 to vector<16xi32>
        %lt3A_389 = arith.cmpi slt, %broadcast_in_dim3A_3, %lt3A_388 : vector<16xi32>
        %add3A_390 = arith.constant 16 : i32
        %add3A_391 = vector.broadcast %add3A_390 : i32 to vector<16xi32>
        %add3A_392 = arith.addi %broadcast_in_dim3A_3, %add3A_391 : vector<16xi32>
        %select_n3A_393 = arith.select %lt3A_389, %add3A_392, %broadcast_in_dim3A_3 : vector<16xi1>, vector<16xi32>
        %reshape3A_394 = vector.shape_cast %select_n3A_393 : vector<16xi32> to vector<16x1xi32>
        %gather3A_395 = vector.shape_cast %reshape3A_394 : vector<16x1xi32> to vector<16xi32>
        %gather3A_396 = tpu.dynamic_gather %masked_cumsum3A_386[%gather3A_395] in [0] : vector<16xf32>, vector<16xi32> -> vector<16xf32>
        %eq3A_397 = vector.broadcast %add3A_317 : i32 to vector<16xi32>
        %eq3A_398 = arith.cmpi eq, %iota3A, %eq3A_397 : vector<16xi32>
        %select_n3A_399 = arith.select %eq3A_398, %gather3A_396, %select_n3A_315 : vector<16xi1>, vector<16xf32>
        scf.yield %select_n3A_399 : vector<16xf32>
      }
      %scan3A_61 = arith.constant 4 : i32
      %mul3A_62 = arith.constant 16 : i32
      %mul3A_63 = arith.muli %scan3A_53, %mul3A_62 : i32
      %add3A_64 = arith.constant 9920 : i32
      %add3A_65 = arith.addi %add3A_64, %mul3A_63 : i32
      %swap3A = arith.index_cast %add3A_65 : i32 to index
      %swap3A_66 = tpu.vector_load %arg8[%swap3A] {strides = array<i32>} : memref<10000xf32, #tpu.memory_space<vmem>>, vector<16xf32>,
      tpu.vector_store %arg8[%swap3A], %scan3A_60 {strides = array<i32>} : memref<10000xf32, #tpu.memory_space<vmem>>, vector<16xf32>,
    }
    %scan3A_52 = arith.constant 5 : i32
    "tpu.region"() ({
      %run_scoped3A = tpu.sem_alloc : memref<!tpu.dma_semaphore, #tpu.memory_space<semaphore_mem>>
      %dma_start3A_53 = tpu.memref_slice %arg5[%mul3A_2] : memref<320000xf32, #tpu.memory_space<hbm>> -> memref<10000xf32, #tpu.memory_space<hbm>>
      %dma_start3A_54 = tpu.memref_slice %arg5[%mul3A_2] : memref<320000xf32, #tpu.memory_space<hbm>> -> memref<10000xf32, #tpu.memory_space<hbm>>
      tpu.enqueue_dma source(%arg8 : memref<10000xf32, #tpu.memory_space<vmem>>) target(%dma_start3A_54 : memref<10000xf32, #tpu.memory_space<hbm>>) target_semaphore(%run_scoped3A : memref<!tpu.dma_semaphore, #tpu.memory_space<semaphore_mem>>)
      %dma_wait3A_55 = tpu.memref_slice %arg5[%mul3A_2] : memref<320000xf32, #tpu.memory_space<hbm>> -> memref<10000xf32, #tpu.memory_space<hbm>>
      %dma_wait3A_56 = tpu.memref_slice %arg5[%mul3A_2] : memref<320000xf32, #tpu.memory_space<hbm>> -> memref<10000xf32, #tpu.memory_space<hbm>>
      tpu.wait_dma2 semaphore(%run_scoped3A : memref<!tpu.dma_semaphore, #tpu.memory_space<semaphore_mem>>) src(%arg8 : memref<10000xf32, #tpu.memory_space<vmem>>) dst(%dma_wait3A_56 : memref<10000xf32, #tpu.memory_space<hbm>>)
      tpu.yield
    }) : () -> ()
    return
  }
}

</mosaic_0001>

<sc_bundles>
// kernel: kernel.3.cloned.1.call-start
scs
__scs_entry_jumppad:
0x0: {  	(pc) =	sbr.rel $0x88, $3  }
0x1: {  	(tag) =	ssettag $0x0;
	lr =	simm.s32 $0x1  }
0x2: {  	[smem:$0x3F9F] =	sst lr;
	_ =	strace $0xD0000000  }
0x3: {  	_ = 	snop  }
0x4: {  	_ = 	snop  }
0x5: {  	_ = 	snop  }
0x6: {  	_ = 	snop  }
0x7: {  	_ = 	snop  }
__scs_overlays_trampoline_lowered:
0x8: {  	[smem:$0x3FAE] =	sst s0  }
0x9: {  	[smem:$0x3FAF] =	sst s1  }
0xa: {  	[smem:$0x3FB0] =	sst s2  }
0xb: {  	[smem:$0x3FB1] =	sst s3  }
0xc: {  	[smem:$0x3FB2] =	sst s4  }
0xd: {  	[smem:$0x3FB3] =	sst s5  }
0xe: {  	[smem:$0x3FB4] =	sst s6  }
0xf: {  	[smem:$0x3FB5] =	sst s7  }
0x10: {  	[smem:$0x3FB6] =	sst s8  }
0x11: {  	[smem:$0x3FB7] =	sst s9;
	s0 =	simm.s32 @!p0 $0x0  }
0x12: {  	s1 =	sld [smem:$0x3F9D];
	s0 =	simm.s32 @p0 $0x1  }
0x13: {  	[smem:$0x3FB8] =	sst s0;
	s0 =	simm.s32 @!p1 $0x0  }
0x14: {  	s2 =	sld [smem:$0x3F9C];
	s0 =	simm.s32 @p1 $0x1  }
0x15: {  	[smem:$0x3FB9] =	sst s0;
	s0 =	simm.s32 @!p2 $0x0  }
0x16: {  	s3 =	sld [smem:$0x3FDB];
	s0 =	simm.s32 @p2 $0x1  }
0x17: {  	s4 =	simm.s32 $0x1BF5;
	[smem:$0x3FBB] =	sst s0  }
0x18: {  	s0 =	sld [smem:$0x3F9E];
	_ =	swait.ge [sflag:s4], $0x0  }
0x19: {  	s7 =	sld [smem:$0x3F9F]  }
0x1a: {  	s8 =	sadd.s32 $0xFFFFE003, lr  }
0x1b: {  	s9 =	sadd.s32 $0xFFFFFEF7, lr;
	s5 =	simm.s32 $0xFFFFFFFF;
	p2 =	slt.u32 s8, $0xFFFFF086  }
0x1c: {  	p1 =	slt.u32 s9, $0xF7A;
	s5 =	simm.s32 @!p2 $0x0  }
0x1d: {  	s5 =	simm.s32 @p1 $0x1;
	p0 =	seq.s32 s7, s2  }
0x1e: {  	s7 =	smul.u32 @!p0 $0xF7A, s2;
	p2 =	seq.s32 @!p0 s5, $0x0  }
0x1f: {  	s9 =	smul.u32 $0xF7A, s1;
	s8 =	simm.s32 @!p0 $0x1BF5;
	p2 =	por !p2, p0  }
0x20: {  	[sflag:s8] =	ssyncset.s32 @!p0 $0xFFFFF086;
	s6 =	sadd.s32 @!p0 s3, s7;
	s7 =	simm.s32 @!p0 $0x108  }
0x21: {  	s3 =	sadd.s32 s3, s9;
	s6 =	sadd.s32 @!p0 $0x88, s6;
	s7 =	simm.s32 @p2 $0x1082  }
0x22: {  	[simem:s7], [sflag:s8] =	dma.local @!p0 [hbm:s6], $0xF7A  }
0x23: {  	s9 =	sor.u32 $0xD0000000, s2;
	s6 =	simm.s32 $0x108;
	_ =	swait.ge @!p0 [sflag:s8], $0x0  }
0x24: {  	s3 =	sadd.s32 $0x88, s3;
	s6 =	simm.s32 @!p1 $0x1082;
	[sflag:s4] =	ssyncset.s32 $0xFFFFF086  }
0x25: {  	[simem:s6], [sflag:s4] =	dma.local [hbm:s3], $0xF7A  }
0x26: {  	[smem:$0x3F9F] =	sst s1;
	(tag) =	ssettag s2;
	_ =	strace s9  }
0x27: {  	s1 =	sld [smem:$0x3FAF]  }
0x28: {  	s2 =	sld [smem:$0x3FB0]  }
0x29: {  	s4 =	sld [smem:$0x3FB2]  }
0x2a: {  	p0 =	seq.s32 s5, $0x0;
	s5 =	sld [smem:$0x3FB3]  }
0x2b: {  	s6 =	sld [smem:$0x3FB4]  }
0x2c: {  	s7 =	sld [smem:$0x3FB5]  }
0x2d: {  	s3 =	simm.s32 $0x108;
	s8 =	sld [smem:$0x3FB6]  }
0x2e: {  	s3 =	simm.s32 @!p0 $0x1082;
	s9 =	sld [smem:$0x3FB7]  }
0x2f: {  	lr =	sadd.s32 s0, s3;
	s0 =	sld [smem:$0x3FAE]  }
0x30: {  	s3 =	sld [smem:$0x3FB1]  }
0x31: {  	[smem:$0x3FBA] =	sst s10  }
0x32: {  	s10 =	sld [smem:$0x3FB8];
	_ =	sdelay $0x3  }
0x33: {  	p0 =	seq.s32 s10, $0x1;
	s10 =	sld [smem:$0x3FBA];
	_ =	sdelay $0x3  }
0x34: {  	[smem:$0x3FBA] =	sst s10  }
0x35: {  	s10 =	sld [smem:$0x3FB9];
	_ =	sdelay $0x3  }
0x36: {  	p1 =	seq.s32 s10, $0x1;
	s10 =	sld [smem:$0x3FBA];
	_ =	sdelay $0x3  }
0x37: {  	[smem:$0x3FBA] =	sst s10  }
0x38: {  	s10 =	sld [smem:$0x3FBB]  }
0x39: {  	_ = 	snop;
	(pc) =	sbr.ind lr, $3  }
0x3a: {  	_ = 	snop  }
0x3b: {  	_ = 	snop  }
0x3c: {  	p2 =	seq.s32 s10, $0x1;
	s10 =	sld [smem:$0x3FBA]  }
0x3d: {  	_ =	shalt  }
0x3e: {  	_ =	shalt  }
0x3f: {  	_ =	shalt  }
0x40: {  	_ =	shalt  }
0x41: {  	_ =	shalt  }
0x42: {  	_ =	shalt  }
0x43: {  	_ =	shalt  }
0x44: {  	_ =	shalt  }
0x45: {  	_ =	shalt  }
0x46: {  	_ =	shalt  }
0x47: {  	_ =	shalt  }
0x48: {  	_ =	shalt  }
0x49: {  	_ =	shalt  }
0x4a: {  	_ =	shalt  }
0x4b: {  	_ =	shalt  }
0x4c: {  	_ =	shalt  }
0x4d: {  	_ =	shalt  }
0x4e: {  	_ =	shalt  }
0x4f: {  	_ =	shalt  }
0x50: {  	_ =	shalt  }
0x51: {  	_ =	shalt  }
0x52: {  	_ =	shalt  }
0x53: {  	_ =	shalt  }
0x54: {  	_ =	shalt  }
0x55: {  	_ =	shalt  }
0x56: {  	_ =	shalt  }
0x57: {  	_ =	shalt  }
0x58: {  	_ =	shalt  }
0x59: {  	_ =	shalt  }
0x5a: {  	_ =	shalt  }
0x5b: {  	_ =	shalt  }
0x5c: {  	_ =	shalt  }
0x5d: {  	_ =	shalt  }
0x5e: {  	_ =	shalt  }
0x5f: {  	_ =	shalt  }
0x60: {  	_ =	shalt  }
0x61: {  	_ =	shalt  }
0x62: {  	_ =	shalt  }
0x63: {  	_ =	shalt  }
0x64: {  	_ =	shalt  }
0x65: {  	_ =	shalt  }
0x66: {  	_ =	shalt  }
0x67: {  	_ =	shalt  }
0x68: {  	_ =	shalt  }
0x69: {  	_ =	shalt  }
0x6a: {  	_ =	shalt  }
0x6b: {  	_ =	shalt  }
0x6c: {  	_ =	shalt  }
0x6d: {  	_ =	shalt  }
0x6e: {  	_ =	shalt  }
0x6f: {  	_ =	shalt  }
0x70: {  	_ =	shalt  }
0x71: {  	_ =	shalt  }
0x72: {  	_ =	shalt  }
0x73: {  	_ =	shalt  }
0x74: {  	_ =	shalt  }
0x75: {  	_ =	shalt  }
0x76: {  	_ =	shalt  }
0x77: {  	_ =	shalt  }
0x78: {  	_ =	shalt  }
0x79: {  	_ =	shalt  }
0x7a: {  	_ =	shalt  }
0x7b: {  	_ =	shalt  }
0x7c: {  	_ =	shalt  }
0x7d: {  	_ =	shalt  }
0x7e: {  	_ =	shalt  }
0x7f: {  	_ =	shalt  }
0x80: {  	_ =	shalt  }
0x81: {  	_ =	shalt  }
0x82: {  	_ =	shalt  }
0x83: {  	_ =	shalt  }
0x84: {  	_ =	shalt  }
0x85: {  	_ =	shalt  }
0x86: {  	_ =	shalt  }
0x87: {  	_ =	shalt  }
.Lfunc_end0:
.L_simem_size_0:
called_computation_lowered:
.L_overlay_start_0:
0x88: {  	s2 =	sld [smem:$0x3FD9]  }
0x89: {  	s3 =	sld [smem:$0x3FFE];
	_ =	sdelay $0x1  }
0x8a: {  	s1 =	srdreg.scid  }
0x8b: {  	s0 =	sand.u32 $0x1, s1  }
0x8c: {  	s17 =	sshll.u32 s0, $0xA;
	s2 =	sadd.s32 s3, s2  }
0x8d: {  	s2 =	sadd.s32 s2, s17  }
0x8e: {  	[smem:$0x3FC6] =	sst s2  }
0x8f: {  	_ = 	snop  }
0x90: {  	s2 =	sld [smem:$0x3FC9]  }
0x91: {  	s18 =	sld [smem:$0x3FD0];
	(tm) =	ssettm $0x1  }
0x92: {  	s4 =	sld [smem:$0x3FFB];
	_ =	sdelay $0x3  }
0x93: {  	_ =	strace s4  }
0x94: {  	s4 =	sld [smem:$0x3FFC];
	_ =	sdelay $0x3  }
0x95: {  	_ =	strace s4  }
0x96: {  	s4 =	sld [smem:$0x3FFD];
	_ =	sdelay $0x3  }
0x97: {  	_ =	strace s4  }
0x98: {  	_ =	strace $0x8FFFFFFF  }
0x99: {  	s19 =	sld [smem:$0x3FDB];
	_ =	sdelay $0x1  }
0x9a: {  	s5 =	simm.s32 $_scs_section_size  }
0x9b: {  	s6 =	simm.s32 $_size__tile_overlayer_lowered;
	s7 =	simm.s32 $_tile_overlayer_lowered  }
0x9c: {  	s22 =	simm.s32 $0x1BFF;
	s21 =	sshll.u32 s7, $0x1;
	s4 =	sadd.s32 s5, s19  }
0x9d: {  	s8 =	simm.s32 $0x0;
	s20 =	sshll.u32 s6, $0x1;
	s6 =	sadd.s32 s21, s4  }
0x9e: {  	[timem:s8], [sflag:s22] =	dma.local [hbm:s6], s20  }
0x9f: {  	_ =	swait.ge [sflag:s22], s20  }
0xa0: {  	s5 =	ssub.s32 $0x0, s20;
	[sflag:s22] =	ssyncset.done $0x0  }
0xa1: {  	[sflag:s22] =	ssyncadd.s32 s5;
	_ =	sdelay $0x1  }
0xa2: {  	s23 =	simm.s32 $0x1B8B  }
0xa3: {  	_ =	swait.ge [sflag:s23], $0x1  }
0xa4: {  	[sflag:s23] =	ssyncset.done $0x0  }
0xa5: {  	s25 =	simm.s32 $0x1B8E;
	s24 =	sld [smem:$0x3FFE];
	[sflag:s23] =	ssyncadd.s32 $0xFFFFFFFF  }
0xa6: {  	s26 =	simm.s32 $execute0_lowered;
	[smem:$0x3FD2] =	sst s25  }
0xa7: {  	s6 =	sshll.u32 s26, $0x1;
	_ =	strace $0x80000046;
	[dreg:$0x1] =	wrdreg $0xFFFFFFFF  }
0xa8: {  	s28 =	simm.s32 $_size_execute0_lowered;
	s4 =	sadd.s32 s4, s6;
	[dreg:$0x0] =	wrdreg $0x0  }
0xa9: {  	s6 =	sshll.u32 s28, $0x1;
	[dreg:$0x2] =	wrdreg s4  }
0xaa: {  	[dreg:$0x3] =	wrdreg s6  }
0xab: {  	[dreg:$0x4] =	wrdreg $0xC0  }
0xac: {  	_ =	task [dreg:s8], $0x5FFFF  }
0xad: {  	[dreg:$0x1] =	wrdreg $0xFFFFFFFF  }
0xae: {  	[dreg:$0x0] =	wrdreg $0x60  }
0xaf: {  	[dreg:$0x2] =	wrdreg s2  }
0xb0: {  	[dreg:$0x3] =	wrdreg s24  }
0xb1: {  	[dreg:$0x4] =	wrdreg s18  }
0xb2: {  	[dreg:$0x5] =	wrdreg $0x9  }
0xb3: {  	_ =	task.clear_ibuf [dreg:s8], $0x6FFFF;
	_ =	strace $0x90000046  }
0xb4: {  	s29 =	simm.s32 $0x9;
	_ =	strace $0x80000048  }
0xb5: {  	_ =	swait.ge [sflag:s29], $0x1  }
0xb6: {  	[sflag:s29] =	ssyncadd.s32 $0xFFFFFFFF  }
0xb7: {  	_ =	strace $0x90000048  }
0xb8: {  	_ =	sfence  }
0xb9: {  	s30 =	sld [smem:$0x0];
	_ =	sdelay $0x2  }
0xba: {  	s31 =	sshll.u32 s1, $0xD;
	s1 =	sshrl.u32 s1, $0x2  }
0xbb: {  	s3 =	sand.u32 $0x4000, s31;
	s1 =	sadd.s32 s1, s30  }
0xbc: {  	s0 =	sor.u32 s3, s0;
	s1 =	sshll.u32 s1, $0x11  }
0xbd: {  	s0 =	sor.u32 s1, s0  }
0xbe: {  	s0 =	sadd.s32 $0x8F2B, s0  }
0xbf: {  	[sflag:s0] =	ssyncadd.remote.s32 $0x1  }
0xc0: {  	_ =	sfence.sel $0xFFFF  }
0xc1: {  	[dreg:$0x0] =	wrdreg $0xFFFFFFFF;
	(pc) =	sbr.abs _section_cstart, $3  }
0xc2: {  	[dreg:$0x1] =	wrdreg $0xFFFFFFFF  }
0xc3: {  	_ =	task.clear_ibuf [dreg:s8], $0x2FFFF;
	_ =	strace $0x9FFFFFFF  }
0xc4: {  	(tm) =	ssettm $0x7FFFFFFF  }
0xc5: {  	_ =	shalt  }
tec
execute0_lowered:
.L_overlay_start_1:
0x0: {  	(tag) =	ssettag $0x1  }
0x1: {  	s1 =	rddreg [dreg:$0x0]  }
0x2: {  	s0 =	srdreg.scid;
	s2 =	rddreg [dreg:$0x1]  }
0x3: {  	s3 =	stileid.u32;
	s6 =	rddreg [dreg:$0x2];
	s8 =	simm.s32 $0x5  }
0x4: {  	s10 =	simm.s32 $0x50;
	s11 =	simm.s32 $0x7680;
	s12 =	simm.s32 $0x9E80  }
0x5: {  	s20 =	simm.s32 $0x16680;
	s21 =	simm.s32 $0x18E80;
	s22 =	simm.s32 $0x1  }
0x6: {  	s23 =	simm.s32 $0x2;
	s0 =	sand.u32 $0x1, s0;
	s3 =	sshll.u32 s3, $0x1  }
0x7: {  	s24 =	simm.s32 $0x3;
	s25 =	simm.s32 $0x4;
	s4 =	sor.u32 s0, s3  }
0x8: {  	s3 =	simm.s32 $0x0;
	s0 =	ssub.s32 $0x2, s0;
	s7 =	smul.u32 $0x4E2, s4  }
0x9: {  	s28 =	simm.s32 $0x0;
	[smem:$0x7FF] =	sst s3;
	s5 =	sshrl.u32 s0, $0x1  }
0xa: {  	_ =	strace $0x80000047;
	s0 =	ssub.s32 s0, s5;
	s4 =	sadd.s32 s2, s7  }
0xb: {  	v0 =	vimm.s32 $0xF;
	v1 =	vlaneseq.u32;
	s6 =	sadd.s32 s6, s7;
	s7 =	smax.u32 s0, $0x1;
	s5 =	sadd.s32 $0x9E00, s4  }
.LBB2_1:
0xc: {  	[tilespmem:s3], [sflag:$0x5] =	stream.linear.gather [hbm4b:s5+s3], $0x2710, $0x38;
	[tilespmem:$0x1B680] =	vst v63  }
0xd: {  	_ =	swait.ge [sflag:s8], $0x2710  }
0xe: {  	[sflag:s8] =	ssyncset.done $0x0  }
0xf: {  	s0 =	simm.s32 $0x2780;
	[sflag:s8] =	ssyncadd.s32 $0xFFFFD8F0  }
0x10: {  	[tilespmem:s0], [sflag:$0x5] =	stream.linear.gather [hbm4b:s4+s3], $0x2710, $0x38;
	[tilespmem:$0x1B680] =	vst v63  }
0x11: {  	_ =	swait.ge [sflag:s8], $0x2710  }
0x12: {  	[sflag:s8] =	ssyncset.done $0x0  }
0x13: {  	[sflag:s8] =	ssyncadd.s32 $0xFFFFD8F0  }
0x14: {  	[tilespmem:s11], [sflag:$0x1] =	stream.indirect.gather [hbm4b:s1+s10], $0x80, s3, s10, $0xb8;
	[tilespmem:$0x1B680] =	vst v63  }
0x15: {  	_ = 	snop  }
0x16: {  	[tilespmem:s12], [sflag:$0x1] =	stream.indirect.gather [hbm4b:s1+s10], $0x80, s0, s10, $0xb8;
	[tilespmem:$0x1B680] =	vst v63  }
0x17: {  	s17 =	simm.s32 $0xC680  }
0x18: {  	[tilespmem:s17], [sflag:$0x2] =	stream.indirect.gather [hbm4b:s1+s10], $0x80, s10, s10, $0xb8;
	[tilespmem:$0x1B680] =	vst v63  }
0x19: {  	s18 =	simm.s32 $0x27D0;
	s2 =	simm.s32 $0xEE80  }
0x1a: {  	[tilespmem:s2], [sflag:$0x2] =	stream.indirect.gather [hbm4b:s1+s10], $0x80, s18, s10, $0xb8;
	[tilespmem:$0x1B680] =	vst v63  }
0x1b: {  	s19 =	simm.s32 $0xA0;
	s26 =	simm.s32 $0x11680  }
0x1c: {  	[tilespmem:s26], [sflag:$0x3] =	stream.indirect.gather [hbm4b:s1+s10], $0x80, s19, s10, $0xb8;
	[tilespmem:$0x1B680] =	vst v63  }
0x1d: {  	s30 =	simm.s32 $0x2820;
	s31 =	simm.s32 $0x13E80;
	s29 =	simm.s32 $0x0  }
0x1e: {  	[tilespmem:s31], [sflag:$0x3] =	stream.indirect.gather [hbm4b:s1+s10], $0x80, s30, s10, $0xb8;
	[tilespmem:$0x1B680] =	vst v63  }
.LBB2_2:
0x1f: {  	s30 =	sshllo.u32 s29, $0x2  }
0x20: {  	s0 =	smul.u32 $0x50, s30;
	_ =	sdelay $0x1  }
0x21: {  	[tilespmem:s20], [sflag:$0x4] =	stream.indirect.gather [hbm4b:s1+s10], $0x80, s0, s10, $0xb8;
	[tilespmem:$0x1B680] =	vst v63  }
0x22: {  	s0 =	sadd.s32 $0x2780, s0  }
0x23: {  	[tilespmem:s21], [sflag:$0x4] =	stream.indirect.gather [hbm4b:s1+s10], $0x80, s0, s10, $0xb8;
	[tilespmem:$0x1B680] =	vst v63  }
0x24: {  	_ =	swait.ge [sflag:s22], $0x2800  }
0x25: {  	s26 =	smul.u32 $0x500, s29;
	[sflag:s22] =	ssyncset.done $0x0  }
0x26: {  	[sflag:s22] =	ssyncadd.s32 $0xFFFFD800  }
0x27: {  	s2 =	sshra.s32 s26, $0x2;
	_ =	swait.ge [sflag:s22], $0x2800  }
0x28: {  	s31 =	simm.s32 $0x0;
	s14 =	sadd.s32 $0x4F00, s2;
	[sflag:s22] =	ssyncset.done $0x0  }
0x29: {  	s13 =	simm.s32 $0x7780;
	v2 =	vmov s14;
	s0 =	simm.s32 $0x9F80;
	[sflag:s22] =	ssyncadd.s32 $0xFFFFD800  }
.LBB2_3:
0x2a: {  	v6 =	vld [tilespmem:s13+$0x80]  }
0x2b: {  	v7 =	vld [tilespmem:s0+$0x80]  }
0x2c: {  	v8 =	vld [tilespmem:s13+$0x90]  }
0x2d: {  	v9 =	vld [tilespmem:s0+$0x90]  }
0x2e: {  	v10 =	vld [tilespmem:s13+$0xA0]  }
0x2f: {  	v11 =	vld [tilespmem:s0+$0xA0]  }
0x30: {  	v12 =	vld [tilespmem:s13+$0xB0]  }
0x31: {  	v13 =	vld [tilespmem:s0+$0xB0]  }
0x32: {  	v14 =	vld [tilespmem:s13+$0xC0]  }
0x33: {  	v15 =	vld [tilespmem:s0+$0xC0]  }
0x34: {  	v4 =	vld [tilespmem:s13+$0xD0]  }
0x35: {  	v5 =	vld [tilespmem:s0+$0xD0]  }
0x36: {  	v3 =	vld [tilespmem:s13+$0xE0]  }
0x37: {  	v16 =	vld [tilespmem:s13+$0x0]  }
0x38: {  	v17 =	vld [tilespmem:s0+$0x0]  }
0x39: {  	v18 =	vld [tilespmem:s13+$0x10]  }
0x3a: {  	v19 =	vld [tilespmem:s0+$0x10]  }
0x3b: {  	v20 =	vld [tilespmem:s13+$0x20]  }
0x3c: {  	v21 =	vld [tilespmem:s0+$0x20]  }
0x3d: {  	v22 =	vld [tilespmem:s13+$0x30]  }
0x3e: {  	v23 =	vld [tilespmem:s0+$0x30]  }
0x3f: {  	v24 =	vld [tilespmem:s13+$0x40]  }
0x40: {  	v25 =	vld [tilespmem:s0+$0x40]  }
0x41: {  	v26 =	vld [tilespmem:s13+$0x50]  }
0x42: {  	v27 =	vld [tilespmem:s0+$0x50]  }
0x43: {  	v28 =	vld [tilespmem:s13+$0x60]  }
0x44: {  	v29 =	vld [tilespmem:s0+$0x60]  }
0x45: {  	v30 =	vld [tilespmem:s13+$0x70]  }
0x46: {  	v31 =	vld [tilespmem:s0+$0x70]  }
0x47: {  	v32 =	vld [tilespmem:s13+$0xFFFFFF80]  }
0x48: {  	v33 =	vld [tilespmem:s0+$0xFFFFFF80]  }
0x49: {  	v34 =	vld [tilespmem:s13+$0xFFFFFF90]  }
0x4a: {  	v35 =	vld [tilespmem:s0+$0xFFFFFF90]  }
0x4b: {  	v36 =	vld [tilespmem:s13+$0xFFFFFFA0]  }
0x4c: {  	v37 =	vld [tilespmem:s0+$0xFFFFFFA0]  }
0x4d: {  	v38 =	vld [tilespmem:s13+$0xFFFFFFB0]  }
0x4e: {  	v39 =	vld [tilespmem:s0+$0xFFFFFFB0]  }
0x4f: {  	v40 =	vld [tilespmem:s13+$0xFFFFFFC0]  }
0x50: {  	v41 =	vld [tilespmem:s0+$0xFFFFFFC0]  }
0x51: {  	v42 =	vld [tilespmem:s13+$0xFFFFFFD0]  }
0x52: {  	v43 =	vld [tilespmem:s0+$0xFFFFFFD0]  }
0x53: {  	v44 =	vld [tilespmem:s13+$0xFFFFFFE0]  }
0x54: {  	v45 =	vld [tilespmem:s0+$0xFFFFFFE0]  }
0x55: {  	v46 =	vld [tilespmem:s13+$0xFFFFFFF0]  }
0x56: {  	v47 =	vld [tilespmem:s0+$0xFFFFFFF0]  }
0x57: {  	v48 =	vld [tilespmem:s13+$0xFFFFFF00]  }
0x58: {  	v49 =	vld [tilespmem:s0+$0xFFFFFF00]  }
0x59: {  	v50 =	vld [tilespmem:s13+$0xFFFFFF10]  }
0x5a: {  	v51 =	vld [tilespmem:s0+$0xFFFFFF10];
	v52 =	vmul.f32 v7, v6;
	v53 =	vmul.f32 v9, v8  }
0x5b: {  	v54 =	vld [tilespmem:s13+$0xFFFFFF20];
	v8 =	vmul.f32 v11, v10;
	v9 =	vmul.f32 v13, v12  }
0x5c: {  	v55 =	vld [tilespmem:s0+$0xFFFFFF20];
	v56 =	vmul.f32 v17, v16;
	v7 =	vmul.f32 v15, v14  }
0x5d: {  	v10 =	vld [tilespmem:s13+$0xFFFFFF30];
	v15 =	vmul.f32 v19, v18;
	v57 =	vmul.f32 v21, v20  }
0x5e: {  	v12 =	vld [tilespmem:s0+$0xFFFFFF30];
	v58 =	vmul.f32 v23, v22;
	v59 =	vmul.f32 v25, v24  }
0x5f: {  	v11 =	vld [tilespmem:s13+$0xFFFFFF40];
	v60 =	vmul.f32 v27, v26;
	v18 =	vmul.f32 v29, v28  }
0x60: {  	v16 =	vld [tilespmem:s0+$0xFFFFFF40];
	v21 =	vmul.f32 v33, v32;
	v22 =	vmul.f32 v31, v30  }
0x61: {  	v13 =	vld [tilespmem:s13+$0xFFFFFF50];
	v29 =	vmul.f32 v35, v34;
	v23 =	vmul.f32 v37, v36  }
0x62: {  	v19 =	vld [tilespmem:s0+$0xFFFFFF50];
	v27 =	vmul.f32 v39, v38;
	v28 =	vmul.f32 v41, v40  }
0x63: {  	v14 =	vld [tilespmem:s13+$0xFFFFFF60];
	v33 =	vmul.f32 v43, v42;
	v17 =	vmul.f32 v45, v44  }
0x64: {  	v6 =	vimm.f32 $0.0e+00;
	v24 =	vmul.f32 v49, v48;
	v25 =	vld [tilespmem:s0+$0xFFFFFF60];
	v26 =	vmul.f32 v47, v46  }
0x65: {  	s17 =	simm.s32 $0x4;
	v30 =	vmul.f32 v51, v50;
	v20 =	vld [tilespmem:s13+$0xFFFFFF70];
	v34 =	vadd.f32 v15, v56;
	v15 =	vadd.f32 v53, v52  }
0x66: {  	s15 =	smov.u32 s0;
	s16 =	smov.u32 s13;
	s14 =	simm.s32 $0x0;
	v31 =	vmul.f32 v55, v54;
	v32 =	vld [tilespmem:s0+$0xFFFFFF70];
	v35 =	vadd.f32 v58, v57;
	v36 =	vadd.f32 v60, v59  }
.LBB2_4:
0x67: {  	p0 =	sne.s32 s17, $0xC;
	v12 =	vmul.f32 v12, v10;
	v21 =	vadd.f32 v29, v21;
	v10 =	vadd.f32 v22, v18;
	v18 =	vld [tilespmem:s15+$0xE0]  }
0x68: {  	v16 =	vmul.f32 v16, v11;
	v22 =	vadd.f32 v27, v23;
	v23 =	vadd.f32 v33, v28;
	v27 =	vld [tilespmem:s16+$0xF0]  }
0x69: {  	v19 =	vmul.f32 v19, v13;
	v13 =	vadd.f32 v35, v34;
	s16 =	sadd.s32 $0x200, s16;
	v28 =	vadd.f32 v10, v36;
	v29 =	vld [tilespmem:s15+$0xF0]  }
0x6a: {  	v24 =	vadd.f32 v30, v24;
	v17 =	vadd.f32 v26, v17;
	v14 =	vmul.f32 v25, v14;
	s15 =	sadd.s32 $0x200, s15;
	v10 =	vld [tilespmem:s16+$0x80]  }
0x6b: {  	v25 =	vadd.f32 v12, v31;
	v11 =	vld [tilespmem:s15+$0x80];
	v20 =	vmul.f32 v32, v20;
	v26 =	vadd.f32 v28, v13  }
0x6c: {  	v4 =	vmul.f32 v5, v4;
	v21 =	vadd.f32 v22, v21;
	v17 =	vadd.f32 v17, v23;
	v12 =	vld [tilespmem:s16+$0x90]  }
0x6d: {  	v5 =	vadd.f32 v19, v16;
	v3 =	vmul.f32 v18, v3;
	v13 =	vld [tilespmem:s15+$0x90];
	v16 =	vadd.f32 v20, v14;
	(xrf2) =	vadd.scan.msk.f32 $0xffff, v26  }
0x6e: {  	v8 =	vadd.f32 v9, v8;
	v17 =	vadd.f32 v17, v21;
	v14 =	vld [tilespmem:s16+$0xA0];
	v9 =	vmul.f32 v29, v27  }
0x6f: {  	v19 =	vadd.f32 v25, v24;
	v18 =	vld [tilespmem:s15+$0xA0];
	v5 =	vadd.f32 v16, v5  }
0x70: {  	v4 =	vadd.f32 v4, v7;
	v16 =	vld [tilespmem:s16+$0xB0];
	v3 =	vadd.f32 v9, v3;
	(xrf2) =	vadd.scan.msk.f32 $0xffff, v17  }
0x71: {  	v7 =	vld [tilespmem:s15+$0xB0];
	v5 =	vadd.f32 v5, v19  }
0x72: {  	v8 =	vadd.f32 v8, v15;
	v17 =	vld [tilespmem:s16+$0xC0];
	v3 =	vadd.f32 v3, v4  }
0x73: {  	v15 =	vld [tilespmem:s15+$0xC0];
	(xrf2) =	vadd.scan.msk.f32 $0xffff, v5  }
0x74: {  	v4 =	vld [tilespmem:s16+$0xD0];
	v9 =	vadd.f32 v3, v8  }
0x75: {  	v5 =	vld [tilespmem:s15+$0xD0]  }
0x76: {  	v3 =	vld [tilespmem:s16+$0xE0];
	(xrf2) =	vadd.scan.msk.f32 $0xffff, v9  }
0x77: {  	v19 =	vld [tilespmem:s16+$0x0];
	v8, _, _ =	vpop (xrf2)  }
0x78: {  	v20 =	vld [tilespmem:s15+$0x0]  }
0x79: {  	v21 =	vld [tilespmem:s16+$0x10]  }
0x7a: {  	v22 =	vld [tilespmem:s15+$0x10];
	v9, _, _ =	vpop (xrf2)  }
0x7b: {  	v23 =	vld [tilespmem:s16+$0x20]  }
0x7c: {  	v24 =	vld [tilespmem:s15+$0x20]  }
0x7d: {  	s18 =	sadd.s32 $0x2, s14;
	s19 =	sadd.s32 $0x3, s14;
	v26 =	vmov s14;
	v25 =	vld [tilespmem:s16+$0x30];
	v27, _, _ =	vpop (xrf2)  }
0x7e: {  	s26 =	sadd.s32 $0x1, s14;
	v30 =	vmov s19;
	s14 =	smov.u32 s17;
	v29 =	vmov s18;
	v28 =	vld [tilespmem:s15+$0x30];
	v27 =	vperm.xlane v27, v0  }
0x7f: {  	v33 =	vmov s26;
	vm0 =	veq.s32 v26, v1;
	v9 =	vperm.xlane v9, v0;
	v31 =	vld [tilespmem:s16+$0x40]  }
0x80: {  	v8 =	vperm.xlane v8, v0;
	v32 =	vld [tilespmem:s15+$0x40];
	v6 =	vsel vm0, v27, v6;
	vm0 =	veq.s32 v33, v1;
	v26, _, _ =	vpop (xrf2)  }
0x81: {  	v27 =	vld [tilespmem:s16+$0x50];
	v6 =	vsel vm0, v9, v6;
	vm0 =	veq.s32 v29, v1;
	v9 =	vperm.xlane v26, v0  }
0x82: {  	v26 =	vld [tilespmem:s15+$0x50];
	v6 =	vsel vm0, v8, v6;
	vm0 =	veq.s32 v30, v1  }
0x83: {  	v29 =	vld [tilespmem:s16+$0x60];
	v6 =	vsel vm0, v9, v6  }
0x84: {  	v30 =	vld [tilespmem:s15+$0x60]  }
0x85: {  	v33 =	vld [tilespmem:s16+$0x70]  }
0x86: {  	v34 =	vld [tilespmem:s15+$0x70]  }
0x87: {  	v35 =	vld [tilespmem:s16+$0xFFFFFF80]  }
0x88: {  	v36 =	vld [tilespmem:s15+$0xFFFFFF80]  }
0x89: {  	v37 =	vld [tilespmem:s16+$0xFFFFFF90]  }
0x8a: {  	v38 =	vld [tilespmem:s15+$0xFFFFFF90]  }
0x8b: {  	v39 =	vld [tilespmem:s16+$0xFFFFFFA0]  }
0x8c: {  	v40 =	vld [tilespmem:s15+$0xFFFFFFA0]  }
0x8d: {  	v41 =	vld [tilespmem:s16+$0xFFFFFFB0]  }
0x8e: {  	v42 =	vld [tilespmem:s15+$0xFFFFFFB0]  }
0x8f: {  	v43 =	vld [tilespmem:s16+$0xFFFFFFC0]  }
0x90: {  	v44 =	vld [tilespmem:s15+$0xFFFFFFC0]  }
0x91: {  	v45 =	vld [tilespmem:s16+$0xFFFFFFD0]  }
0x92: {  	v46 =	vld [tilespmem:s15+$0xFFFFFFD0]  }
0x93: {  	v47 =	vld [tilespmem:s16+$0xFFFFFFE0]  }
0x94: {  	v48 =	vld [tilespmem:s15+$0xFFFFFFE0]  }
0x95: {  	v49 =	vld [tilespmem:s16+$0xFFFFFFF0]  }
0x96: {  	v50 =	vld [tilespmem:s15+$0xFFFFFFF0]  }
0x97: {  	v51 =	vld [tilespmem:s16+$0xFFFFFF00]  }
0x98: {  	v52 =	vld [tilespmem:s15+$0xFFFFFF00]  }
0x99: {  	v53 =	vld [tilespmem:s16+$0xFFFFFF10]  }
0x9a: {  	v55 =	vmul.f32 v11, v10;
	v56 =	vmul.f32 v13, v12;
	v54 =	vld [tilespmem:s15+$0xFFFFFF10]  }
0x9b: {  	v8 =	vmul.f32 v18, v14;
	v9 =	vmul.f32 v7, v16;
	v57 =	vld [tilespmem:s16+$0xFFFFFF20]  }
0x9c: {  	v59 =	vmul.f32 v20, v19;
	v7 =	vmul.f32 v15, v17;
	v58 =	vld [tilespmem:s15+$0xFFFFFF20]  }
0x9d: {  	v60 =	vmul.f32 v24, v23;
	v15 =	vmul.f32 v22, v21;
	v10 =	vld [tilespmem:s16+$0xFFFFFF30]  }
0x9e: {  	v61 =	vmul.f32 v28, v25;
	v62 =	vmul.f32 v32, v31;
	v12 =	vld [tilespmem:s15+$0xFFFFFF30]  }
0x9f: {  	v63 =	vmul.f32 v26, v27;
	v18 =	vmul.f32 v30, v29;
	v11 =	vld [tilespmem:s16+$0xFFFFFF40]  }
0xa0: {  	v22 =	vmul.f32 v34, v33;
	v21 =	vmul.f32 v36, v35;
	v16 =	vld [tilespmem:s15+$0xFFFFFF40]  }
0xa1: {  	v29 =	vmul.f32 v38, v37;
	v23 =	vmul.f32 v40, v39;
	v13 =	vld [tilespmem:s16+$0xFFFFFF50]  }
.Ltmp0:
0xa2: {  	v27 =	vmul.f32 v42, v41;
	v28 =	vmul.f32 v44, v43;
	v19 =	vld [tilespmem:s15+$0xFFFFFF50];
	(pc) =	sbr.rel @p0 .LBB2_4-.Ltmp0, $4  }
0xa3: {  	v33 =	vmul.f32 v46, v45;
	v17 =	vmul.f32 v48, v47;
	v14 =	vld [tilespmem:s16+$0xFFFFFF60]  }
0xa4: {  	v26 =	vmul.f32 v50, v49;
	v24 =	vmul.f32 v52, v51;
	v25 =	vld [tilespmem:s15+$0xFFFFFF60]  }
0xa5: {  	v34 =	vadd.f32 v15, v59;
	v15 =	vadd.f32 v56, v55;
	v30 =	vmul.f32 v54, v53;
	v20 =	vld [tilespmem:s16+$0xFFFFFF70]  }
0xa6: {  	s17 =	sadd.s32 $0x4, s17;
	v35 =	vadd.f32 v61, v60;
	v36 =	vadd.f32 v63, v62;
	v31 =	vmul.f32 v58, v57;
	v32 =	vld [tilespmem:s15+$0xFFFFFF70]  }
0xa7: {  	v10 =	vmul.f32 v12, v10;
	v45 =	vadd.f32 v29, v21  }
0xa8: {  	v18 =	vadd.f32 v22, v18;
	v46 =	vld [tilespmem:s15+$0xE0];
	v11 =	vmul.f32 v16, v11;
	v47 =	vadd.f32 v27, v23  }
0xa9: {  	v48 =	vadd.f32 v33, v28;
	v49 =	vld [tilespmem:s16+$0xF0];
	v13 =	vmul.f32 v19, v13;
	v24 =	vadd.f32 v30, v24  }
0xaa: {  	v51 =	vld [tilespmem:s15+$0xF0];
	v17 =	vadd.f32 v26, v17;
	v4 =	vmul.f32 v5, v4;
	v8 =	vadd.f32 v9, v8  }
0xab: {  	v50 =	vadd.f32 v35, v34;
	v18 =	vadd.f32 v18, v36;
	v14 =	vmul.f32 v25, v14  }
0xac: {  	v10 =	vadd.f32 v10, v31;
	v12 =	vadd.f32 v47, v45;
	v20 =	vmul.f32 v32, v20  }
0xad: {  	v52 =	vadd.f32 v17, v48;
	v53 =	vadd.f32 v13, v11  }
0xae: {  	v4 =	vadd.f32 v4, v7;
	v54 =	vadd.f32 v20, v14  }
0xaf: {  	v18 =	vadd.f32 v18, v50;
	v3 =	vmul.f32 v46, v3;
	v55 =	vmul.f32 v51, v49  }
0xb0: {  	v10 =	vadd.f32 v10, v24;
	v5 =	vadd.f32 v54, v53  }
0xb1: {  	v12 =	vadd.f32 v52, v12;
	v3 =	vadd.f32 v55, v3  }
0xb2: {  	(xrf2) =	vadd.scan.msk.f32 $0xffff, v18;
	v5 =	vadd.f32 v5, v10  }
0xb3: {  	v56 =	vadd.f32 v8, v15;
	(xrf2) =	vadd.scan.msk.f32 $0xffff, v12;
	v3 =	vadd.f32 v3, v4  }
0xb4: {  	(xrf2) =	vadd.scan.msk.f32 $0xffff, v5  }
0xb5: {  	v3 =	vadd.f32 v3, v56;
	_ =	sdelay $0x1  }
0xb6: {  	(xrf2) =	vadd.scan.msk.f32 $0xffff, v3;
	_ =	sdelay $0x4  }
0xb7: {  	v3, _, _ =	vpop (xrf2)  }
0xb8: {  	v57, _, _ =	vpop (xrf2)  }
0xb9: {  	v58 =	vmov s14;
	s17 =	sadd.s32 $0x2, s14;
	s18 =	sadd.s32 $0x3, s14;
	v59, _, _ =	vpop (xrf2)  }
0xba: {  	s19 =	sadd.s32 $0x1, s14;
	s26 =	sshll.u32 s31, $0x4;
	s31 =	sadd.s32 $0x1, s31;
	v60 =	vmov s17;
	v61 =	vmov s18;
	v7 =	vperm.xlane v59, v0  }
0xbb: {  	vm0 =	veq.s32 v58, v1;
	v62 =	vmov s19;
	p0 =	sne.s32 s31, $0x5;
	v4 =	vperm.xlane v57, v0  }
.Ltmp1:
0xbc: {  	vm13 =	veq.s32 v62, v1;
	v3 =	vperm.xlane v3, v0;
	v63, _, _ =	vpop (xrf2);
	v6 =	vsel vm0, v7, v6;
	(pc) =	sbr.rel @p0 .LBB2_3-.Ltmp1, $4  }
0xbd: {  	vm14 =	veq.s32 v60, v1;
	v5 =	vperm.xlane v63, v0;
	v4 =	vsel vm13, v4, v6  }
0xbe: {  	vm15 =	veq.s32 v61, v1;
	v3 =	vsel vm14, v3, v4  }
0xbf: {  	s14 =	sand.u32 $0x3FFFFFF0, s26;
	v3 =	vsel vm15, v5, v3  }
0xc0: {  	s0 =	sadd.s32 $0x800, s0;
	s13 =	sadd.s32 $0x800, s13;
	[tilespmem:v2+s14+$0x0 ss:$0x1] =	vst.idx.msk $0xffff, v3  }
0xc1: {  	s31 =	smul.u32 $0x140, s29;
	_ =	sdelay $0x1  }
0xc2: {  	s0 =	sadd.s32 $0x140, s31  }
0xc3: {  	[tilespmem:s11], [sflag:$0x1] =	stream.indirect.gather [hbm4b:s1+s10], $0x80, s0, s10, $0xb8;
	[tilespmem:$0x1B680] =	vst v63  }
0xc4: {  	s26 =	sadd.s32 $0x28C0, s31  }
0xc5: {  	[tilespmem:s12], [sflag:$0x1] =	stream.indirect.gather [hbm4b:s1+s10], $0x80, s26, s10, $0xb8;
	[tilespmem:$0x1B680] =	vst v63  }
0xc6: {  	_ =	swait.ge [sflag:s23], $0x2800  }
0xc7: {  	[sflag:s23] =	ssyncset.done $0x0  }
0xc8: {  	[sflag:s23] =	ssyncadd.s32 $0xFFFFD800  }
0xc9: {  	_ =	swait.ge [sflag:s23], $0x2800  }
0xca: {  	s13 =	sadd.s32 $0x4F50, s2;
	s16 =	simm.s32 $0xEF80;
	[sflag:s23] =	ssyncset.done $0x0  }
0xcb: {  	s17 =	simm.s32 $0xC780;
	v2 =	vmov s13;
	s0 =	simm.s32 $0x0;
	[sflag:s23] =	ssyncadd.s32 $0xFFFFD800  }
.LBB2_7:
0xcc: {  	v6 =	vld [tilespmem:s17+$0x80]  }
0xcd: {  	v7 =	vld [tilespmem:s16+$0x80]  }
0xce: {  	v8 =	vld [tilespmem:s17+$0x90]  }
0xcf: {  	v9 =	vld [tilespmem:s16+$0x90]  }
0xd0: {  	v10 =	vld [tilespmem:s17+$0xA0]  }
0xd1: {  	v11 =	vld [tilespmem:s16+$0xA0]  }
0xd2: {  	v12 =	vld [tilespmem:s17+$0xB0]  }
0xd3: {  	v13 =	vld [tilespmem:s16+$0xB0]  }
0xd4: {  	v14 =	vld [tilespmem:s17+$0xC0]  }
0xd5: {  	v15 =	vld [tilespmem:s16+$0xC0]  }
0xd6: {  	v4 =	vld [tilespmem:s17+$0xD0]  }
0xd7: {  	v5 =	vld [tilespmem:s16+$0xD0]  }
0xd8: {  	v3 =	vld [tilespmem:s17+$0xE0]  }
0xd9: {  	v16 =	vld [tilespmem:s17+$0x0]  }
0xda: {  	v17 =	vld [tilespmem:s16+$0x0]  }
0xdb: {  	v18 =	vld [tilespmem:s17+$0x10]  }
0xdc: {  	v19 =	vld [tilespmem:s16+$0x10]  }
0xdd: {  	v20 =	vld [tilespmem:s17+$0x20]  }
0xde: {  	v21 =	vld [tilespmem:s16+$0x20]  }
0xdf: {  	v22 =	vld [tilespmem:s17+$0x30]  }
0xe0: {  	v23 =	vld [tilespmem:s16+$0x30]  }
0xe1: {  	v24 =	vld [tilespmem:s17+$0x40]  }
0xe2: {  	v25 =	vld [tilespmem:s16+$0x40]  }
0xe3: {  	v26 =	vld [tilespmem:s17+$0x50]  }
0xe4: {  	v27 =	vld [tilespmem:s16+$0x50]  }
0xe5: {  	v28 =	vld [tilespmem:s17+$0x60]  }
0xe6: {  	v29 =	vld [tilespmem:s16+$0x60]  }
0xe7: {  	v30 =	vld [tilespmem:s17+$0x70]  }
0xe8: {  	v31 =	vld [tilespmem:s16+$0x70]  }
0xe9: {  	v32 =	vld [tilespmem:s17+$0xFFFFFF80]  }
0xea: {  	v33 =	vld [tilespmem:s16+$0xFFFFFF80]  }
0xeb: {  	v34 =	vld [tilespmem:s17+$0xFFFFFF90]  }
0xec: {  	v35 =	vld [tilespmem:s16+$0xFFFFFF90]  }
0xed: {  	v36 =	vld [tilespmem:s17+$0xFFFFFFA0]  }
0xee: {  	v37 =	vld [tilespmem:s16+$0xFFFFFFA0]  }
0xef: {  	v38 =	vld [tilespmem:s17+$0xFFFFFFB0]  }
0xf0: {  	v39 =	vld [tilespmem:s16+$0xFFFFFFB0]  }
0xf1: {  	v40 =	vld [tilespmem:s17+$0xFFFFFFC0]  }
0xf2: {  	v41 =	vld [tilespmem:s16+$0xFFFFFFC0]  }
0xf3: {  	v42 =	vld [tilespmem:s17+$0xFFFFFFD0]  }
0xf4: {  	v43 =	vld [tilespmem:s16+$0xFFFFFFD0]  }
0xf5: {  	v44 =	vld [tilespmem:s17+$0xFFFFFFE0]  }
0xf6: {  	v45 =	vld [tilespmem:s16+$0xFFFFFFE0]  }
0xf7: {  	v46 =	vld [tilespmem:s17+$0xFFFFFFF0]  }
0xf8: {  	v47 =	vld [tilespmem:s16+$0xFFFFFFF0]  }
0xf9: {  	v48 =	vld [tilespmem:s17+$0xFFFFFF00]  }
0xfa: {  	v49 =	vld [tilespmem:s16+$0xFFFFFF00]  }
0xfb: {  	v50 =	vld [tilespmem:s17+$0xFFFFFF10]  }
0xfc: {  	v51 =	vld [tilespmem:s16+$0xFFFFFF10];
	v52 =	vmul.f32 v7, v6;
	v53 =	vmul.f32 v9, v8  }
0xfd: {  	v54 =	vld [tilespmem:s17+$0xFFFFFF20];
	v8 =	vmul.f32 v11, v10;
	v9 =	vmul.f32 v13, v12  }
0xfe: {  	v55 =	vld [tilespmem:s16+$0xFFFFFF20];
	v56 =	vmul.f32 v17, v16;
	v7 =	vmul.f32 v15, v14  }
0xff: {  	v10 =	vld [tilespmem:s17+$0xFFFFFF30];
	v15 =	vmul.f32 v19, v18;
	v57 =	vmul.f32 v21, v20  }
0x100: {  	v12 =	vld [tilespmem:s16+$0xFFFFFF30];
	v58 =	vmul.f32 v23, v22;
	v59 =	vmul.f32 v25, v24  }
0x101: {  	v11 =	vld [tilespmem:s17+$0xFFFFFF40];
	v60 =	vmul.f32 v27, v26;
	v18 =	vmul.f32 v29, v28  }
0x102: {  	v16 =	vld [tilespmem:s16+$0xFFFFFF40];
	v21 =	vmul.f32 v33, v32;
	v22 =	vmul.f32 v31, v30  }
0x103: {  	v13 =	vld [tilespmem:s17+$0xFFFFFF50];
	v29 =	vmul.f32 v35, v34;
	v23 =	vmul.f32 v37, v36  }
0x104: {  	v19 =	vld [tilespmem:s16+$0xFFFFFF50];
	v27 =	vmul.f32 v39, v38;
	v28 =	vmul.f32 v41, v40  }
0x105: {  	v14 =	vld [tilespmem:s17+$0xFFFFFF60];
	v33 =	vmul.f32 v43, v42;
	v17 =	vmul.f32 v45, v44  }
0x106: {  	v6 =	vimm.f32 $0.0e+00;
	v24 =	vmul.f32 v49, v48;
	v25 =	vld [tilespmem:s16+$0xFFFFFF60];
	v26 =	vmul.f32 v47, v46  }
0x107: {  	s18 =	simm.s32 $0x4;
	v30 =	vmul.f32 v51, v50;
	v20 =	vld [tilespmem:s17+$0xFFFFFF70];
	v34 =	vadd.f32 v15, v56;
	v15 =	vadd.f32 v53, v52  }
0x108: {  	s13 =	smov.u32 s16;
	s14 =	smov.u32 s17;
	s15 =	simm.s32 $0x0;
	v31 =	vmul.f32 v55, v54;
	v32 =	vld [tilespmem:s16+$0xFFFFFF70];
	v35 =	vadd.f32 v58, v57;
	v36 =	vadd.f32 v60, v59  }
.LBB2_8:
0x109: {  	p0 =	sne.s32 s18, $0xC;
	v12 =	vmul.f32 v12, v10;
	v21 =	vadd.f32 v29, v21;
	v10 =	vadd.f32 v22, v18;
	v18 =	vld [tilespmem:s13+$0xE0]  }
0x10a: {  	v16 =	vmul.f32 v16, v11;
	v22 =	vadd.f32 v27, v23;
	v23 =	vadd.f32 v33, v28;
	v27 =	vld [tilespmem:s14+$0xF0]  }
0x10b: {  	v19 =	vmul.f32 v19, v13;
	v13 =	vadd.f32 v35, v34;
	s14 =	sadd.s32 $0x200, s14;
	v28 =	vadd.f32 v10, v36;
	v29 =	vld [tilespmem:s13+$0xF0]  }
0x10c: {  	v24 =	vadd.f32 v30, v24;
	v17 =	vadd.f32 v26, v17;
	v14 =	vmul.f32 v25, v14;
	s13 =	sadd.s32 $0x200, s13;
	v10 =	vld [tilespmem:s14+$0x80]  }
0x10d: {  	v25 =	vadd.f32 v12, v31;
	v11 =	vld [tilespmem:s13+$0x80];
	v20 =	vmul.f32 v32, v20;
	v26 =	vadd.f32 v28, v13  }
0x10e: {  	v4 =	vmul.f32 v5, v4;
	v21 =	vadd.f32 v22, v21;
	v17 =	vadd.f32 v17, v23;
	v12 =	vld [tilespmem:s14+$0x90]  }
0x10f: {  	v5 =	vadd.f32 v19, v16;
	v3 =	vmul.f32 v18, v3;
	v13 =	vld [tilespmem:s13+$0x90];
	v16 =	vadd.f32 v20, v14;
	(xrf2) =	vadd.scan.msk.f32 $0xffff, v26  }
0x110: {  	v8 =	vadd.f32 v9, v8;
	v17 =	vadd.f32 v17, v21;
	v14 =	vld [tilespmem:s14+$0xA0];
	v9 =	vmul.f32 v29, v27  }
0x111: {  	v19 =	vadd.f32 v25, v24;
	v18 =	vld [tilespmem:s13+$0xA0];
	v5 =	vadd.f32 v16, v5  }
0x112: {  	v4 =	vadd.f32 v4, v7;
	v16 =	vld [tilespmem:s14+$0xB0];
	v3 =	vadd.f32 v9, v3;
	(xrf2) =	vadd.scan.msk.f32 $0xffff, v17  }
0x113: {  	v7 =	vld [tilespmem:s13+$0xB0];
	v5 =	vadd.f32 v5, v19  }
0x114: {  	v8 =	vadd.f32 v8, v15;
	v17 =	vld [tilespmem:s14+$0xC0];
	v3 =	vadd.f32 v3, v4  }
0x115: {  	v15 =	vld [tilespmem:s13+$0xC0];
	(xrf2) =	vadd.scan.msk.f32 $0xffff, v5  }
0x116: {  	v4 =	vld [tilespmem:s14+$0xD0];
	v9 =	vadd.f32 v3, v8  }
0x117: {  	v5 =	vld [tilespmem:s13+$0xD0]  }
0x118: {  	v3 =	vld [tilespmem:s14+$0xE0];
	(xrf2) =	vadd.scan.msk.f32 $0xffff, v9  }
0x119: {  	v19 =	vld [tilespmem:s14+$0x0];
	v8, _, _ =	vpop (xrf2)  }
0x11a: {  	v20 =	vld [tilespmem:s13+$0x0]  }
0x11b: {  	v21 =	vld [tilespmem:s14+$0x10]  }
0x11c: {  	v22 =	vld [tilespmem:s13+$0x10];
	v9, _, _ =	vpop (xrf2)  }
0x11d: {  	v23 =	vld [tilespmem:s14+$0x20]  }
0x11e: {  	v24 =	vld [tilespmem:s13+$0x20]  }
0x11f: {  	s19 =	sadd.s32 $0x2, s15;
	s26 =	sadd.s32 $0x3, s15;
	v26 =	vmov s15;
	v25 =	vld [tilespmem:s14+$0x30];
	v27, _, _ =	vpop (xrf2)  }
0x120: {  	s9 =	sadd.s32 $0x1, s15;
	v30 =	vmov s26;
	s15 =	smov.u32 s18;
	v29 =	vmov s19;
	v28 =	vld [tilespmem:s13+$0x30];
	v27 =	vperm.xlane v27, v0  }
0x121: {  	v33 =	vmov s9;
	vm0 =	veq.s32 v26, v1;
	v9 =	vperm.xlane v9, v0;
	v31 =	vld [tilespmem:s14+$0x40]  }
0x122: {  	v8 =	vperm.xlane v8, v0;
	v32 =	vld [tilespmem:s13+$0x40];
	v6 =	vsel vm0, v27, v6;
	vm0 =	veq.s32 v33, v1;
	v26, _, _ =	vpop (xrf2)  }
0x123: {  	v27 =	vld [tilespmem:s14+$0x50];
	v6 =	vsel vm0, v9, v6;
	vm0 =	veq.s32 v29, v1;
	v9 =	vperm.xlane v26, v0  }
0x124: {  	v26 =	vld [tilespmem:s13+$0x50];
	v6 =	vsel vm0, v8, v6;
	vm0 =	veq.s32 v30, v1  }
0x125: {  	v29 =	vld [tilespmem:s14+$0x60];
	v6 =	vsel vm0, v9, v6  }
0x126: {  	v30 =	vld [tilespmem:s13+$0x60]  }
0x127: {  	v33 =	vld [tilespmem:s14+$0x70]  }
0x128: {  	v34 =	vld [tilespmem:s13+$0x70]  }
0x129: {  	v35 =	vld [tilespmem:s14+$0xFFFFFF80]  }
0x12a: {  	v36 =	vld [tilespmem:s13+$0xFFFFFF80]  }
0x12b: {  	v37 =	vld [tilespmem:s14+$0xFFFFFF90]  }
0x12c: {  	v38 =	vld [tilespmem:s13+$0xFFFFFF90]  }
0x12d: {  	v39 =	vld [tilespmem:s14+$0xFFFFFFA0]  }
0x12e: {  	v40 =	vld [tilespmem:s13+$0xFFFFFFA0]  }
0x12f: {  	v41 =	vld [tilespmem:s14+$0xFFFFFFB0]  }
0x130: {  	v42 =	vld [tilespmem:s13+$0xFFFFFFB0]  }
0x131: {  	v43 =	vld [tilespmem:s14+$0xFFFFFFC0]  }
0x132: {  	v44 =	vld [tilespmem:s13+$0xFFFFFFC0]  }
0x133: {  	v45 =	vld [tilespmem:s14+$0xFFFFFFD0]  }
0x134: {  	v46 =	vld [tilespmem:s13+$0xFFFFFFD0]  }
0x135: {  	v47 =	vld [tilespmem:s14+$0xFFFFFFE0]  }
0x136: {  	v48 =	vld [tilespmem:s13+$0xFFFFFFE0]  }
0x137: {  	v49 =	vld [tilespmem:s14+$0xFFFFFFF0]  }
0x138: {  	v50 =	vld [tilespmem:s13+$0xFFFFFFF0]  }
0x139: {  	v51 =	vld [tilespmem:s14+$0xFFFFFF00]  }
0x13a: {  	v52 =	vld [tilespmem:s13+$0xFFFFFF00]  }
0x13b: {  	v53 =	vld [tilespmem:s14+$0xFFFFFF10]  }
0x13c: {  	v55 =	vmul.f32 v11, v10;
	v56 =	vmul.f32 v13, v12;
	v54 =	vld [tilespmem:s13+$0xFFFFFF10]  }
0x13d: {  	v8 =	vmul.f32 v18, v14;
	v9 =	vmul.f32 v7, v16;
	v57 =	vld [tilespmem:s14+$0xFFFFFF20]  }
0x13e: {  	v59 =	vmul.f32 v20, v19;
	v7 =	vmul.f32 v15, v17;
	v58 =	vld [tilespmem:s13+$0xFFFFFF20]  }
0x13f: {  	v60 =	vmul.f32 v24, v23;
	v15 =	vmul.f32 v22, v21;
	v10 =	vld [tilespmem:s14+$0xFFFFFF30]  }
0x140: {  	v61 =	vmul.f32 v28, v25;
	v62 =	vmul.f32 v32, v31;
	v12 =	vld [tilespmem:s13+$0xFFFFFF30]  }
0x141: {  	v63 =	vmul.f32 v26, v27;
	v18 =	vmul.f32 v30, v29;
	v11 =	vld [tilespmem:s14+$0xFFFFFF40]  }
0x142: {  	v22 =	vmul.f32 v34, v33;
	v21 =	vmul.f32 v36, v35;
	v16 =	vld [tilespmem:s13+$0xFFFFFF40]  }
0x143: {  	v29 =	vmul.f32 v38, v37;
	v23 =	vmul.f32 v40, v39;
	v13 =	vld [tilespmem:s14+$0xFFFFFF50]  }
.Ltmp2:
0x144: {  	v27 =	vmul.f32 v42, v41;
	v28 =	vmul.f32 v44, v43;
	v19 =	vld [tilespmem:s13+$0xFFFFFF50];
	(pc) =	sbr.rel @p0 .LBB2_8-.Ltmp2, $4  }
0x145: {  	v33 =	vmul.f32 v46, v45;
	v17 =	vmul.f32 v48, v47;
	v14 =	vld [tilespmem:s14+$0xFFFFFF60]  }
0x146: {  	v26 =	vmul.f32 v50, v49;
	v24 =	vmul.f32 v52, v51;
	v25 =	vld [tilespmem:s13+$0xFFFFFF60]  }
0x147: {  	v34 =	vadd.f32 v15, v59;
	v15 =	vadd.f32 v56, v55;
	v30 =	vmul.f32 v54, v53;
	v20 =	vld [tilespmem:s14+$0xFFFFFF70]  }
0x148: {  	s18 =	sadd.s32 $0x4, s18;
	v35 =	vadd.f32 v61, v60;
	v36 =	vadd.f32 v63, v62;
	v31 =	vmul.f32 v58, v57;
	v32 =	vld [tilespmem:s13+$0xFFFFFF70]  }
0x149: {  	v10 =	vmul.f32 v12, v10;
	v45 =	vadd.f32 v29, v21  }
0x14a: {  	v18 =	vadd.f32 v22, v18;
	v46 =	vld [tilespmem:s13+$0xE0];
	v11 =	vmul.f32 v16, v11;
	v47 =	vadd.f32 v27, v23  }
0x14b: {  	v48 =	vadd.f32 v33, v28;
	v49 =	vld [tilespmem:s14+$0xF0];
	v13 =	vmul.f32 v19, v13;
	v24 =	vadd.f32 v30, v24  }
0x14c: {  	v51 =	vld [tilespmem:s13+$0xF0];
	v17 =	vadd.f32 v26, v17;
	v4 =	vmul.f32 v5, v4;
	v8 =	vadd.f32 v9, v8  }
0x14d: {  	v50 =	vadd.f32 v35, v34;
	v18 =	vadd.f32 v18, v36;
	v14 =	vmul.f32 v25, v14  }
0x14e: {  	v10 =	vadd.f32 v10, v31;
	v12 =	vadd.f32 v47, v45;
	v20 =	vmul.f32 v32, v20  }
0x14f: {  	v52 =	vadd.f32 v17, v48;
	v53 =	vadd.f32 v13, v11  }
0x150: {  	v4 =	vadd.f32 v4, v7;
	v54 =	vadd.f32 v20, v14  }
0x151: {  	v18 =	vadd.f32 v18, v50;
	v3 =	vmul.f32 v46, v3;
	v55 =	vmul.f32 v51, v49  }
0x152: {  	v10 =	vadd.f32 v10, v24;
	v5 =	vadd.f32 v54, v53  }
0x153: {  	v12 =	vadd.f32 v52, v12;
	v3 =	vadd.f32 v55, v3  }
0x154: {  	(xrf2) =	vadd.scan.msk.f32 $0xffff, v18;
	v5 =	vadd.f32 v5, v10  }
0x155: {  	v56 =	vadd.f32 v8, v15;
	(xrf2) =	vadd.scan.msk.f32 $0xffff, v12;
	v3 =	vadd.f32 v3, v4  }
0x156: {  	(xrf2) =	vadd.scan.msk.f32 $0xffff, v5  }
0x157: {  	v3 =	vadd.f32 v3, v56;
	_ =	sdelay $0x1  }
0x158: {  	(xrf2) =	vadd.scan.msk.f32 $0xffff, v3;
	_ =	sdelay $0x4  }
0x159: {  	v3, _, _ =	vpop (xrf2)  }
0x15a: {  	v57, _, _ =	vpop (xrf2)  }
0x15b: {  	v58 =	vmov s15;
	s9 =	sadd.s32 $0x2, s15;
	s18 =	sadd.s32 $0x3, s15;
	v59, _, _ =	vpop (xrf2)  }
0x15c: {  	s19 =	sadd.s32 $0x1, s15;
	s26 =	sshll.u32 s0, $0x4;
	s0 =	sadd.s32 $0x1, s0;
	v60 =	vmov s9;
	v61 =	vmov s18;
	v7 =	vperm.xlane v59, v0  }
0x15d: {  	vm0 =	veq.s32 v58, v1;
	v62 =	vmov s19;
	p0 =	sne.s32 s0, $0x5;
	v4 =	vperm.xlane v57, v0  }
.Ltmp3:
0x15e: {  	vm13 =	veq.s32 v62, v1;
	v3 =	vperm.xlane v3, v0;
	v63, _, _ =	vpop (xrf2);
	v6 =	vsel vm0, v7, v6;
	(pc) =	sbr.rel @p0 .LBB2_7-.Ltmp3, $4  }
0x15f: {  	vm14 =	veq.s32 v60, v1;
	v5 =	vperm.xlane v63, v0;
	v4 =	vsel vm13, v4, v6  }
0x160: {  	vm15 =	veq.s32 v61, v1;
	v3 =	vsel vm14, v3, v4  }
0x161: {  	s9 =	sand.u32 $0x3FFFFFF0, s26;
	v3 =	vsel vm15, v5, v3  }
0x162: {  	s16 =	sadd.s32 $0x800, s16;
	s17 =	sadd.s32 $0x800, s17;
	[tilespmem:v2+s9+$0x0 ss:$0x1] =	vst.idx.msk $0xffff, v3  }
0x163: {  	p0 =	seq.s32 s29, $0x1E  }
0x164: {  	s0 =	sadd.s32 @!p0 $0x190, s31;
	s9 =	simm.s32 @!p0 $0x50;
	s13 =	simm.s32 @!p0 $0xC680  }
0x165: {  	[tilespmem:s13], [sflag:$0x2] =	stream.indirect.gather @!p0 [hbm4b:s1+s9], $0x80, s0, s9, $0xb8;
	[tilespmem:$0x1B680] =	vst v63  }
0x166: {  	s0 =	sadd.s32 @!p0 $0x2910, s31;
	s13 =	simm.s32 @!p0 $0xEE80  }
0x167: {  	[tilespmem:s13], [sflag:$0x2] =	stream.indirect.gather @!p0 [hbm4b:s1+s9], $0x80, s0, s9, $0xb8;
	[tilespmem:$0x1B680] =	vst v63  }
0x168: {  	_ =	swait.ge [sflag:s24], $0x2800  }
0x169: {  	[sflag:s24] =	ssyncset.done $0x0  }
0x16a: {  	[sflag:s24] =	ssyncadd.s32 $0xFFFFD800  }
0x16b: {  	_ =	swait.ge [sflag:s24], $0x2800  }
0x16c: {  	s26 =	sadd.s32 $0x4FA0, s2;
	s2 =	simm.s32 $0x13F80;
	[sflag:s24] =	ssyncset.done $0x0  }
0x16d: {  	v2 =	vmov s26;
	s0 =	simm.s32 $0x0;
	s13 =	simm.s32 $0x11780;
	[sflag:s24] =	ssyncadd.s32 $0xFFFFD800  }
.LBB2_11:
0x16e: {  	v6 =	vld [tilespmem:s13+$0x80]  }
0x16f: {  	v7 =	vld [tilespmem:s2+$0x80]  }
0x170: {  	v8 =	vld [tilespmem:s13+$0x90]  }
0x171: {  	v9 =	vld [tilespmem:s2+$0x90]  }
0x172: {  	v10 =	vld [tilespmem:s13+$0xA0]  }
0x173: {  	v11 =	vld [tilespmem:s2+$0xA0]  }
0x174: {  	v12 =	vld [tilespmem:s13+$0xB0]  }
0x175: {  	v13 =	vld [tilespmem:s2+$0xB0]  }
0x176: {  	v14 =	vld [tilespmem:s13+$0xC0]  }
0x177: {  	v15 =	vld [tilespmem:s2+$0xC0]  }
0x178: {  	v4 =	vld [tilespmem:s13+$0xD0]  }
0x179: {  	v5 =	vld [tilespmem:s2+$0xD0]  }
0x17a: {  	v3 =	vld [tilespmem:s13+$0xE0]  }
0x17b: {  	v16 =	vld [tilespmem:s13+$0x0]  }
0x17c: {  	v17 =	vld [tilespmem:s2+$0x0]  }
0x17d: {  	v18 =	vld [tilespmem:s13+$0x10]  }
0x17e: {  	v19 =	vld [tilespmem:s2+$0x10]  }
0x17f: {  	v20 =	vld [tilespmem:s13+$0x20]  }
0x180: {  	v21 =	vld [tilespmem:s2+$0x20]  }
0x181: {  	v22 =	vld [tilespmem:s13+$0x30]  }
0x182: {  	v23 =	vld [tilespmem:s2+$0x30]  }
0x183: {  	v24 =	vld [tilespmem:s13+$0x40]  }
0x184: {  	v25 =	vld [tilespmem:s2+$0x40]  }
0x185: {  	v26 =	vld [tilespmem:s13+$0x50]  }
0x186: {  	v27 =	vld [tilespmem:s2+$0x50]  }
0x187: {  	v28 =	vld [tilespmem:s13+$0x60]  }
0x188: {  	v29 =	vld [tilespmem:s2+$0x60]  }
0x189: {  	v30 =	vld [tilespmem:s13+$0x70]  }
0x18a: {  	v31 =	vld [tilespmem:s2+$0x70]  }
0x18b: {  	v32 =	vld [tilespmem:s13+$0xFFFFFF80]  }
0x18c: {  	v33 =	vld [tilespmem:s2+$0xFFFFFF80]  }
0x18d: {  	v34 =	vld [tilespmem:s13+$0xFFFFFF90]  }
0x18e: {  	v35 =	vld [tilespmem:s2+$0xFFFFFF90]  }
0x18f: {  	v36 =	vld [tilespmem:s13+$0xFFFFFFA0]  }
0x190: {  	v37 =	vld [tilespmem:s2+$0xFFFFFFA0]  }
0x191: {  	v38 =	vld [tilespmem:s13+$0xFFFFFFB0]  }
0x192: {  	v39 =	vld [tilespmem:s2+$0xFFFFFFB0]  }
0x193: {  	v40 =	vld [tilespmem:s13+$0xFFFFFFC0]  }
0x194: {  	v41 =	vld [tilespmem:s2+$0xFFFFFFC0]  }
0x195: {  	v42 =	vld [tilespmem:s13+$0xFFFFFFD0]  }
0x196: {  	v43 =	vld [tilespmem:s2+$0xFFFFFFD0]  }
0x197: {  	v44 =	vld [tilespmem:s13+$0xFFFFFFE0]  }
0x198: {  	v45 =	vld [tilespmem:s2+$0xFFFFFFE0]  }
0x199: {  	v46 =	vld [tilespmem:s13+$0xFFFFFFF0]  }
0x19a: {  	v47 =	vld [tilespmem:s2+$0xFFFFFFF0]  }
0x19b: {  	v48 =	vld [tilespmem:s13+$0xFFFFFF00]  }
0x19c: {  	v49 =	vld [tilespmem:s2+$0xFFFFFF00]  }
0x19d: {  	v50 =	vld [tilespmem:s13+$0xFFFFFF10]  }
0x19e: {  	v51 =	vld [tilespmem:s2+$0xFFFFFF10];
	v52 =	vmul.f32 v7, v6;
	v53 =	vmul.f32 v9, v8  }
0x19f: {  	v54 =	vld [tilespmem:s13+$0xFFFFFF20];
	v8 =	vmul.f32 v11, v10;
	v9 =	vmul.f32 v13, v12  }
0x1a0: {  	v55 =	vld [tilespmem:s2+$0xFFFFFF20];
	v56 =	vmul.f32 v17, v16;
	v7 =	vmul.f32 v15, v14  }
0x1a1: {  	v10 =	vld [tilespmem:s13+$0xFFFFFF30];
	v15 =	vmul.f32 v19, v18;
	v57 =	vmul.f32 v21, v20  }
0x1a2: {  	v12 =	vld [tilespmem:s2+$0xFFFFFF30];
	v58 =	vmul.f32 v23, v22;
	v59 =	vmul.f32 v25, v24  }
0x1a3: {  	v11 =	vld [tilespmem:s13+$0xFFFFFF40];
	v60 =	vmul.f32 v27, v26;
	v18 =	vmul.f32 v29, v28  }
0x1a4: {  	v16 =	vld [tilespmem:s2+$0xFFFFFF40];
	v21 =	vmul.f32 v33, v32;
	v22 =	vmul.f32 v31, v30  }
0x1a5: {  	v13 =	vld [tilespmem:s13+$0xFFFFFF50];
	v29 =	vmul.f32 v35, v34;
	v23 =	vmul.f32 v37, v36  }
0x1a6: {  	v19 =	vld [tilespmem:s2+$0xFFFFFF50];
	v27 =	vmul.f32 v39, v38;
	v28 =	vmul.f32 v41, v40  }
0x1a7: {  	v14 =	vld [tilespmem:s13+$0xFFFFFF60];
	v33 =	vmul.f32 v43, v42;
	v17 =	vmul.f32 v45, v44  }
0x1a8: {  	v6 =	vimm.f32 $0.0e+00;
	v24 =	vmul.f32 v49, v48;
	v25 =	vld [tilespmem:s2+$0xFFFFFF60];
	v26 =	vmul.f32 v47, v46  }
0x1a9: {  	s17 =	simm.s32 $0x4;
	v30 =	vmul.f32 v51, v50;
	v20 =	vld [tilespmem:s13+$0xFFFFFF70];
	v34 =	vadd.f32 v15, v56;
	v15 =	vadd.f32 v53, v52  }
0x1aa: {  	s15 =	smov.u32 s2;
	s16 =	smov.u32 s13;
	s14 =	simm.s32 $0x0;
	v31 =	vmul.f32 v55, v54;
	v32 =	vld [tilespmem:s2+$0xFFFFFF70];
	v35 =	vadd.f32 v58, v57;
	v36 =	vadd.f32 v60, v59  }
.LBB2_12:
0x1ab: {  	p1 =	sne.s32 s17, $0xC;
	v12 =	vmul.f32 v12, v10;
	v21 =	vadd.f32 v29, v21;
	v10 =	vadd.f32 v22, v18;
	v18 =	vld [tilespmem:s15+$0xE0]  }
0x1ac: {  	v16 =	vmul.f32 v16, v11;
	v22 =	vadd.f32 v27, v23;
	v23 =	vadd.f32 v33, v28;
	v27 =	vld [tilespmem:s16+$0xF0]  }
0x1ad: {  	v19 =	vmul.f32 v19, v13;
	v13 =	vadd.f32 v35, v34;
	s16 =	sadd.s32 $0x200, s16;
	v28 =	vadd.f32 v10, v36;
	v29 =	vld [tilespmem:s15+$0xF0]  }
0x1ae: {  	v24 =	vadd.f32 v30, v24;
	v17 =	vadd.f32 v26, v17;
	v14 =	vmul.f32 v25, v14;
	s15 =	sadd.s32 $0x200, s15;
	v10 =	vld [tilespmem:s16+$0x80]  }
0x1af: {  	v25 =	vadd.f32 v12, v31;
	v11 =	vld [tilespmem:s15+$0x80];
	v20 =	vmul.f32 v32, v20;
	v26 =	vadd.f32 v28, v13  }
0x1b0: {  	v4 =	vmul.f32 v5, v4;
	v21 =	vadd.f32 v22, v21;
	v17 =	vadd.f32 v17, v23;
	v12 =	vld [tilespmem:s16+$0x90]  }
0x1b1: {  	v5 =	vadd.f32 v19, v16;
	v3 =	vmul.f32 v18, v3;
	v13 =	vld [tilespmem:s15+$0x90];
	v16 =	vadd.f32 v20, v14;
	(xrf2) =	vadd.scan.msk.f32 $0xffff, v26  }
0x1b2: {  	v8 =	vadd.f32 v9, v8;
	v17 =	vadd.f32 v17, v21;
	v14 =	vld [tilespmem:s16+$0xA0];
	v9 =	vmul.f32 v29, v27  }
0x1b3: {  	v19 =	vadd.f32 v25, v24;
	v18 =	vld [tilespmem:s15+$0xA0];
	v5 =	vadd.f32 v16, v5  }
0x1b4: {  	v4 =	vadd.f32 v4, v7;
	v16 =	vld [tilespmem:s16+$0xB0];
	v3 =	vadd.f32 v9, v3;
	(xrf2) =	vadd.scan.msk.f32 $0xffff, v17  }
0x1b5: {  	v7 =	vld [tilespmem:s15+$0xB0];
	v5 =	vadd.f32 v5, v19  }
0x1b6: {  	v8 =	vadd.f32 v8, v15;
	v17 =	vld [tilespmem:s16+$0xC0];
	v3 =	vadd.f32 v3, v4  }
0x1b7: {  	v15 =	vld [tilespmem:s15+$0xC0];
	(xrf2) =	vadd.scan.msk.f32 $0xffff, v5  }
0x1b8: {  	v4 =	vld [tilespmem:s16+$0xD0];
	v9 =	vadd.f32 v3, v8  }
0x1b9: {  	v5 =	vld [tilespmem:s15+$0xD0]  }
0x1ba: {  	v3 =	vld [tilespmem:s16+$0xE0];
	(xrf2) =	vadd.scan.msk.f32 $0xffff, v9  }
0x1bb: {  	v19 =	vld [tilespmem:s16+$0x0];
	v8, _, _ =	vpop (xrf2)  }
0x1bc: {  	v20 =	vld [tilespmem:s15+$0x0]  }
0x1bd: {  	v21 =	vld [tilespmem:s16+$0x10]  }
0x1be: {  	v22 =	vld [tilespmem:s15+$0x10];
	v9, _, _ =	vpop (xrf2)  }
0x1bf: {  	v23 =	vld [tilespmem:s16+$0x20]  }
0x1c0: {  	v24 =	vld [tilespmem:s15+$0x20]  }
0x1c1: {  	s9 =	sadd.s32 $0x2, s14;
	s18 =	sadd.s32 $0x3, s14;
	v26 =	vmov s14;
	v25 =	vld [tilespmem:s16+$0x30];
	v27, _, _ =	vpop (xrf2)  }
0x1c2: {  	s19 =	sadd.s32 $0x1, s14;
	v30 =	vmov s18;
	s14 =	smov.u32 s17;
	v29 =	vmov s9;
	v28 =	vld [tilespmem:s15+$0x30];
	v27 =	vperm.xlane v27, v0  }
0x1c3: {  	v33 =	vmov s19;
	vm0 =	veq.s32 v26, v1;
	v9 =	vperm.xlane v9, v0;
	v31 =	vld [tilespmem:s16+$0x40]  }
0x1c4: {  	v8 =	vperm.xlane v8, v0;
	v32 =	vld [tilespmem:s15+$0x40];
	v6 =	vsel vm0, v27, v6;
	vm0 =	veq.s32 v33, v1;
	v26, _, _ =	vpop (xrf2)  }
0x1c5: {  	v27 =	vld [tilespmem:s16+$0x50];
	v6 =	vsel vm0, v9, v6;
	vm0 =	veq.s32 v29, v1;
	v9 =	vperm.xlane v26, v0  }
0x1c6: {  	v26 =	vld [tilespmem:s15+$0x50];
	v6 =	vsel vm0, v8, v6;
	vm0 =	veq.s32 v30, v1  }
0x1c7: {  	v29 =	vld [tilespmem:s16+$0x60];
	v6 =	vsel vm0, v9, v6  }
0x1c8: {  	v30 =	vld [tilespmem:s15+$0x60]  }
0x1c9: {  	v33 =	vld [tilespmem:s16+$0x70]  }
0x1ca: {  	v34 =	vld [tilespmem:s15+$0x70]  }
0x1cb: {  	v35 =	vld [tilespmem:s16+$0xFFFFFF80]  }
0x1cc: {  	v36 =	vld [tilespmem:s15+$0xFFFFFF80]  }
0x1cd: {  	v37 =	vld [tilespmem:s16+$0xFFFFFF90]  }
0x1ce: {  	v38 =	vld [tilespmem:s15+$0xFFFFFF90]  }
0x1cf: {  	v39 =	vld [tilespmem:s16+$0xFFFFFFA0]  }
0x1d0: {  	v40 =	vld [tilespmem:s15+$0xFFFFFFA0]  }
0x1d1: {  	v41 =	vld [tilespmem:s16+$0xFFFFFFB0]  }
0x1d2: {  	v42 =	vld [tilespmem:s15+$0xFFFFFFB0]  }
0x1d3: {  	v43 =	vld [tilespmem:s16+$0xFFFFFFC0]  }
0x1d4: {  	v44 =	vld [tilespmem:s15+$0xFFFFFFC0]  }
0x1d5: {  	v45 =	vld [tilespmem:s16+$0xFFFFFFD0]  }
0x1d6: {  	v46 =	vld [tilespmem:s15+$0xFFFFFFD0]  }
0x1d7: {  	v47 =	vld [tilespmem:s16+$0xFFFFFFE0]  }
0x1d8: {  	v48 =	vld [tilespmem:s15+$0xFFFFFFE0]  }
0x1d9: {  	v49 =	vld [tilespmem:s16+$0xFFFFFFF0]  }
0x1da: {  	v50 =	vld [tilespmem:s15+$0xFFFFFFF0]  }
0x1db: {  	v51 =	vld [tilespmem:s16+$0xFFFFFF00]  }
0x1dc: {  	v52 =	vld [tilespmem:s15+$0xFFFFFF00]  }
0x1dd: {  	v53 =	vld [tilespmem:s16+$0xFFFFFF10]  }
0x1de: {  	v55 =	vmul.f32 v11, v10;
	v56 =	vmul.f32 v13, v12;
	v54 =	vld [tilespmem:s15+$0xFFFFFF10]  }
0x1df: {  	v8 =	vmul.f32 v18, v14;
	v9 =	vmul.f32 v7, v16;
	v57 =	vld [tilespmem:s16+$0xFFFFFF20]  }
0x1e0: {  	v59 =	vmul.f32 v20, v19;
	v7 =	vmul.f32 v15, v17;
	v58 =	vld [tilespmem:s15+$0xFFFFFF20]  }
0x1e1: {  	v60 =	vmul.f32 v24, v23;
	v15 =	vmul.f32 v22, v21;
	v10 =	vld [tilespmem:s16+$0xFFFFFF30]  }
0x1e2: {  	v61 =	vmul.f32 v28, v25;
	v62 =	vmul.f32 v32, v31;
	v12 =	vld [tilespmem:s15+$0xFFFFFF30]  }
0x1e3: {  	v63 =	vmul.f32 v26, v27;
	v18 =	vmul.f32 v30, v29;
	v11 =	vld [tilespmem:s16+$0xFFFFFF40]  }
0x1e4: {  	v22 =	vmul.f32 v34, v33;
	v21 =	vmul.f32 v36, v35;
	v16 =	vld [tilespmem:s15+$0xFFFFFF40]  }
0x1e5: {  	v29 =	vmul.f32 v38, v37;
	v23 =	vmul.f32 v40, v39;
	v13 =	vld [tilespmem:s16+$0xFFFFFF50]  }
.Ltmp4:
0x1e6: {  	v27 =	vmul.f32 v42, v41;
	v28 =	vmul.f32 v44, v43;
	v19 =	vld [tilespmem:s15+$0xFFFFFF50];
	(pc) =	sbr.rel @p1 .LBB2_12-.Ltmp4, $4  }
0x1e7: {  	v33 =	vmul.f32 v46, v45;
	v17 =	vmul.f32 v48, v47;
	v14 =	vld [tilespmem:s16+$0xFFFFFF60]  }
0x1e8: {  	v26 =	vmul.f32 v50, v49;
	v24 =	vmul.f32 v52, v51;
	v25 =	vld [tilespmem:s15+$0xFFFFFF60]  }
0x1e9: {  	v34 =	vadd.f32 v15, v59;
	v15 =	vadd.f32 v56, v55;
	v30 =	vmul.f32 v54, v53;
	v20 =	vld [tilespmem:s16+$0xFFFFFF70]  }
0x1ea: {  	s17 =	sadd.s32 $0x4, s17;
	v35 =	vadd.f32 v61, v60;
	v36 =	vadd.f32 v63, v62;
	v31 =	vmul.f32 v58, v57;
	v32 =	vld [tilespmem:s15+$0xFFFFFF70]  }
0x1eb: {  	v10 =	vmul.f32 v12, v10;
	v45 =	vadd.f32 v29, v21  }
0x1ec: {  	v18 =	vadd.f32 v22, v18;
	v46 =	vld [tilespmem:s15+$0xE0];
	v11 =	vmul.f32 v16, v11;
	v47 =	vadd.f32 v27, v23  }
0x1ed: {  	v48 =	vadd.f32 v33, v28;
	v49 =	vld [tilespmem:s16+$0xF0];
	v13 =	vmul.f32 v19, v13;
	v24 =	vadd.f32 v30, v24  }
0x1ee: {  	v51 =	vld [tilespmem:s15+$0xF0];
	v17 =	vadd.f32 v26, v17;
	v4 =	vmul.f32 v5, v4;
	v8 =	vadd.f32 v9, v8  }
0x1ef: {  	v50 =	vadd.f32 v35, v34;
	v18 =	vadd.f32 v18, v36;
	v14 =	vmul.f32 v25, v14  }
0x1f0: {  	v10 =	vadd.f32 v10, v31;
	v12 =	vadd.f32 v47, v45;
	v20 =	vmul.f32 v32, v20  }
0x1f1: {  	v52 =	vadd.f32 v17, v48;
	v53 =	vadd.f32 v13, v11  }
0x1f2: {  	v4 =	vadd.f32 v4, v7;
	v54 =	vadd.f32 v20, v14  }
0x1f3: {  	v18 =	vadd.f32 v18, v50;
	v3 =	vmul.f32 v46, v3;
	v55 =	vmul.f32 v51, v49  }
0x1f4: {  	v10 =	vadd.f32 v10, v24;
	v5 =	vadd.f32 v54, v53  }
0x1f5: {  	v12 =	vadd.f32 v52, v12;
	v3 =	vadd.f32 v55, v3  }
0x1f6: {  	(xrf2) =	vadd.scan.msk.f32 $0xffff, v18;
	v5 =	vadd.f32 v5, v10  }
0x1f7: {  	v56 =	vadd.f32 v8, v15;
	(xrf2) =	vadd.scan.msk.f32 $0xffff, v12;
	v3 =	vadd.f32 v3, v4  }
0x1f8: {  	(xrf2) =	vadd.scan.msk.f32 $0xffff, v5  }
0x1f9: {  	v3 =	vadd.f32 v3, v56;
	_ =	sdelay $0x1  }
0x1fa: {  	(xrf2) =	vadd.scan.msk.f32 $0xffff, v3;
	_ =	sdelay $0x4  }
0x1fb: {  	v3, _, _ =	vpop (xrf2)  }
0x1fc: {  	v57, _, _ =	vpop (xrf2)  }
0x1fd: {  	v58 =	vmov s14;
	s9 =	sadd.s32 $0x2, s14;
	s18 =	sadd.s32 $0x3, s14;
	v59, _, _ =	vpop (xrf2)  }
0x1fe: {  	s19 =	sadd.s32 $0x1, s14;
	s26 =	sshll.u32 s0, $0x4;
	s0 =	sadd.s32 $0x1, s0;
	v60 =	vmov s9;
	v61 =	vmov s18;
	v7 =	vperm.xlane v59, v0  }
0x1ff: {  	vm0 =	veq.s32 v58, v1;
	v62 =	vmov s19;
	p1 =	sne.s32 s0, $0x5;
	v4 =	vperm.xlane v57, v0  }
.Ltmp5:
0x200: {  	vm13 =	veq.s32 v62, v1;
	v3 =	vperm.xlane v3, v0;
	v63, _, _ =	vpop (xrf2);
	v6 =	vsel vm0, v7, v6;
	(pc) =	sbr.rel @p1 .LBB2_11-.Ltmp5, $4  }
0x201: {  	vm14 =	veq.s32 v60, v1;
	v5 =	vperm.xlane v63, v0;
	v4 =	vsel vm13, v4, v6  }
0x202: {  	vm15 =	veq.s32 v61, v1;
	v3 =	vsel vm14, v3, v4  }
0x203: {  	s9 =	sand.u32 $0x3FFFFFF0, s26;
	v3 =	vsel vm15, v5, v3  }
0x204: {  	s2 =	sadd.s32 $0x800, s2;
	s13 =	sadd.s32 $0x800, s13;
	[tilespmem:v2+s9+$0x0 ss:$0x1] =	vst.idx.msk $0xffff, v3  }
0x205: {  	s0 =	sadd.s32 @!p0 $0x1E0, s31;
	s2 =	simm.s32 @!p0 $0x50;
	s9 =	simm.s32 @!p0 $0x11680  }
0x206: {  	[tilespmem:s9], [sflag:$0x3] =	stream.indirect.gather @!p0 [hbm4b:s1+s2], $0x80, s0, s2, $0xb8;
	[tilespmem:$0x1B680] =	vst v63  }
0x207: {  	s0 =	sadd.s32 @!p0 $0x2960, s31;
	s9 =	simm.s32 @!p0 $0x13E80  }
0x208: {  	[tilespmem:s9], [sflag:$0x3] =	stream.indirect.gather @!p0 [hbm4b:s1+s2], $0x80, s0, s2, $0xb8;
	[tilespmem:$0x1B680] =	vst v63  }
0x209: {  	_ =	swait.ge [sflag:s25], $0x2800  }
0x20a: {  	s30 =	smul.u32 $0x140, s30;
	[sflag:s25] =	ssyncset.done $0x0  }
0x20b: {  	[sflag:s25] =	ssyncadd.s32 $0xFFFFD800  }
0x20c: {  	s0 =	sshra.s32 s30, $0x2;
	_ =	swait.ge [sflag:s25], $0x2800  }
0x20d: {  	s13 =	simm.s32 $0x16780;
	s31 =	sadd.s32 $0x4F00, s0;
	[sflag:s25] =	ssyncset.done $0x0  }
0x20e: {  	s2 =	simm.s32 $0x18F80;
	s0 =	simm.s32 $0x0;
	v2 =	vmov s31;
	[sflag:s25] =	ssyncadd.s32 $0xFFFFD800  }
.LBB2_15:
0x20f: {  	v6 =	vld [tilespmem:s13+$0x80]  }
0x210: {  	v7 =	vld [tilespmem:s2+$0x80]  }
0x211: {  	v8 =	vld [tilespmem:s13+$0x90]  }
0x212: {  	v9 =	vld [tilespmem:s2+$0x90]  }
0x213: {  	v10 =	vld [tilespmem:s13+$0xA0]  }
0x214: {  	v11 =	vld [tilespmem:s2+$0xA0]  }
0x215: {  	v12 =	vld [tilespmem:s13+$0xB0]  }
0x216: {  	v13 =	vld [tilespmem:s2+$0xB0]  }
0x217: {  	v14 =	vld [tilespmem:s13+$0xC0]  }
0x218: {  	v15 =	vld [tilespmem:s2+$0xC0]  }
0x219: {  	v4 =	vld [tilespmem:s13+$0xD0]  }
0x21a: {  	v5 =	vld [tilespmem:s2+$0xD0]  }
0x21b: {  	v3 =	vld [tilespmem:s13+$0xE0]  }
0x21c: {  	v16 =	vld [tilespmem:s13+$0x0]  }
0x21d: {  	v17 =	vld [tilespmem:s2+$0x0]  }
0x21e: {  	v18 =	vld [tilespmem:s13+$0x10]  }
0x21f: {  	v19 =	vld [tilespmem:s2+$0x10]  }
0x220: {  	v20 =	vld [tilespmem:s13+$0x20]  }
0x221: {  	v21 =	vld [tilespmem:s2+$0x20]  }
0x222: {  	v22 =	vld [tilespmem:s13+$0x30]  }
0x223: {  	v23 =	vld [tilespmem:s2+$0x30]  }
0x224: {  	v24 =	vld [tilespmem:s13+$0x40]  }
0x225: {  	v25 =	vld [tilespmem:s2+$0x40]  }
0x226: {  	v26 =	vld [tilespmem:s13+$0x50]  }
0x227: {  	v27 =	vld [tilespmem:s2+$0x50]  }
0x228: {  	v28 =	vld [tilespmem:s13+$0x60]  }
0x229: {  	v29 =	vld [tilespmem:s2+$0x60]  }
0x22a: {  	v30 =	vld [tilespmem:s13+$0x70]  }
0x22b: {  	v31 =	vld [tilespmem:s2+$0x70]  }
0x22c: {  	v32 =	vld [tilespmem:s13+$0xFFFFFF80]  }
0x22d: {  	v33 =	vld [tilespmem:s2+$0xFFFFFF80]  }
0x22e: {  	v34 =	vld [tilespmem:s13+$0xFFFFFF90]  }
0x22f: {  	v35 =	vld [tilespmem:s2+$0xFFFFFF90]  }
0x230: {  	v36 =	vld [tilespmem:s13+$0xFFFFFFA0]  }
0x231: {  	v37 =	vld [tilespmem:s2+$0xFFFFFFA0]  }
0x232: {  	v38 =	vld [tilespmem:s13+$0xFFFFFFB0]  }
0x233: {  	v39 =	vld [tilespmem:s2+$0xFFFFFFB0]  }
0x234: {  	v40 =	vld [tilespmem:s13+$0xFFFFFFC0]  }
0x235: {  	v41 =	vld [tilespmem:s2+$0xFFFFFFC0]  }
0x236: {  	v42 =	vld [tilespmem:s13+$0xFFFFFFD0]  }
0x237: {  	v43 =	vld [tilespmem:s2+$0xFFFFFFD0]  }
0x238: {  	v44 =	vld [tilespmem:s13+$0xFFFFFFE0]  }
0x239: {  	v45 =	vld [tilespmem:s2+$0xFFFFFFE0]  }
0x23a: {  	v46 =	vld [tilespmem:s13+$0xFFFFFFF0]  }
0x23b: {  	v47 =	vld [tilespmem:s2+$0xFFFFFFF0]  }
0x23c: {  	v48 =	vld [tilespmem:s13+$0xFFFFFF00]  }
0x23d: {  	v49 =	vld [tilespmem:s2+$0xFFFFFF00]  }
0x23e: {  	v50 =	vld [tilespmem:s13+$0xFFFFFF10]  }
0x23f: {  	v51 =	vld [tilespmem:s2+$0xFFFFFF10];
	v52 =	vmul.f32 v7, v6;
	v53 =	vmul.f32 v9, v8  }
0x240: {  	v54 =	vld [tilespmem:s13+$0xFFFFFF20];
	v8 =	vmul.f32 v11, v10;
	v9 =	vmul.f32 v13, v12  }
0x241: {  	v55 =	vld [tilespmem:s2+$0xFFFFFF20];
	v56 =	vmul.f32 v17, v16;
	v7 =	vmul.f32 v15, v14  }
0x242: {  	v10 =	vld [tilespmem:s13+$0xFFFFFF30];
	v15 =	vmul.f32 v19, v18;
	v57 =	vmul.f32 v21, v20  }
0x243: {  	v12 =	vld [tilespmem:s2+$0xFFFFFF30];
	v58 =	vmul.f32 v23, v22;
	v59 =	vmul.f32 v25, v24  }
0x244: {  	v11 =	vld [tilespmem:s13+$0xFFFFFF40];
	v60 =	vmul.f32 v27, v26;
	v18 =	vmul.f32 v29, v28  }
0x245: {  	v16 =	vld [tilespmem:s2+$0xFFFFFF40];
	v21 =	vmul.f32 v33, v32;
	v22 =	vmul.f32 v31, v30  }
0x246: {  	v13 =	vld [tilespmem:s13+$0xFFFFFF50];
	v29 =	vmul.f32 v35, v34;
	v23 =	vmul.f32 v37, v36  }
0x247: {  	v19 =	vld [tilespmem:s2+$0xFFFFFF50];
	v27 =	vmul.f32 v39, v38;
	v28 =	vmul.f32 v41, v40  }
0x248: {  	v14 =	vld [tilespmem:s13+$0xFFFFFF60];
	v33 =	vmul.f32 v43, v42;
	v17 =	vmul.f32 v45, v44  }
0x249: {  	v6 =	vimm.f32 $0.0e+00;
	v24 =	vmul.f32 v49, v48;
	v25 =	vld [tilespmem:s2+$0xFFFFFF60];
	v26 =	vmul.f32 v47, v46  }
0x24a: {  	s17 =	simm.s32 $0x4;
	v30 =	vmul.f32 v51, v50;
	v20 =	vld [tilespmem:s13+$0xFFFFFF70];
	v34 =	vadd.f32 v15, v56;
	v15 =	vadd.f32 v53, v52  }
0x24b: {  	s15 =	smov.u32 s2;
	s16 =	smov.u32 s13;
	s14 =	simm.s32 $0x0;
	v31 =	vmul.f32 v55, v54;
	v32 =	vld [tilespmem:s2+$0xFFFFFF70];
	v35 =	vadd.f32 v58, v57;
	v36 =	vadd.f32 v60, v59  }
.LBB2_16:
0x24c: {  	p0 =	sne.s32 s17, $0xC;
	v12 =	vmul.f32 v12, v10;
	v21 =	vadd.f32 v29, v21;
	v10 =	vadd.f32 v22, v18;
	v18 =	vld [tilespmem:s15+$0xE0]  }
0x24d: {  	v16 =	vmul.f32 v16, v11;
	v22 =	vadd.f32 v27, v23;
	v23 =	vadd.f32 v33, v28;
	v27 =	vld [tilespmem:s16+$0xF0]  }
0x24e: {  	v19 =	vmul.f32 v19, v13;
	v13 =	vadd.f32 v35, v34;
	s16 =	sadd.s32 $0x200, s16;
	v28 =	vadd.f32 v10, v36;
	v29 =	vld [tilespmem:s15+$0xF0]  }
0x24f: {  	v24 =	vadd.f32 v30, v24;
	v17 =	vadd.f32 v26, v17;
	v14 =	vmul.f32 v25, v14;
	s15 =	sadd.s32 $0x200, s15;
	v10 =	vld [tilespmem:s16+$0x80]  }
0x250: {  	v25 =	vadd.f32 v12, v31;
	v11 =	vld [tilespmem:s15+$0x80];
	v20 =	vmul.f32 v32, v20;
	v26 =	vadd.f32 v28, v13  }
0x251: {  	v4 =	vmul.f32 v5, v4;
	v21 =	vadd.f32 v22, v21;
	v17 =	vadd.f32 v17, v23;
	v12 =	vld [tilespmem:s16+$0x90]  }
0x252: {  	v5 =	vadd.f32 v19, v16;
	v3 =	vmul.f32 v18, v3;
	v13 =	vld [tilespmem:s15+$0x90];
	v16 =	vadd.f32 v20, v14;
	(xrf2) =	vadd.scan.msk.f32 $0xffff, v26  }
0x253: {  	v8 =	vadd.f32 v9, v8;
	v17 =	vadd.f32 v17, v21;
	v14 =	vld [tilespmem:s16+$0xA0];
	v9 =	vmul.f32 v29, v27  }
0x254: {  	v19 =	vadd.f32 v25, v24;
	v18 =	vld [tilespmem:s15+$0xA0];
	v5 =	vadd.f32 v16, v5  }
0x255: {  	v4 =	vadd.f32 v4, v7;
	v16 =	vld [tilespmem:s16+$0xB0];
	v3 =	vadd.f32 v9, v3;
	(xrf2) =	vadd.scan.msk.f32 $0xffff, v17  }
0x256: {  	v7 =	vld [tilespmem:s15+$0xB0];
	v5 =	vadd.f32 v5, v19  }
0x257: {  	v8 =	vadd.f32 v8, v15;
	v17 =	vld [tilespmem:s16+$0xC0];
	v3 =	vadd.f32 v3, v4  }
0x258: {  	v15 =	vld [tilespmem:s15+$0xC0];
	(xrf2) =	vadd.scan.msk.f32 $0xffff, v5  }
0x259: {  	v4 =	vld [tilespmem:s16+$0xD0];
	v9 =	vadd.f32 v3, v8  }
0x25a: {  	v5 =	vld [tilespmem:s15+$0xD0]  }
0x25b: {  	v3 =	vld [tilespmem:s16+$0xE0];
	(xrf2) =	vadd.scan.msk.f32 $0xffff, v9  }
0x25c: {  	v19 =	vld [tilespmem:s16+$0x0];
	v8, _, _ =	vpop (xrf2)  }
0x25d: {  	v20 =	vld [tilespmem:s15+$0x0]  }
0x25e: {  	v21 =	vld [tilespmem:s16+$0x10]  }
0x25f: {  	v22 =	vld [tilespmem:s15+$0x10];
	v9, _, _ =	vpop (xrf2)  }
0x260: {  	v23 =	vld [tilespmem:s16+$0x20]  }
0x261: {  	v24 =	vld [tilespmem:s15+$0x20]  }
0x262: {  	s9 =	sadd.s32 $0x2, s14;
	s18 =	sadd.s32 $0x3, s14;
	v26 =	vmov s14;
	v25 =	vld [tilespmem:s16+$0x30];
	v27, _, _ =	vpop (xrf2)  }
0x263: {  	s19 =	sadd.s32 $0x1, s14;
	v30 =	vmov s18;
	s14 =	smov.u32 s17;
	v29 =	vmov s9;
	v28 =	vld [tilespmem:s15+$0x30];
	v27 =	vperm.xlane v27, v0  }
0x264: {  	v33 =	vmov s19;
	vm0 =	veq.s32 v26, v1;
	v9 =	vperm.xlane v9, v0;
	v31 =	vld [tilespmem:s16+$0x40]  }
0x265: {  	v8 =	vperm.xlane v8, v0;
	v32 =	vld [tilespmem:s15+$0x40];
	v6 =	vsel vm0, v27, v6;
	vm0 =	veq.s32 v33, v1;
	v26, _, _ =	vpop (xrf2)  }
0x266: {  	v27 =	vld [tilespmem:s16+$0x50];
	v6 =	vsel vm0, v9, v6;
	vm0 =	veq.s32 v29, v1;
	v9 =	vperm.xlane v26, v0  }
0x267: {  	v26 =	vld [tilespmem:s15+$0x50];
	v6 =	vsel vm0, v8, v6;
	vm0 =	veq.s32 v30, v1  }
0x268: {  	v29 =	vld [tilespmem:s16+$0x60];
	v6 =	vsel vm0, v9, v6  }
0x269: {  	v30 =	vld [tilespmem:s15+$0x60]  }
0x26a: {  	v33 =	vld [tilespmem:s16+$0x70]  }
0x26b: {  	v34 =	vld [tilespmem:s15+$0x70]  }
0x26c: {  	v35 =	vld [tilespmem:s16+$0xFFFFFF80]  }
0x26d: {  	v36 =	vld [tilespmem:s15+$0xFFFFFF80]  }
0x26e: {  	v37 =	vld [tilespmem:s16+$0xFFFFFF90]  }
0x26f: {  	v38 =	vld [tilespmem:s15+$0xFFFFFF90]  }
0x270: {  	v39 =	vld [tilespmem:s16+$0xFFFFFFA0]  }
0x271: {  	v40 =	vld [tilespmem:s15+$0xFFFFFFA0]  }
0x272: {  	v41 =	vld [tilespmem:s16+$0xFFFFFFB0]  }
0x273: {  	v42 =	vld [tilespmem:s15+$0xFFFFFFB0]  }
0x274: {  	v43 =	vld [tilespmem:s16+$0xFFFFFFC0]  }
0x275: {  	v44 =	vld [tilespmem:s15+$0xFFFFFFC0]  }
0x276: {  	v45 =	vld [tilespmem:s16+$0xFFFFFFD0]  }
0x277: {  	v46 =	vld [tilespmem:s15+$0xFFFFFFD0]  }
0x278: {  	v47 =	vld [tilespmem:s16+$0xFFFFFFE0]  }
0x279: {  	v48 =	vld [tilespmem:s15+$0xFFFFFFE0]  }
0x27a: {  	v49 =	vld [tilespmem:s16+$0xFFFFFFF0]  }
0x27b: {  	v50 =	vld [tilespmem:s15+$0xFFFFFFF0]  }
0x27c: {  	v51 =	vld [tilespmem:s16+$0xFFFFFF00]  }
0x27d: {  	v52 =	vld [tilespmem:s15+$0xFFFFFF00]  }
0x27e: {  	v53 =	vld [tilespmem:s16+$0xFFFFFF10]  }
0x27f: {  	v55 =	vmul.f32 v11, v10;
	v56 =	vmul.f32 v13, v12;
	v54 =	vld [tilespmem:s15+$0xFFFFFF10]  }
0x280: {  	v8 =	vmul.f32 v18, v14;
	v9 =	vmul.f32 v7, v16;
	v57 =	vld [tilespmem:s16+$0xFFFFFF20]  }
0x281: {  	v59 =	vmul.f32 v20, v19;
	v7 =	vmul.f32 v15, v17;
	v58 =	vld [tilespmem:s15+$0xFFFFFF20]  }
0x282: {  	v60 =	vmul.f32 v24, v23;
	v15 =	vmul.f32 v22, v21;
	v10 =	vld [tilespmem:s16+$0xFFFFFF30]  }
0x283: {  	v61 =	vmul.f32 v28, v25;
	v62 =	vmul.f32 v32, v31;
	v12 =	vld [tilespmem:s15+$0xFFFFFF30]  }
0x284: {  	v63 =	vmul.f32 v26, v27;
	v18 =	vmul.f32 v30, v29;
	v11 =	vld [tilespmem:s16+$0xFFFFFF40]  }
0x285: {  	v22 =	vmul.f32 v34, v33;
	v21 =	vmul.f32 v36, v35;
	v16 =	vld [tilespmem:s15+$0xFFFFFF40]  }
0x286: {  	v29 =	vmul.f32 v38, v37;
	v23 =	vmul.f32 v40, v39;
	v13 =	vld [tilespmem:s16+$0xFFFFFF50]  }
.Ltmp6:
0x287: {  	v27 =	vmul.f32 v42, v41;
	v28 =	vmul.f32 v44, v43;
	v19 =	vld [tilespmem:s15+$0xFFFFFF50];
	(pc) =	sbr.rel @p0 .LBB2_16-.Ltmp6, $4  }
0x288: {  	v33 =	vmul.f32 v46, v45;
	v17 =	vmul.f32 v48, v47;
	v14 =	vld [tilespmem:s16+$0xFFFFFF60]  }
0x289: {  	v26 =	vmul.f32 v50, v49;
	v24 =	vmul.f32 v52, v51;
	v25 =	vld [tilespmem:s15+$0xFFFFFF60]  }
0x28a: {  	v34 =	vadd.f32 v15, v59;
	v15 =	vadd.f32 v56, v55;
	v30 =	vmul.f32 v54, v53;
	v20 =	vld [tilespmem:s16+$0xFFFFFF70]  }
0x28b: {  	s17 =	sadd.s32 $0x4, s17;
	v35 =	vadd.f32 v61, v60;
	v36 =	vadd.f32 v63, v62;
	v31 =	vmul.f32 v58, v57;
	v32 =	vld [tilespmem:s15+$0xFFFFFF70]  }
0x28c: {  	v10 =	vmul.f32 v12, v10;
	v45 =	vadd.f32 v29, v21  }
0x28d: {  	v18 =	vadd.f32 v22, v18;
	v46 =	vld [tilespmem:s15+$0xE0];
	v11 =	vmul.f32 v16, v11;
	v47 =	vadd.f32 v27, v23  }
0x28e: {  	v48 =	vadd.f32 v33, v28;
	v49 =	vld [tilespmem:s16+$0xF0];
	v13 =	vmul.f32 v19, v13;
	v24 =	vadd.f32 v30, v24  }
0x28f: {  	v51 =	vld [tilespmem:s15+$0xF0];
	v17 =	vadd.f32 v26, v17;
	v4 =	vmul.f32 v5, v4;
	v8 =	vadd.f32 v9, v8  }
0x290: {  	v50 =	vadd.f32 v35, v34;
	v18 =	vadd.f32 v18, v36;
	v14 =	vmul.f32 v25, v14  }
0x291: {  	v10 =	vadd.f32 v10, v31;
	v12 =	vadd.f32 v47, v45;
	v20 =	vmul.f32 v32, v20  }
0x292: {  	v52 =	vadd.f32 v17, v48;
	v53 =	vadd.f32 v13, v11  }
0x293: {  	v4 =	vadd.f32 v4, v7;
	v54 =	vadd.f32 v20, v14  }
0x294: {  	v18 =	vadd.f32 v18, v50;
	v3 =	vmul.f32 v46, v3;
	v55 =	vmul.f32 v51, v49  }
0x295: {  	v10 =	vadd.f32 v10, v24;
	v5 =	vadd.f32 v54, v53  }
0x296: {  	v12 =	vadd.f32 v52, v12;
	v3 =	vadd.f32 v55, v3  }
0x297: {  	(xrf2) =	vadd.scan.msk.f32 $0xffff, v18;
	v5 =	vadd.f32 v5, v10  }
0x298: {  	v56 =	vadd.f32 v8, v15;
	(xrf2) =	vadd.scan.msk.f32 $0xffff, v12;
	v3 =	vadd.f32 v3, v4  }
0x299: {  	(xrf2) =	vadd.scan.msk.f32 $0xffff, v5  }
0x29a: {  	v3 =	vadd.f32 v3, v56;
	_ =	sdelay $0x1  }
0x29b: {  	(xrf2) =	vadd.scan.msk.f32 $0xffff, v3;
	_ =	sdelay $0x4  }
0x29c: {  	v3, _, _ =	vpop (xrf2)  }
0x29d: {  	v57, _, _ =	vpop (xrf2)  }
0x29e: {  	v58 =	vmov s14;
	s9 =	sadd.s32 $0x2, s14;
	s26 =	sadd.s32 $0x3, s14;
	v59, _, _ =	vpop (xrf2)  }
0x29f: {  	s30 =	sadd.s32 $0x1, s14;
	s31 =	sshll.u32 s0, $0x4;
	s0 =	sadd.s32 $0x1, s0;
	v60 =	vmov s9;
	v61 =	vmov s26;
	v7 =	vperm.xlane v59, v0  }
0x2a0: {  	vm0 =	veq.s32 v58, v1;
	v62 =	vmov s30;
	p0 =	sne.s32 s0, $0x5;
	v4 =	vperm.xlane v57, v0  }
.Ltmp7:
0x2a1: {  	vm13 =	veq.s32 v62, v1;
	v3 =	vperm.xlane v3, v0;
	v63, _, _ =	vpop (xrf2);
	v6 =	vsel vm0, v7, v6;
	(pc) =	sbr.rel @p0 .LBB2_15-.Ltmp7, $4  }
0x2a2: {  	vm14 =	veq.s32 v60, v1;
	v5 =	vperm.xlane v63, v0;
	v4 =	vsel vm13, v4, v6  }
0x2a3: {  	vm15 =	veq.s32 v61, v1;
	v3 =	vsel vm14, v3, v4  }
0x2a4: {  	s9 =	sand.u32 $0x3FFFFFF0, s31;
	v3 =	vsel vm15, v5, v3  }
0x2a5: {  	s2 =	sadd.s32 $0x800, s2;
	s13 =	sadd.s32 $0x800, s13;
	[tilespmem:v2+s9+$0x0 ss:$0x1] =	vst.idx.msk $0xffff, v3  }
0x2a6: {  	s29 =	sadd.s32 $0x1, s29  }
0x2a7: {  	p0 =	sne.s32 s29, $0x1F  }
.Ltmp8:
0x2a8: {  	_ = 	snop;
	(pc) =	sbr.rel @p0 .LBB2_2-.Ltmp8, $1  }
0x2a9: {  	_ =	sdelay $0x3  }
0x2aa: {  	_ =	swait.ge [sflag:s22], $0x2800  }
0x2ab: {  	[sflag:s22] =	ssyncset.done $0x0  }
0x2ac: {  	[sflag:s22] =	ssyncadd.s32 $0xFFFFD800  }
0x2ad: {  	_ =	swait.ge [sflag:s22], $0x2800  }
0x2ae: {  	s0 =	simm.s32 $0x0;
	[sflag:s22] =	ssyncset.done $0x0  }
0x2af: {  	s2 =	simm.s32 $0x9F80;
	s13 =	simm.s32 $0x7780;
	[sflag:s22] =	ssyncadd.s32 $0xFFFFD800  }
.LBB2_20:
0x2b0: {  	v5 =	vld [tilespmem:s13+$0x80]  }
0x2b1: {  	v6 =	vld [tilespmem:s2+$0x80]  }
0x2b2: {  	v7 =	vld [tilespmem:s13+$0x90]  }
0x2b3: {  	v8 =	vld [tilespmem:s2+$0x90]  }
0x2b4: {  	v9 =	vld [tilespmem:s13+$0xA0]  }
0x2b5: {  	v10 =	vld [tilespmem:s2+$0xA0]  }
0x2b6: {  	v11 =	vld [tilespmem:s13+$0xB0]  }
0x2b7: {  	v12 =	vld [tilespmem:s2+$0xB0]  }
0x2b8: {  	v13 =	vld [tilespmem:s13+$0xC0]  }
0x2b9: {  	v14 =	vld [tilespmem:s2+$0xC0]  }
0x2ba: {  	v3 =	vld [tilespmem:s13+$0xD0]  }
0x2bb: {  	v4 =	vld [tilespmem:s2+$0xD0]  }
0x2bc: {  	v2 =	vld [tilespmem:s13+$0xE0]  }
0x2bd: {  	v15 =	vld [tilespmem:s13+$0x0]  }
0x2be: {  	v16 =	vld [tilespmem:s2+$0x0]  }
0x2bf: {  	v17 =	vld [tilespmem:s13+$0x10]  }
0x2c0: {  	v18 =	vld [tilespmem:s2+$0x10]  }
0x2c1: {  	v19 =	vld [tilespmem:s13+$0x20]  }
0x2c2: {  	v20 =	vld [tilespmem:s2+$0x20]  }
0x2c3: {  	v21 =	vld [tilespmem:s13+$0x30]  }
0x2c4: {  	v22 =	vld [tilespmem:s2+$0x30]  }
0x2c5: {  	v23 =	vld [tilespmem:s13+$0x40]  }
0x2c6: {  	v24 =	vld [tilespmem:s2+$0x40]  }
0x2c7: {  	v25 =	vld [tilespmem:s13+$0x50]  }
0x2c8: {  	v26 =	vld [tilespmem:s2+$0x50]  }
0x2c9: {  	v27 =	vld [tilespmem:s13+$0x60]  }
0x2ca: {  	v28 =	vld [tilespmem:s2+$0x60]  }
0x2cb: {  	v29 =	vld [tilespmem:s13+$0x70]  }
0x2cc: {  	v30 =	vld [tilespmem:s2+$0x70]  }
0x2cd: {  	v31 =	vld [tilespmem:s13+$0xFFFFFF80]  }
0x2ce: {  	v32 =	vld [tilespmem:s2+$0xFFFFFF80]  }
0x2cf: {  	v33 =	vld [tilespmem:s13+$0xFFFFFF90]  }
0x2d0: {  	v34 =	vld [tilespmem:s2+$0xFFFFFF90]  }
0x2d1: {  	v35 =	vld [tilespmem:s13+$0xFFFFFFA0]  }
0x2d2: {  	v36 =	vld [tilespmem:s2+$0xFFFFFFA0]  }
0x2d3: {  	v37 =	vld [tilespmem:s13+$0xFFFFFFB0]  }
0x2d4: {  	v38 =	vld [tilespmem:s2+$0xFFFFFFB0]  }
0x2d5: {  	v39 =	vld [tilespmem:s13+$0xFFFFFFC0]  }
0x2d6: {  	v40 =	vld [tilespmem:s2+$0xFFFFFFC0]  }
0x2d7: {  	v41 =	vld [tilespmem:s13+$0xFFFFFFD0]  }
0x2d8: {  	v42 =	vld [tilespmem:s2+$0xFFFFFFD0]  }
0x2d9: {  	v43 =	vld [tilespmem:s13+$0xFFFFFFE0]  }
0x2da: {  	v44 =	vld [tilespmem:s2+$0xFFFFFFE0]  }
0x2db: {  	v45 =	vld [tilespmem:s13+$0xFFFFFFF0]  }
0x2dc: {  	v46 =	vld [tilespmem:s2+$0xFFFFFFF0]  }
0x2dd: {  	v47 =	vld [tilespmem:s13+$0xFFFFFF00]  }
0x2de: {  	v48 =	vld [tilespmem:s2+$0xFFFFFF00]  }
0x2df: {  	v49 =	vld [tilespmem:s13+$0xFFFFFF10]  }
0x2e0: {  	v50 =	vld [tilespmem:s2+$0xFFFFFF10];
	v51 =	vmul.f32 v6, v5;
	v52 =	vmul.f32 v8, v7  }
0x2e1: {  	v53 =	vld [tilespmem:s13+$0xFFFFFF20];
	v7 =	vmul.f32 v10, v9;
	v8 =	vmul.f32 v12, v11  }
0x2e2: {  	v54 =	vld [tilespmem:s2+$0xFFFFFF20];
	v55 =	vmul.f32 v16, v15;
	v6 =	vmul.f32 v14, v13  }
0x2e3: {  	v9 =	vld [tilespmem:s13+$0xFFFFFF30];
	v14 =	vmul.f32 v18, v17;
	v56 =	vmul.f32 v20, v19  }
0x2e4: {  	v11 =	vld [tilespmem:s2+$0xFFFFFF30];
	v57 =	vmul.f32 v22, v21;
	v58 =	vmul.f32 v24, v23  }
0x2e5: {  	v10 =	vld [tilespmem:s13+$0xFFFFFF40];
	v59 =	vmul.f32 v26, v25;
	v17 =	vmul.f32 v28, v27  }
0x2e6: {  	v15 =	vld [tilespmem:s2+$0xFFFFFF40];
	v20 =	vmul.f32 v32, v31;
	v21 =	vmul.f32 v30, v29  }
0x2e7: {  	v12 =	vld [tilespmem:s13+$0xFFFFFF50];
	v28 =	vmul.f32 v34, v33;
	v22 =	vmul.f32 v36, v35  }
0x2e8: {  	v18 =	vld [tilespmem:s2+$0xFFFFFF50];
	v26 =	vmul.f32 v38, v37;
	v27 =	vmul.f32 v40, v39  }
0x2e9: {  	v13 =	vld [tilespmem:s13+$0xFFFFFF60];
	v32 =	vmul.f32 v42, v41;
	v16 =	vmul.f32 v44, v43  }
0x2ea: {  	v5 =	vimm.f32 $0.0e+00;
	v23 =	vmul.f32 v48, v47;
	v24 =	vld [tilespmem:s2+$0xFFFFFF60];
	v25 =	vmul.f32 v46, v45  }
0x2eb: {  	s17 =	simm.s32 $0x4;
	v29 =	vmul.f32 v50, v49;
	v19 =	vld [tilespmem:s13+$0xFFFFFF70];
	v33 =	vadd.f32 v14, v55;
	v14 =	vadd.f32 v52, v51  }
0x2ec: {  	s15 =	smov.u32 s2;
	s16 =	smov.u32 s13;
	s14 =	simm.s32 $0x0;
	v30 =	vmul.f32 v54, v53;
	v31 =	vld [tilespmem:s2+$0xFFFFFF70];
	v34 =	vadd.f32 v57, v56;
	v35 =	vadd.f32 v59, v58  }
.LBB2_21:
0x2ed: {  	p0 =	sne.s32 s17, $0xC;
	v11 =	vmul.f32 v11, v9;
	v20 =	vadd.f32 v28, v20;
	v9 =	vadd.f32 v21, v17;
	v17 =	vld [tilespmem:s15+$0xE0]  }
0x2ee: {  	v15 =	vmul.f32 v15, v10;
	v21 =	vadd.f32 v26, v22;
	v22 =	vadd.f32 v32, v27;
	v26 =	vld [tilespmem:s16+$0xF0]  }
0x2ef: {  	v18 =	vmul.f32 v18, v12;
	v12 =	vadd.f32 v34, v33;
	s16 =	sadd.s32 $0x200, s16;
	v27 =	vadd.f32 v9, v35;
	v28 =	vld [tilespmem:s15+$0xF0]  }
0x2f0: {  	v23 =	vadd.f32 v29, v23;
	v16 =	vadd.f32 v25, v16;
	v13 =	vmul.f32 v24, v13;
	s15 =	sadd.s32 $0x200, s15;
	v9 =	vld [tilespmem:s16+$0x80]  }
0x2f1: {  	v24 =	vadd.f32 v11, v30;
	v10 =	vld [tilespmem:s15+$0x80];
	v19 =	vmul.f32 v31, v19;
	v25 =	vadd.f32 v27, v12  }
0x2f2: {  	v3 =	vmul.f32 v4, v3;
	v20 =	vadd.f32 v21, v20;
	v16 =	vadd.f32 v16, v22;
	v11 =	vld [tilespmem:s16+$0x90]  }
0x2f3: {  	v4 =	vadd.f32 v18, v15;
	v2 =	vmul.f32 v17, v2;
	v12 =	vld [tilespmem:s15+$0x90];
	v15 =	vadd.f32 v19, v13;
	(xrf2) =	vadd.scan.msk.f32 $0xffff, v25  }
0x2f4: {  	v7 =	vadd.f32 v8, v7;
	v16 =	vadd.f32 v16, v20;
	v13 =	vld [tilespmem:s16+$0xA0];
	v8 =	vmul.f32 v28, v26  }
0x2f5: {  	v18 =	vadd.f32 v24, v23;
	v17 =	vld [tilespmem:s15+$0xA0];
	v4 =	vadd.f32 v15, v4  }
0x2f6: {  	v3 =	vadd.f32 v3, v6;
	v15 =	vld [tilespmem:s16+$0xB0];
	v2 =	vadd.f32 v8, v2;
	(xrf2) =	vadd.scan.msk.f32 $0xffff, v16  }
0x2f7: {  	v6 =	vld [tilespmem:s15+$0xB0];
	v4 =	vadd.f32 v4, v18  }
0x2f8: {  	v7 =	vadd.f32 v7, v14;
	v16 =	vld [tilespmem:s16+$0xC0];
	v2 =	vadd.f32 v2, v3  }
0x2f9: {  	v14 =	vld [tilespmem:s15+$0xC0];
	(xrf2) =	vadd.scan.msk.f32 $0xffff, v4  }
0x2fa: {  	v3 =	vld [tilespmem:s16+$0xD0];
	v8 =	vadd.f32 v2, v7  }
0x2fb: {  	v4 =	vld [tilespmem:s15+$0xD0]  }
0x2fc: {  	v2 =	vld [tilespmem:s16+$0xE0];
	(xrf2) =	vadd.scan.msk.f32 $0xffff, v8  }
0x2fd: {  	v18 =	vld [tilespmem:s16+$0x0];
	v7, _, _ =	vpop (xrf2)  }
0x2fe: {  	v19 =	vld [tilespmem:s15+$0x0]  }
0x2ff: {  	v20 =	vld [tilespmem:s16+$0x10]  }
0x300: {  	v21 =	vld [tilespmem:s15+$0x10];
	v8, _, _ =	vpop (xrf2)  }
0x301: {  	v22 =	vld [tilespmem:s16+$0x20]  }
0x302: {  	v23 =	vld [tilespmem:s15+$0x20]  }
0x303: {  	s9 =	sadd.s32 $0x2, s14;
	s18 =	sadd.s32 $0x3, s14;
	v25 =	vmov s14;
	v24 =	vld [tilespmem:s16+$0x30];
	v26, _, _ =	vpop (xrf2)  }
0x304: {  	s19 =	sadd.s32 $0x1, s14;
	v29 =	vmov s18;
	s14 =	smov.u32 s17;
	v28 =	vmov s9;
	v27 =	vld [tilespmem:s15+$0x30];
	v26 =	vperm.xlane v26, v0  }
0x305: {  	v32 =	vmov s19;
	vm0 =	veq.s32 v25, v1;
	v8 =	vperm.xlane v8, v0;
	v30 =	vld [tilespmem:s16+$0x40]  }
0x306: {  	v7 =	vperm.xlane v7, v0;
	v31 =	vld [tilespmem:s15+$0x40];
	v5 =	vsel vm0, v26, v5;
	vm0 =	veq.s32 v32, v1;
	v25, _, _ =	vpop (xrf2)  }
0x307: {  	v26 =	vld [tilespmem:s16+$0x50];
	v5 =	vsel vm0, v8, v5;
	vm0 =	veq.s32 v28, v1;
	v8 =	vperm.xlane v25, v0  }
0x308: {  	v25 =	vld [tilespmem:s15+$0x50];
	v5 =	vsel vm0, v7, v5;
	vm0 =	veq.s32 v29, v1  }
0x309: {  	v28 =	vld [tilespmem:s16+$0x60];
	v5 =	vsel vm0, v8, v5  }
0x30a: {  	v29 =	vld [tilespmem:s15+$0x60]  }
0x30b: {  	v32 =	vld [tilespmem:s16+$0x70]  }
0x30c: {  	v33 =	vld [tilespmem:s15+$0x70]  }
0x30d: {  	v34 =	vld [tilespmem:s16+$0xFFFFFF80]  }
0x30e: {  	v35 =	vld [tilespmem:s15+$0xFFFFFF80]  }
0x30f: {  	v36 =	vld [tilespmem:s16+$0xFFFFFF90]  }
0x310: {  	v37 =	vld [tilespmem:s15+$0xFFFFFF90]  }
0x311: {  	v38 =	vld [tilespmem:s16+$0xFFFFFFA0]  }
0x312: {  	v39 =	vld [tilespmem:s15+$0xFFFFFFA0]  }
0x313: {  	v40 =	vld [tilespmem:s16+$0xFFFFFFB0]  }
0x314: {  	v41 =	vld [tilespmem:s15+$0xFFFFFFB0]  }
0x315: {  	v42 =	vld [tilespmem:s16+$0xFFFFFFC0]  }
0x316: {  	v43 =	vld [tilespmem:s15+$0xFFFFFFC0]  }
0x317: {  	v44 =	vld [tilespmem:s16+$0xFFFFFFD0]  }
0x318: {  	v45 =	vld [tilespmem:s15+$0xFFFFFFD0]  }
0x319: {  	v46 =	vld [tilespmem:s16+$0xFFFFFFE0]  }
0x31a: {  	v47 =	vld [tilespmem:s15+$0xFFFFFFE0]  }
0x31b: {  	v48 =	vld [tilespmem:s16+$0xFFFFFFF0]  }
0x31c: {  	v49 =	vld [tilespmem:s15+$0xFFFFFFF0]  }
0x31d: {  	v50 =	vld [tilespmem:s16+$0xFFFFFF00]  }
0x31e: {  	v51 =	vld [tilespmem:s15+$0xFFFFFF00]  }
0x31f: {  	v52 =	vld [tilespmem:s16+$0xFFFFFF10]  }
0x320: {  	v54 =	vmul.f32 v10, v9;
	v55 =	vmul.f32 v12, v11;
	v53 =	vld [tilespmem:s15+$0xFFFFFF10]  }
0x321: {  	v7 =	vmul.f32 v17, v13;
	v8 =	vmul.f32 v6, v15;
	v56 =	vld [tilespmem:s16+$0xFFFFFF20]  }
0x322: {  	v58 =	vmul.f32 v19, v18;
	v6 =	vmul.f32 v14, v16;
	v57 =	vld [tilespmem:s15+$0xFFFFFF20]  }
0x323: {  	v59 =	vmul.f32 v23, v22;
	v14 =	vmul.f32 v21, v20;
	v9 =	vld [tilespmem:s16+$0xFFFFFF30]  }
0x324: {  	v60 =	vmul.f32 v27, v24;
	v61 =	vmul.f32 v31, v30;
	v11 =	vld [tilespmem:s15+$0xFFFFFF30]  }
0x325: {  	v62 =	vmul.f32 v25, v26;
	v17 =	vmul.f32 v29, v28;
	v10 =	vld [tilespmem:s16+$0xFFFFFF40]  }
0x326: {  	v21 =	vmul.f32 v33, v32;
	v20 =	vmul.f32 v35, v34;
	v15 =	vld [tilespmem:s15+$0xFFFFFF40]  }
0x327: {  	v28 =	vmul.f32 v37, v36;
	v22 =	vmul.f32 v39, v38;
	v12 =	vld [tilespmem:s16+$0xFFFFFF50]  }
.Ltmp9:
0x328: {  	v26 =	vmul.f32 v41, v40;
	v27 =	vmul.f32 v43, v42;
	v18 =	vld [tilespmem:s15+$0xFFFFFF50];
	(pc) =	sbr.rel @p0 .LBB2_21-.Ltmp9, $4  }
0x329: {  	v32 =	vmul.f32 v45, v44;
	v16 =	vmul.f32 v47, v46;
	v13 =	vld [tilespmem:s16+$0xFFFFFF60]  }
0x32a: {  	v25 =	vmul.f32 v49, v48;
	v23 =	vmul.f32 v51, v50;
	v24 =	vld [tilespmem:s15+$0xFFFFFF60]  }
0x32b: {  	v33 =	vadd.f32 v14, v58;
	v14 =	vadd.f32 v55, v54;
	v29 =	vmul.f32 v53, v52;
	v19 =	vld [tilespmem:s16+$0xFFFFFF70]  }
0x32c: {  	s17 =	sadd.s32 $0x4, s17;
	v34 =	vadd.f32 v60, v59;
	v35 =	vadd.f32 v62, v61;
	v30 =	vmul.f32 v57, v56;
	v31 =	vld [tilespmem:s15+$0xFFFFFF70]  }
0x32d: {  	v9 =	vmul.f32 v11, v9;
	v46 =	vadd.f32 v28, v20  }
0x32e: {  	v17 =	vadd.f32 v21, v17;
	v47 =	vld [tilespmem:s15+$0xE0];
	v10 =	vmul.f32 v15, v10;
	v48 =	vadd.f32 v26, v22  }
0x32f: {  	v49 =	vadd.f32 v32, v27;
	v50 =	vld [tilespmem:s16+$0xF0];
	v12 =	vmul.f32 v18, v12;
	v23 =	vadd.f32 v29, v23  }
0x330: {  	v52 =	vld [tilespmem:s15+$0xF0];
	v16 =	vadd.f32 v25, v16;
	v3 =	vmul.f32 v4, v3;
	v7 =	vadd.f32 v8, v7  }
0x331: {  	v51 =	vadd.f32 v34, v33;
	v17 =	vadd.f32 v17, v35;
	v13 =	vmul.f32 v24, v13  }
0x332: {  	v9 =	vadd.f32 v9, v30;
	v11 =	vadd.f32 v48, v46;
	v19 =	vmul.f32 v31, v19  }
0x333: {  	v53 =	vadd.f32 v16, v49;
	v54 =	vadd.f32 v12, v10  }
0x334: {  	v3 =	vadd.f32 v3, v6;
	v55 =	vadd.f32 v19, v13  }
0x335: {  	v17 =	vadd.f32 v17, v51;
	v2 =	vmul.f32 v47, v2;
	v56 =	vmul.f32 v52, v50  }
0x336: {  	v9 =	vadd.f32 v9, v23;
	v4 =	vadd.f32 v55, v54  }
0x337: {  	v11 =	vadd.f32 v53, v11;
	v2 =	vadd.f32 v56, v2  }
0x338: {  	(xrf2) =	vadd.scan.msk.f32 $0xffff, v17;
	v4 =	vadd.f32 v4, v9  }
0x339: {  	v57 =	vadd.f32 v7, v14;
	(xrf2) =	vadd.scan.msk.f32 $0xffff, v11;
	v2 =	vadd.f32 v2, v3  }
0x33a: {  	(xrf2) =	vadd.scan.msk.f32 $0xffff, v4  }
0x33b: {  	v2 =	vadd.f32 v2, v57;
	_ =	sdelay $0x1  }
0x33c: {  	(xrf2) =	vadd.scan.msk.f32 $0xffff, v2;
	_ =	sdelay $0x4  }
0x33d: {  	v2, _, _ =	vpop (xrf2)  }
0x33e: {  	v3, _, _ =	vpop (xrf2)  }
0x33f: {  	v58 =	vmov s14;
	s9 =	sadd.s32 $0x2, s14;
	s29 =	sadd.s32 $0x3, s14;
	v59, _, _ =	vpop (xrf2)  }
0x340: {  	s30 =	sadd.s32 $0x1, s14;
	s31 =	sshll.u32 s0, $0x4;
	s0 =	sadd.s32 $0x1, s0;
	v60 =	vmov s9;
	v61 =	vmov s29;
	v6 =	vperm.xlane v59, v0  }
0x341: {  	vm0 =	veq.s32 v58, v1;
	v62 =	vmov s30;
	p0 =	sne.s32 s0, $0x5;
	v3 =	vperm.xlane v3, v0  }
.Ltmp10:
0x342: {  	vm13 =	veq.s32 v62, v1;
	v2 =	vperm.xlane v2, v0;
	v63, _, _ =	vpop (xrf2);
	v5 =	vsel vm0, v6, v5;
	(pc) =	sbr.rel @p0 .LBB2_20-.Ltmp10, $4  }
0x343: {  	vm14 =	veq.s32 v60, v1;
	v4 =	vperm.xlane v63, v0;
	v3 =	vsel vm13, v3, v5  }
0x344: {  	vm15 =	veq.s32 v61, v1;
	v2 =	vsel vm14, v2, v3  }
0x345: {  	s9 =	sand.u32 $0x3FFFFFF0, s31;
	v2 =	vsel vm15, v4, v2  }
0x346: {  	s2 =	sadd.s32 $0x800, s2;
	s13 =	sadd.s32 $0x800, s13;
	[tilespmem:s9+$0x75C0] =	vst v2  }
0x347: {  	s28 =	sadd.s32 $0x1, s28  }
0x348: {  	p0 =	sne.s32 s28, s7  }
.Ltmp11:
0x349: {  	s0 =	simm.s32 $0x4F00;
	(pc) =	sbr.rel @p0 .LBB2_1-.Ltmp11, $4  }
0x34a: {  	[hbm4b:s6+s3] =	stream.linear.scatter [tilespmem:s0], [sflag:$0x5], $0x2710, $0x38;
	[tilespmem:$0x1B680] =	vst v63  }
0x34b: {  	_ =	swait.ge [sflag:s8], $0x2710  }
0x34c: {  	[sflag:s8] =	ssyncset.done $0x0  }
0x34d: {  	[sflag:s8] =	ssyncadd.s32 $0xFFFFD8F0  }
0x34e: {  	_ =	sfence.sel $0x180000  }
0x34f: {  	[bflag:$0x0] =	sbarrier.arrive $0xFFFF  }
0x350: {  	_ =	strace $0x90000047  }
0x351: {  	s0 =	stileid.u32;
	[bflag:$0x2] =	sbarrier.arrive $0xFFFF  }
0x352: {  	p0 =	sne.s32 s0, $0x0;
	s0 =	rddreg [dreg:$0x3]  }
0x353: {  	s0 =	sadd.s32 @!p0 $0x100000, s0  }
0x354: {  	[sflag:s0] =	ssyncadd.tile.s32 @!p0 $0x1;
	_ =	shalt  }
.Lfunc_end2:
_tile_overlayer_lowered:
.L_overlay_start_2:
0x355: {  	(tag) =	ssettag $0x2  }
0x356: {  	s0 =	rddreg [dreg:$0x0];
	s2 =	stileid.u32  }
0x357: {  	s1 =	rddreg [dreg:$0x1];
	p0 =	sne.s32 s2, $0x0  }
0x358: {  	s3 =	rddreg [dreg:$0x2];
	[bflag:$0x3] =	sbarrier.arrive $0xFFFF;
	s2 =	simm.s32 @!p0 $0x1C05  }
0x359: {  	[timem:s3], [sflag:s2] =	dma.local @!p0 [hbm:s0], s1  }
0x35a: {  	s0 =	simm.s32 @!p0 $0x5  }
0x35b: {  	_ =	swait.ge @!p0 [sflag:s0], s1  }
0x35c: {  	s1 =	ssub.s32 @!p0 $0x0, s1;
	[sflag:s0] =	ssyncset.done @!p0 $0x0  }
0x35d: {  	[sflag:s0] =	ssyncadd.s32 @!p0 s1  }
0x35e: {  	[bflag:$0x3] =	sbarrier.arrive $0xFFFF  }
0x35f: {  	_ =	shalt  }

</sc_bundles>
